<compile_context>
chip_gen: v7x
topology: tpu7x:2x2x1
jax: 0.10.2.dev20260603
libtpu: 0.0.44.dev20260713+nightly
codegen_flags: <defaults>
</compile_context>

<pallas_src>
import functools

import jax
import jax.numpy as jnp
from jax import lax
from jax.experimental import pallas as pl
from jax.experimental.pallas import tpu as pltpu
from jax.experimental.pallas import tpu_sc as plsc

N = 10000
E = 320000
DH = 128
DO = 64
G = 64
NC = 2
NS = 16
NPAD = 10240
RT = NPAD // NS

CHUNK = 128
RING = 54
UD = 3
CT = UD * RING
EP = CT * CHUNK * NS

CHUNKC = 84
QC = 42
QT = 6
CTC = QT * QC
EPC = CTC * CHUNKC * NS

_mesh = plsc.VectorSubcoreMesh(core_axis_name="c", subcore_axis_name="s")



@functools.partial(
    pl.kernel,
    out_type=jax.ShapeDtypeStruct((NC * NPAD,), jnp.float32),
    mesh=_mesh,
    scratch_types=[
        pltpu.VMEM((RING, CHUNK), jnp.int32),
        pltpu.VMEM((CHUNK,), jnp.float32),
        pltpu.VMEM((640,), jnp.float32),
        pltpu.VMEM_SHARED((NPAD,), jnp.float32),
        pltpu.SemaphoreType.DMA,
    ],
)
def _deg_kernel(dst_hbm, out_hbm, idx_v, ones_v, zeros_v, acc_sh, sem):
    c = lax.axis_index("c")
    s = lax.axis_index("s")
    for i in range(CHUNK // 16):
        ones_v[pl.ds(i * 16, 16)] = jnp.ones((16,), jnp.float32)

    def zstep(i, _):
        zeros_v[pl.ds(i * 16, 16)] = jnp.zeros((16,), jnp.float32)
        return 0

    lax.fori_loop(0, 640 // 16, zstep, 0)
    pltpu.sync_copy(zeros_v.at[pl.ds(0, RT)], acc_sh.at[pl.ds(s * RT, RT)])
    plsc.subcore_barrier()

    def staging(u, _):
        pltpu.sync_copy(dst_hbm.at[c, s, u], idx_v)

        def group(i, _):
            j = 6 * i
            ds = [pltpu.async_copy(ones_v, acc_sh.at[idx_v.at[j + k]],
                                   sem, add=True) for k in range(6)]
            for d in ds:
                d.wait()
            return 0

        lax.fori_loop(0, RING // 6, group, 0)
        return 0

    lax.fori_loop(0, UD, staging, 0)
    plsc.subcore_barrier()
    pltpu.sync_copy(acc_sh.at[pl.ds(s * RT, RT)],
                    out_hbm.at[pl.ds(c * NPAD + s * RT, RT)])


@functools.partial(
    pl.kernel,
    out_type=jax.ShapeDtypeStruct((NC, NPAD, DH), jnp.float32),
    mesh=_mesh,
    scratch_types=[
        pltpu.VMEM((QC, CHUNKC), jnp.int32),
        pltpu.VMEM((QC, CHUNKC), jnp.int32),
        pltpu.VMEM((CHUNKC, DH), jnp.float32),
        pltpu.VMEM((CHUNKC, DH), jnp.float32),
        pltpu.VMEM((CHUNKC, DH), jnp.float32),
        pltpu.VMEM_SHARED((NPAD, DH), jnp.float32),
        pltpu.SemaphoreType.DMA,
        pltpu.SemaphoreType.DMA,
        pltpu.SemaphoreType.DMA,
        pltpu.SemaphoreType.DMA,
        pltpu.SemaphoreType.DMA,
        pltpu.SemaphoreType.DMA,
    ],
)
def _conv_kernel(xws_hbm, sd_hbm, out_hbm,
                 srcv, dstv, rb0, rb1, rb2, acc_sh,
                 g0, g1, g2, s0, s1, s2):
    c = lax.axis_index("c")
    s = lax.axis_index("s")
    bufs = (rb0, rb1, rb2)
    gs = (g0, g1, g2)
    ss = (s0, s1, s2)

    def zrow(j, _):
        for k in range(DH // 16):
            rb0[j, pl.ds(k * 16, 16)] = jnp.zeros((16,), jnp.float32)
        return 0

    lax.fori_loop(0, CHUNKC, zrow, 0)
    for t in range(7):
        pltpu.sync_copy(rb0, acc_sh.at[pl.ds(s * RT + t * CHUNKC, CHUNKC)])
    pltpu.sync_copy(rb0.at[pl.ds(0, 52)],
                    acc_sh.at[pl.ds(s * RT + 7 * CHUNKC, 52)])
    plsc.subcore_barrier()

    def staging(q, _):
        pltpu.sync_copy(sd_hbm.at[c, s, q, 0], srcv)
        pltpu.sync_copy(sd_hbm.at[c, s, q, 1], dstv)
        pltpu.async_copy(xws_hbm.at[c].at[srcv.at[0]], rb0, g0)
        pltpu.async_copy(xws_hbm.at[c].at[srcv.at[1]], rb1, g1)

        def body(i, _):
            j = 3 * i
            for k in range(3):
                m = j + k
                B = k
                P = (k + 2) % 3
                @pl.when(m > 0)
                def _():
                    pltpu.make_async_copy(
                        bufs[P], acc_sh.at[dstv.at[m - 1]], ss[P]).wait()

                @pl.when(m + 2 < QC)
                def _():
                    pltpu.async_copy(
                        xws_hbm.at[c].at[srcv.at[m + 2]], bufs[P], gs[P])

                pltpu.make_async_copy(
                    xws_hbm.at[c].at[srcv.at[m]], bufs[B], gs[B]).wait()
                pltpu.async_copy(bufs[B], acc_sh.at[dstv.at[m]],
                                 ss[B], add=True)
            return 0

        lax.fori_loop(0, QC // 3, body, 0)
        pltpu.make_async_copy(bufs[2], acc_sh.at[dstv.at[QC - 1]],
                              ss[2]).wait()
        return 0

    lax.fori_loop(0, QT, staging, 0)
    plsc.subcore_barrier()
    pltpu.sync_copy(acc_sh.at[pl.ds(s * RT, RT)],
                    out_hbm.at[c, pl.ds(s * RT, RT)])



def _mm1_body(x1_ref, x2_ref, w_ref, degp_ref, xws_ref, dinv_ref):
    for b, x_ref in enumerate((x1_ref, x2_ref)):
        deg = degp_ref[b]
        dinv = jnp.where(deg > 0, lax.rsqrt(deg), 0.0)
        dinv_ref[b] = dinv
        xw = jnp.dot(x_ref[...], w_ref[...],
                     preferred_element_type=jnp.float32)
        xws_ref[b] = xw * dinv[:N][:, None]


def _mm1(x1, x2, w, degp):
    return pl.pallas_call(
        _mm1_body,
        out_shape=(jax.ShapeDtypeStruct((NC, N, DH), jnp.float32),
                   jax.ShapeDtypeStruct((NC, NPAD), jnp.float32)),
    )(x1, x2, w, degp)


def _mm2_body(p_ref, dinv_ref, b_ref, w_ref, xws_ref):
    for b in range(2):
        dinv = dinv_ref[b, :N][:, None]
        h = p_ref[b, :N, :] * dinv + b_ref[...]
        xws_ref[b] = jnp.dot(h, w_ref[...],
                             preferred_element_type=jnp.float32) * dinv


def _mm2(p, dinv, bias, w):
    return pl.pallas_call(
        _mm2_body,
        out_shape=jax.ShapeDtypeStruct((NC, N, DH), jnp.float32),
    )(p, dinv, bias, w)


def _head_body(q_ref, dinv_ref, batch1_ref, batch2_ref,
               b2_ref, lw_ref, lb_ref, fw_ref, fb_ref, out_ref):
    def branch(b, batch_ref):
        dinv = dinv_ref[b, :N][:, None]
        h = q_ref[b, :N, :] * dinv + b2_ref[...]
        gids = lax.broadcasted_iota(jnp.int32, (G, N), 0)
        oh = (batch_ref[...][None, :] == gids).astype(jnp.float32)
        sums = jnp.dot(oh, h, preferred_element_type=jnp.float32)
        cnt = jnp.sum(oh, axis=1)
        pooled = sums / jnp.maximum(cnt, 1.0)[:, None]
        a = jnp.maximum(pooled, 0.0)
        a = jnp.maximum(
            jnp.dot(a, lw_ref[...], preferred_element_type=jnp.float32)
            + lb_ref[...], 0.0)
        return (jnp.dot(a, fw_ref[...], preferred_element_type=jnp.float32)
                + fb_ref[...])

    z1 = branch(0, batch1_ref)
    z2 = branch(1, batch2_ref)
    diff = z1 - z2 + 1e-6
    out_ref[...] = jnp.sqrt(jnp.sum(diff * diff, axis=1))


def _head(q, dinv, batch1, batch2, b2, lw, lb, fw, fb):
    return pl.pallas_call(
        _head_body,
        out_shape=jax.ShapeDtypeStruct((G,), jnp.float32),
    )(q, dinv, batch1, batch2, b2, lw, lb, fw, fb)



def _pad_edges_deg(ei):
    npad = EP - E - N
    loop = jnp.arange(N, dtype=jnp.int32)
    pad_dst = N + jnp.arange(npad, dtype=jnp.int32) % (NPAD - N)
    return jnp.concatenate([ei[1], loop, pad_dst]).reshape(NS, UD, RING, CHUNK)


def _pad_edges_conv(ei):
    npad = EPC - E - N
    loop = jnp.arange(N, dtype=jnp.int32)
    pad_src = jnp.arange(npad, dtype=jnp.int32) % N
    pad_dst = N + jnp.arange(npad, dtype=jnp.int32) % (NPAD - N)
    src = jnp.concatenate([ei[0], loop, pad_src]).reshape(
        NS, QT, 1, QC, CHUNKC)
    dst = jnp.concatenate([ei[1], loop, pad_dst]).reshape(
        NS, QT, 1, QC, CHUNKC)
    return jnp.concatenate([src, dst], axis=2)


def kernel(x1, edge_index1, batch1, x2, edge_index2, batch2,
           W1, b1, W2, b2, lin1_W, lin1_b, fin_W, fin_b):
    sd = jnp.stack([_pad_edges_conv(edge_index1),
                    _pad_edges_conv(edge_index2)])
    degp = _deg_kernel(jnp.stack([_pad_edges_deg(edge_index1),
                                  _pad_edges_deg(edge_index2)])
                       ).reshape(NC, NPAD)
    xws, dinv = _mm1(x1, x2, W1, degp)
    p = _conv_kernel(xws, sd)
    xws2 = _mm2(p, dinv, b1, W2)
    q = _conv_kernel(xws2, sd)
    return _head(q, dinv, batch1, batch2, b2, lin1_W, lin1_b, fin_W, fin_b)

# --- scband reference (transcript-rebuilt; emitter-appended) ---
"""Pipeline reference for scband-gcn-k-m-41085657153653 (READ-ONLY COPY).

The authoritative reference and input builder live on the scoring server;
editing this copy changes nothing except your own understanding.
"""

import jax, jax.numpy as jnp
import numpy as np

N_NODES = 10000
N_EDGES = 320000
D_IN = 128
D_HID = 128
D_OUT = 64
NUM_GRAPHS = 64


def gcn_conv(x, edge_index, W, b, num_nodes):
    # Faithful to torch_geometric GCNConv (add_self_loops=True, normalize=True, bias=True)
    loop = jnp.arange(num_nodes, dtype=edge_index.dtype)
    src = jnp.concatenate([edge_index[0], loop])
    dst = jnp.concatenate([edge_index[1], loop])
    ones = jnp.ones(src.shape[0], dtype=x.dtype)
    deg = jax.ops.segment_sum(ones, dst, num_segments=num_nodes)
    dinv = jnp.where(deg > 0, 1.0 / jnp.sqrt(deg), 0.0)
    norm = dinv[src] * dinv[dst]
    xw = x @ W  # lin has no bias in GCNConv; bias added after aggregation
    msg = xw[src] * norm[:, None]
    out = jax.ops.segment_sum(msg, dst, num_segments=num_nodes)
    return out + b


def global_mean_pool(x, batch, num_graphs):
    sums = jax.ops.segment_sum(x, batch, num_segments=num_graphs)
    cnt = jax.ops.segment_sum(jnp.ones(x.shape[0], dtype=x.dtype), batch, num_segments=num_graphs)
    return sums / jnp.maximum(cnt, 1.0)[:, None]


def setup_inputs(seed: int = 0) -> dict:
    key = jax.random.key(seed)
    ks = jax.random.split(key, 16)
    x1 = jax.random.normal(ks[0], (N_NODES, D_IN), dtype=jnp.float32)
    edge_index1 = jax.random.randint(ks[1], (2, N_EDGES), 0, N_NODES, dtype=jnp.int64) if jax.config.jax_enable_x64 else jax.random.randint(ks[1], (2, N_EDGES), 0, N_NODES).astype(jnp.int32)
    batch1 = jnp.sort(jax.random.randint(ks[2], (N_NODES,), 0, NUM_GRAPHS)).astype(jnp.int32)
    x2 = jax.random.normal(ks[3], (N_NODES, D_IN), dtype=jnp.float32)
    edge_index2 = jax.random.randint(ks[4], (2, N_EDGES), 0, N_NODES).astype(jnp.int32)
    edge_index1 = edge_index1.astype(jnp.int32)
    batch2 = jnp.sort(jax.random.randint(ks[5], (N_NODES,), 0, NUM_GRAPHS)).astype(jnp.int32)
    s = 1.0 / np.sqrt(D_IN)
    W1 = jax.random.uniform(ks[6], (D_IN, D_HID), minval=-s, maxval=s, dtype=jnp.float32)
    b1 = jnp.zeros((D_HID,), dtype=jnp.float32)
    s2 = 1.0 / np.sqrt(D_HID)
    W2 = jax.random.uniform(ks[7], (D_HID, D_HID), minval=-s2, maxval=s2, dtype=jnp.float32)
    b2 = jnp.zeros((D_HID,), dtype=jnp.float32)
    lin1_W = jax.random.uniform(ks[8], (D_HID, D_HID), minval=-s2, maxval=s2, dtype=jnp.float32)
    lin1_b = jax.random.uniform(ks[9], (D_HID,), minval=-s2, maxval=s2, dtype=jnp.float32)
    fin_W = jax.random.uniform(ks[10], (D_HID, D_OUT), minval=-s2, maxval=s2, dtype=jnp.float32)
    fin_b = jax.random.uniform(ks[11], (D_OUT,), minval=-s2, maxval=s2, dtype=jnp.float32)
    return {"x1": x1, "edge_index1": edge_index1, "batch1": batch1,
            "x2": x2, "edge_index2": edge_index2, "batch2": batch2,
            "W1": W1, "b1": b1, "W2": W2, "b2": b2,
            "lin1_W": lin1_W, "lin1_b": lin1_b, "fin_W": fin_W, "fin_b": fin_b}


def reference(x1, edge_index1, batch1, x2, edge_index2, batch2,
              W1, b1, W2, b2, lin1_W, lin1_b, fin_W, fin_b):
    # conv1 -> dropout(p=0, identity) -> conv2 -> dropout -> meanpool -> relu
    # -> linear1 -> relu -> final_linear -> L2 pairwise distance
    def branch(x, ei, batch):
        h = gcn_conv(x, ei, W1, b1, N_NODES)
        # dropout p=0.0 -> identity (eval mode)
        h = gcn_conv(h, ei, W2, b2, N_NODES)
        h = global_mean_pool(h, batch, NUM_GRAPHS)
        h = jax.nn.relu(h)
        h = jax.nn.relu(h @ lin1_W + lin1_b)
        h = h @ fin_W + fin_b
        return h
    z1 = branch(x1, edge_index1, batch1)
    z2 = branch(x2, edge_index2, batch2)
    # torch.nn.PairwiseDistance(p=2, eps=1e-6): ||x1 - x2 + eps||_2
    diff = z1 - z2 + 1e-6
    vdist = jnp.sqrt(jnp.sum(diff * diff, axis=1))
    return vdist

if __name__ == "__main__":
    import jax
    _d = setup_inputs()
    print(jax.jit(kernel)(*tuple(_d.values())))

</pallas_src>

<mosaic_0001>
#map = affine_map<(d0, d1) -> (0, 0, 0, 0, 0)>
#map1 = affine_map<(d0, d1) -> (0)>
module attributes {stable_mosaic.version = 14 : i64} {
  func.func @_deg_kernel(%arg0: i32, %arg1: i32, %arg2: memref<2x16x3x54x128xi32, #tpu.memory_space<hbm>>, %arg3: memref<20480xf32, #tpu.memory_space<hbm>>, %arg4: memref<54x128xi32, #tpu.memory_space<vmem>>, %arg5: memref<128xf32, #tpu.memory_space<vmem>>, %arg6: memref<640xf32, #tpu.memory_space<vmem>>, %arg7: memref<10240xf32, #tpu.memory_space<vmem_shared>>, %arg8: memref<!tpu.dma_semaphore, #tpu.memory_space<semaphore_mem>>) attributes {dimension_semantics = [#tpu.dimension_semantics<core_parallel>, #tpu.dimension_semantics<subcore_parallel>], iteration_bounds = array<i64: 2, 16>, scalar_prefetch = 0 : i64, scratch_operands = 5 : i64, tpu.core_type = #tpu.core_type<sc_vector_subcore>, window_params = [{transform_indices = #map}, {transform_indices = #map1}]} {
    %broadcast_in_dim3A = arith.constant 1.000000e+00 : f32
    %broadcast_in_dim3A_0 = vector.broadcast %broadcast_in_dim3A : f32 to vector<16xf32>
    %swap3A = arith.constant 0 : index
    %swap3A_1 = tpu.vector_load %arg5[%swap3A] {strides = array<i32>} : memref<128xf32, #tpu.memory_space<vmem>>, vector<16xf32>,
    %swap3A_2 = vector.shape_cast %swap3A_1 : vector<16xf32> to vector<16xf32>
    %swap3A_3 = vector.shape_cast %broadcast_in_dim3A_0 : vector<16xf32> to vector<16xf32>
    tpu.vector_store %arg5[%swap3A], %swap3A_3 {strides = array<i32>} : memref<128xf32, #tpu.memory_space<vmem>>, vector<16xf32>,
    %broadcast_in_dim3A_4 = arith.constant 1.000000e+00 : f32
    %broadcast_in_dim3A_5 = vector.broadcast %broadcast_in_dim3A_4 : f32 to vector<16xf32>
    %swap3A_6 = arith.constant 16 : index
    %swap3A_7 = tpu.vector_load %arg5[%swap3A_6] {strides = array<i32>} : memref<128xf32, #tpu.memory_space<vmem>>, vector<16xf32>,
    %swap3A_8 = vector.shape_cast %swap3A_7 : vector<16xf32> to vector<16xf32>
    %swap3A_9 = vector.shape_cast %broadcast_in_dim3A_5 : vector<16xf32> to vector<16xf32>
    tpu.vector_store %arg5[%swap3A_6], %swap3A_9 {strides = array<i32>} : memref<128xf32, #tpu.memory_space<vmem>>, vector<16xf32>,
    %broadcast_in_dim3A_10 = arith.constant 1.000000e+00 : f32
    %broadcast_in_dim3A_11 = vector.broadcast %broadcast_in_dim3A_10 : f32 to vector<16xf32>
    %swap3A_12 = arith.constant 32 : index
    %swap3A_13 = tpu.vector_load %arg5[%swap3A_12] {strides = array<i32>} : memref<128xf32, #tpu.memory_space<vmem>>, vector<16xf32>,
    %swap3A_14 = vector.shape_cast %swap3A_13 : vector<16xf32> to vector<16xf32>
    %swap3A_15 = vector.shape_cast %broadcast_in_dim3A_11 : vector<16xf32> to vector<16xf32>
    tpu.vector_store %arg5[%swap3A_12], %swap3A_15 {strides = array<i32>} : memref<128xf32, #tpu.memory_space<vmem>>, vector<16xf32>,
    %broadcast_in_dim3A_16 = arith.constant 1.000000e+00 : f32
    %broadcast_in_dim3A_17 = vector.broadcast %broadcast_in_dim3A_16 : f32 to vector<16xf32>
    %swap3A_18 = arith.constant 48 : index
    %swap3A_19 = tpu.vector_load %arg5[%swap3A_18] {strides = array<i32>} : memref<128xf32, #tpu.memory_space<vmem>>, vector<16xf32>,
    %swap3A_20 = vector.shape_cast %swap3A_19 : vector<16xf32> to vector<16xf32>
    %swap3A_21 = vector.shape_cast %broadcast_in_dim3A_17 : vector<16xf32> to vector<16xf32>
    tpu.vector_store %arg5[%swap3A_18], %swap3A_21 {strides = array<i32>} : memref<128xf32, #tpu.memory_space<vmem>>, vector<16xf32>,
    %broadcast_in_dim3A_22 = arith.constant 1.000000e+00 : f32
    %broadcast_in_dim3A_23 = vector.broadcast %broadcast_in_dim3A_22 : f32 to vector<16xf32>
    %swap3A_24 = arith.constant 64 : index
    %swap3A_25 = tpu.vector_load %arg5[%swap3A_24] {strides = array<i32>} : memref<128xf32, #tpu.memory_space<vmem>>, vector<16xf32>,
    %swap3A_26 = vector.shape_cast %swap3A_25 : vector<16xf32> to vector<16xf32>
    %swap3A_27 = vector.shape_cast %broadcast_in_dim3A_23 : vector<16xf32> to vector<16xf32>
    tpu.vector_store %arg5[%swap3A_24], %swap3A_27 {strides = array<i32>} : memref<128xf32, #tpu.memory_space<vmem>>, vector<16xf32>,
    %broadcast_in_dim3A_28 = arith.constant 1.000000e+00 : f32
    %broadcast_in_dim3A_29 = vector.broadcast %broadcast_in_dim3A_28 : f32 to vector<16xf32>
    %swap3A_30 = arith.constant 80 : index
    %swap3A_31 = tpu.vector_load %arg5[%swap3A_30] {strides = array<i32>} : memref<128xf32, #tpu.memory_space<vmem>>, vector<16xf32>,
    %swap3A_32 = vector.shape_cast %swap3A_31 : vector<16xf32> to vector<16xf32>
    %swap3A_33 = vector.shape_cast %broadcast_in_dim3A_29 : vector<16xf32> to vector<16xf32>
    tpu.vector_store %arg5[%swap3A_30], %swap3A_33 {strides = array<i32>} : memref<128xf32, #tpu.memory_space<vmem>>, vector<16xf32>,
    %broadcast_in_dim3A_34 = arith.constant 1.000000e+00 : f32
    %broadcast_in_dim3A_35 = vector.broadcast %broadcast_in_dim3A_34 : f32 to vector<16xf32>
    %swap3A_36 = arith.constant 96 : index
    %swap3A_37 = tpu.vector_load %arg5[%swap3A_36] {strides = array<i32>} : memref<128xf32, #tpu.memory_space<vmem>>, vector<16xf32>,
    %swap3A_38 = vector.shape_cast %swap3A_37 : vector<16xf32> to vector<16xf32>
    %swap3A_39 = vector.shape_cast %broadcast_in_dim3A_35 : vector<16xf32> to vector<16xf32>
    tpu.vector_store %arg5[%swap3A_36], %swap3A_39 {strides = array<i32>} : memref<128xf32, #tpu.memory_space<vmem>>, vector<16xf32>,
    %broadcast_in_dim3A_40 = arith.constant 1.000000e+00 : f32
    %broadcast_in_dim3A_41 = vector.broadcast %broadcast_in_dim3A_40 : f32 to vector<16xf32>
    %swap3A_42 = arith.constant 112 : index
    %swap3A_43 = tpu.vector_load %arg5[%swap3A_42] {strides = array<i32>} : memref<128xf32, #tpu.memory_space<vmem>>, vector<16xf32>,
    %swap3A_44 = vector.shape_cast %swap3A_43 : vector<16xf32> to vector<16xf32>
    %swap3A_45 = vector.shape_cast %broadcast_in_dim3A_41 : vector<16xf32> to vector<16xf32>
    tpu.vector_store %arg5[%swap3A_42], %swap3A_45 {strides = array<i32>} : memref<128xf32, #tpu.memory_space<vmem>>, vector<16xf32>,
    %scan3A = arith.constant 0 : i32
    %scan3A_46 = arith.constant 0 : i32
    %scan3A_47 = arith.constant 40 : i32
    %scan3A_48 = arith.addi %scan3A_46, %scan3A_47 : i32
    %scan3A_49 = arith.constant 1 : i32
    %scan3A_50 = scf.for %scan3A_67 = %scan3A_46 to %scan3A_48 step %scan3A_49 iter_args(%scan3A_68 = %scan3A) -> (i32)  : i32 {
      %broadcast_in_dim3A_69 = arith.constant 0.000000e+00 : f32
      %broadcast_in_dim3A_70 = vector.broadcast %broadcast_in_dim3A_69 : f32 to vector<16xf32>
      %mul3A_71 = arith.constant 16 : i32
      %mul3A_72 = arith.muli %scan3A_67, %mul3A_71 : i32
      %swap3A_73 = arith.index_cast %mul3A_72 : i32 to index
      %swap3A_74 = tpu.vector_load %arg6[%swap3A_73] {strides = array<i32>} : memref<640xf32, #tpu.memory_space<vmem>>, vector<16xf32>,
      %swap3A_75 = vector.shape_cast %swap3A_74 : vector<16xf32> to vector<16xf32>
      %swap3A_76 = vector.shape_cast %broadcast_in_dim3A_70 : vector<16xf32> to vector<16xf32>
      tpu.vector_store %arg6[%swap3A_73], %swap3A_76 {strides = array<i32>} : memref<640xf32, #tpu.memory_space<vmem>>, vector<16xf32>,
      %scan3A_77 = arith.constant 0 : i32
      scf.yield %scan3A_77 : i32
    }
    %scan3A_51 = arith.constant 40 : i32
    %mul3A = arith.constant 640 : i32
    %mul3A_52 = arith.muli %arg1, %mul3A : i32
    "tpu.region"() ({
      %run_scoped3A = tpu.sem_alloc : memref<!tpu.dma_semaphore, #tpu.memory_space<semaphore_mem>>
      %dma_start3A = arith.constant 0 : i32
      %dma_start3A_67 = tpu.memref_slice %arg6[%dma_start3A] : memref<640xf32, #tpu.memory_space<vmem>> -> memref<640xf32, #tpu.memory_space<vmem>>
      %dma_start3A_68 = tpu.memref_slice %arg7[%mul3A_52] : memref<10240xf32, #tpu.memory_space<vmem_shared>> -> memref<640xf32, #tpu.memory_space<vmem_shared>>
      %dma_start3A_69 = tpu.memref_slice %arg7[%mul3A_52] : memref<10240xf32, #tpu.memory_space<vmem_shared>> -> memref<640xf32, #tpu.memory_space<vmem_shared>>
      %dma_start3A_70 = arith.constant 0 : i32
      %dma_start3A_71 = tpu.memref_slice %arg6[%dma_start3A_70] : memref<640xf32, #tpu.memory_space<vmem>> -> memref<640xf32, #tpu.memory_space<vmem>>
      tpu.enqueue_dma source(%dma_start3A_71 : memref<640xf32, #tpu.memory_space<vmem>>) target(%dma_start3A_69 : memref<640xf32, #tpu.memory_space<vmem_shared>>) target_semaphore(%run_scoped3A : memref<!tpu.dma_semaphore, #tpu.memory_space<semaphore_mem>>)
      %dma_wait3A = arith.constant 0 : i32
      %dma_wait3A_72 = tpu.memref_slice %arg6[%dma_wait3A] : memref<640xf32, #tpu.memory_space<vmem>> -> memref<640xf32, #tpu.memory_space<vmem>>
      %dma_wait3A_73 = tpu.memref_slice %arg7[%mul3A_52] : memref<10240xf32, #tpu.memory_space<vmem_shared>> -> memref<640xf32, #tpu.memory_space<vmem_shared>>
      %dma_wait3A_74 = tpu.memref_slice %arg7[%mul3A_52] : memref<10240xf32, #tpu.memory_space<vmem_shared>> -> memref<640xf32, #tpu.memory_space<vmem_shared>>
      %dma_wait3A_75 = arith.constant 0 : i32
      %dma_wait3A_76 = tpu.memref_slice %arg6[%dma_wait3A_75] : memref<640xf32, #tpu.memory_space<vmem>> -> memref<640xf32, #tpu.memory_space<vmem>>
      tpu.wait_dma2 semaphore(%run_scoped3A : memref<!tpu.dma_semaphore, #tpu.memory_space<semaphore_mem>>) src(%dma_wait3A_76 : memref<640xf32, #tpu.memory_space<vmem>>) dst(%dma_wait3A_74 : memref<640xf32, #tpu.memory_space<vmem_shared>>)
      tpu.yield
    }) : () -> ()
    %barrier3A = arith.constant 0 : index
    tpu.barrier barrier_id(%barrier3A)
    %scan3A_53 = arith.constant 0 : i32
    %scan3A_54 = arith.constant 0 : i32
    %scan3A_55 = arith.constant 3 : i32
    %scan3A_56 = arith.addi %scan3A_54, %scan3A_55 : i32
    %scan3A_57 = arith.constant 1 : i32
    %scan3A_58 = scf.for %scan3A_67 = %scan3A_54 to %scan3A_56 step %scan3A_57 iter_args(%scan3A_68 = %scan3A_53) -> (i32)  : i32 {
      "tpu.region"() ({
        %run_scoped3A = tpu.sem_alloc : memref<!tpu.dma_semaphore, #tpu.memory_space<semaphore_mem>>
        %dma_start3A = arith.constant 0 : i32
        %dma_start3A_77 = arith.constant 0 : i32
        %dma_start3A_78 = tpu.memref_slice %arg2[%arg0, %arg1, %scan3A_67, %dma_start3A, %dma_start3A_77] : memref<2x16x3x54x128xi32, #tpu.memory_space<hbm>> -> memref<1x1x1x54x128xi32, #tpu.memory_space<hbm>>
        %dma_start3A_79 = tpu.memref_squeeze %dma_start3A_78 : memref<1x1x1x54x128xi32, #tpu.memory_space<hbm>> -> memref<54x128xi32, #tpu.memory_space<hbm>>
        %dma_start3A_80 = arith.constant 0 : i32
        %dma_start3A_81 = arith.constant 0 : i32
        %dma_start3A_82 = tpu.memref_slice %arg2[%arg0, %arg1, %scan3A_67, %dma_start3A_80, %dma_start3A_81] : memref<2x16x3x54x128xi32, #tpu.memory_space<hbm>> -> memref<1x1x1x54x128xi32, #tpu.memory_space<hbm>>
        %dma_start3A_83 = tpu.memref_squeeze %dma_start3A_82 : memref<1x1x1x54x128xi32, #tpu.memory_space<hbm>> -> memref<54x128xi32, #tpu.memory_space<hbm>>
        tpu.enqueue_dma source(%dma_start3A_83 : memref<54x128xi32, #tpu.memory_space<hbm>>) target(%arg4 : memref<54x128xi32, #tpu.memory_space<vmem>>) target_semaphore(%run_scoped3A : memref<!tpu.dma_semaphore, #tpu.memory_space<semaphore_mem>>)
        %dma_wait3A = arith.constant 0 : i32
        %dma_wait3A_84 = arith.constant 0 : i32
        %dma_wait3A_85 = tpu.memref_slice %arg2[%arg0, %arg1, %scan3A_67, %dma_wait3A, %dma_wait3A_84] : memref<2x16x3x54x128xi32, #tpu.memory_space<hbm>> -> memref<1x1x1x54x128xi32, #tpu.memory_space<hbm>>
        %dma_wait3A_86 = tpu.memref_squeeze %dma_wait3A_85 : memref<1x1x1x54x128xi32, #tpu.memory_space<hbm>> -> memref<54x128xi32, #tpu.memory_space<hbm>>
        %dma_wait3A_87 = arith.constant 0 : i32
        %dma_wait3A_88 = arith.constant 0 : i32
        %dma_wait3A_89 = tpu.memref_slice %arg2[%arg0, %arg1, %scan3A_67, %dma_wait3A_87, %dma_wait3A_88] : memref<2x16x3x54x128xi32, #tpu.memory_space<hbm>> -> memref<1x1x1x54x128xi32, #tpu.memory_space<hbm>>
        %dma_wait3A_90 = tpu.memref_squeeze %dma_wait3A_89 : memref<1x1x1x54x128xi32, #tpu.memory_space<hbm>> -> memref<54x128xi32, #tpu.memory_space<hbm>>
        tpu.wait_dma2 semaphore(%run_scoped3A : memref<!tpu.dma_semaphore, #tpu.memory_space<semaphore_mem>>) src(%dma_wait3A_90 : memref<54x128xi32, #tpu.memory_space<hbm>>) dst(%arg4 : memref<54x128xi32, #tpu.memory_space<vmem>>)
        tpu.yield
      }) : () -> ()
      %scan3A_69 = arith.constant 0 : i32
      %scan3A_70 = arith.constant 0 : i32
      %scan3A_71 = arith.constant 9 : i32
      %scan3A_72 = arith.addi %scan3A_70, %scan3A_71 : i32
      %scan3A_73 = arith.constant 1 : i32
      %scan3A_74 = scf.for %scan3A_77 = %scan3A_70 to %scan3A_72 step %scan3A_73 iter_args(%scan3A_78 = %scan3A_69) -> (i32)  : i32 {
        %mul3A_79 = arith.constant 6 : i32
        %mul3A_80 = arith.muli %mul3A_79, %scan3A_77 : i32
        %add3A_81 = arith.constant 0 : i32
        %add3A_82 = arith.addi %mul3A_80, %add3A_81 : i32
        %dma_start3A = arith.constant 0 : i32
        %dma_start3A_83 = tpu.memref_slice %arg4[%add3A_82, %dma_start3A] : memref<54x128xi32, #tpu.memory_space<vmem>> -> memref<1x128xi32, #tpu.memory_space<vmem>>
        %dma_start3A_84 = tpu.memref_squeeze %dma_start3A_83 : memref<1x128xi32, #tpu.memory_space<vmem>> -> memref<128xi32, #tpu.memory_space<vmem>>
        %dma_start3A_85 = arith.constant 0 : i32
        %dma_start3A_86 = tpu.memref_slice %arg7[%dma_start3A_85] : memref<10240xf32, #tpu.memory_space<vmem_shared>> -> memref<10240xf32, #tpu.memory_space<vmem_shared>>
        tpu.enqueue_indirect_dma source(%arg5 : memref<128xf32, #tpu.memory_space<vmem>>) target(%dma_start3A_86 : memref<10240xf32, #tpu.memory_space<vmem_shared>>) offsets(%dma_start3A_84 : memref<128xi32, #tpu.memory_space<vmem>>) semaphore(%arg8 : memref<!tpu.dma_semaphore, #tpu.memory_space<semaphore_mem>>) {add = true}
        %add3A_87 = arith.constant 1 : i32
        %add3A_88 = arith.addi %mul3A_80, %add3A_87 : i32
        %dma_start3A_89 = arith.constant 0 : i32
        %dma_start3A_90 = tpu.memref_slice %arg4[%add3A_88, %dma_start3A_89] : memref<54x128xi32, #tpu.memory_space<vmem>> -> memref<1x128xi32, #tpu.memory_space<vmem>>
        %dma_start3A_91 = tpu.memref_squeeze %dma_start3A_90 : memref<1x128xi32, #tpu.memory_space<vmem>> -> memref<128xi32, #tpu.memory_space<vmem>>
        %dma_start3A_92 = arith.constant 0 : i32
        %dma_start3A_93 = tpu.memref_slice %arg7[%dma_start3A_92] : memref<10240xf32, #tpu.memory_space<vmem_shared>> -> memref<10240xf32, #tpu.memory_space<vmem_shared>>
        tpu.enqueue_indirect_dma source(%arg5 : memref<128xf32, #tpu.memory_space<vmem>>) target(%dma_start3A_93 : memref<10240xf32, #tpu.memory_space<vmem_shared>>) offsets(%dma_start3A_91 : memref<128xi32, #tpu.memory_space<vmem>>) semaphore(%arg8 : memref<!tpu.dma_semaphore, #tpu.memory_space<semaphore_mem>>) {add = true}
        %add3A_94 = arith.constant 2 : i32
        %add3A_95 = arith.addi %mul3A_80, %add3A_94 : i32
        %dma_start3A_96 = arith.constant 0 : i32
        %dma_start3A_97 = tpu.memref_slice %arg4[%add3A_95, %dma_start3A_96] : memref<54x128xi32, #tpu.memory_space<vmem>> -> memref<1x128xi32, #tpu.memory_space<vmem>>
        %dma_start3A_98 = tpu.memref_squeeze %dma_start3A_97 : memref<1x128xi32, #tpu.memory_space<vmem>> -> memref<128xi32, #tpu.memory_space<vmem>>
        %dma_start3A_99 = arith.constant 0 : i32
        %dma_start3A_100 = tpu.memref_slice %arg7[%dma_start3A_99] : memref<10240xf32, #tpu.memory_space<vmem_shared>> -> memref<10240xf32, #tpu.memory_space<vmem_shared>>
        tpu.enqueue_indirect_dma source(%arg5 : memref<128xf32, #tpu.memory_space<vmem>>) target(%dma_start3A_100 : memref<10240xf32, #tpu.memory_space<vmem_shared>>) offsets(%dma_start3A_98 : memref<128xi32, #tpu.memory_space<vmem>>) semaphore(%arg8 : memref<!tpu.dma_semaphore, #tpu.memory_space<semaphore_mem>>) {add = true}
        %add3A_101 = arith.constant 3 : i32
        %add3A_102 = arith.addi %mul3A_80, %add3A_101 : i32
        %dma_start3A_103 = arith.constant 0 : i32
        %dma_start3A_104 = tpu.memref_slice %arg4[%add3A_102, %dma_start3A_103] : memref<54x128xi32, #tpu.memory_space<vmem>> -> memref<1x128xi32, #tpu.memory_space<vmem>>
        %dma_start3A_105 = tpu.memref_squeeze %dma_start3A_104 : memref<1x128xi32, #tpu.memory_space<vmem>> -> memref<128xi32, #tpu.memory_space<vmem>>
        %dma_start3A_106 = arith.constant 0 : i32
        %dma_start3A_107 = tpu.memref_slice %arg7[%dma_start3A_106] : memref<10240xf32, #tpu.memory_space<vmem_shared>> -> memref<10240xf32, #tpu.memory_space<vmem_shared>>
        tpu.enqueue_indirect_dma source(%arg5 : memref<128xf32, #tpu.memory_space<vmem>>) target(%dma_start3A_107 : memref<10240xf32, #tpu.memory_space<vmem_shared>>) offsets(%dma_start3A_105 : memref<128xi32, #tpu.memory_space<vmem>>) semaphore(%arg8 : memref<!tpu.dma_semaphore, #tpu.memory_space<semaphore_mem>>) {add = true}
        %add3A_108 = arith.constant 4 : i32
        %add3A_109 = arith.addi %mul3A_80, %add3A_108 : i32
        %dma_start3A_110 = arith.constant 0 : i32
        %dma_start3A_111 = tpu.memref_slice %arg4[%add3A_109, %dma_start3A_110] : memref<54x128xi32, #tpu.memory_space<vmem>> -> memref<1x128xi32, #tpu.memory_space<vmem>>
        %dma_start3A_112 = tpu.memref_squeeze %dma_start3A_111 : memref<1x128xi32, #tpu.memory_space<vmem>> -> memref<128xi32, #tpu.memory_space<vmem>>
        %dma_start3A_113 = arith.constant 0 : i32
        %dma_start3A_114 = tpu.memref_slice %arg7[%dma_start3A_113] : memref<10240xf32, #tpu.memory_space<vmem_shared>> -> memref<10240xf32, #tpu.memory_space<vmem_shared>>
        tpu.enqueue_indirect_dma source(%arg5 : memref<128xf32, #tpu.memory_space<vmem>>) target(%dma_start3A_114 : memref<10240xf32, #tpu.memory_space<vmem_shared>>) offsets(%dma_start3A_112 : memref<128xi32, #tpu.memory_space<vmem>>) semaphore(%arg8 : memref<!tpu.dma_semaphore, #tpu.memory_space<semaphore_mem>>) {add = true}
        %add3A_115 = arith.constant 5 : i32
        %add3A_116 = arith.addi %mul3A_80, %add3A_115 : i32
        %dma_start3A_117 = arith.constant 0 : i32
        %dma_start3A_118 = tpu.memref_slice %arg4[%add3A_116, %dma_start3A_117] : memref<54x128xi32, #tpu.memory_space<vmem>> -> memref<1x128xi32, #tpu.memory_space<vmem>>
        %dma_start3A_119 = tpu.memref_squeeze %dma_start3A_118 : memref<1x128xi32, #tpu.memory_space<vmem>> -> memref<128xi32, #tpu.memory_space<vmem>>
        %dma_start3A_120 = arith.constant 0 : i32
        %dma_start3A_121 = tpu.memref_slice %arg7[%dma_start3A_120] : memref<10240xf32, #tpu.memory_space<vmem_shared>> -> memref<10240xf32, #tpu.memory_space<vmem_shared>>
        tpu.enqueue_indirect_dma source(%arg5 : memref<128xf32, #tpu.memory_space<vmem>>) target(%dma_start3A_121 : memref<10240xf32, #tpu.memory_space<vmem_shared>>) offsets(%dma_start3A_119 : memref<128xi32, #tpu.memory_space<vmem>>) semaphore(%arg8 : memref<!tpu.dma_semaphore, #tpu.memory_space<semaphore_mem>>) {add = true}
        %dma_wait3A = arith.constant 0 : i32
        %dma_wait3A_122 = tpu.memref_slice %arg4[%add3A_82, %dma_wait3A] : memref<54x128xi32, #tpu.memory_space<vmem>> -> memref<1x128xi32, #tpu.memory_space<vmem>>
        %dma_wait3A_123 = tpu.memref_squeeze %dma_wait3A_122 : memref<1x128xi32, #tpu.memory_space<vmem>> -> memref<128xi32, #tpu.memory_space<vmem>>
        %dma_wait3A_124 = arith.constant 0 : i32
        %dma_wait3A_125 = tpu.memref_slice %arg7[%dma_wait3A_124] : memref<10240xf32, #tpu.memory_space<vmem_shared>> -> memref<10240xf32, #tpu.memory_space<vmem_shared>>
        tpu.wait_indirect_dma semaphore(%arg8 : memref<!tpu.dma_semaphore, #tpu.memory_space<semaphore_mem>>) src(%arg5 : memref<128xf32, #tpu.memory_space<vmem>>) dst(%dma_wait3A_125 : memref<10240xf32, #tpu.memory_space<vmem_shared>>)
        %dma_wait3A_126 = arith.constant 0 : i32
        %dma_wait3A_127 = tpu.memref_slice %arg4[%add3A_88, %dma_wait3A_126] : memref<54x128xi32, #tpu.memory_space<vmem>> -> memref<1x128xi32, #tpu.memory_space<vmem>>
        %dma_wait3A_128 = tpu.memref_squeeze %dma_wait3A_127 : memref<1x128xi32, #tpu.memory_space<vmem>> -> memref<128xi32, #tpu.memory_space<vmem>>
        %dma_wait3A_129 = arith.constant 0 : i32
        %dma_wait3A_130 = tpu.memref_slice %arg7[%dma_wait3A_129] : memref<10240xf32, #tpu.memory_space<vmem_shared>> -> memref<10240xf32, #tpu.memory_space<vmem_shared>>
        tpu.wait_indirect_dma semaphore(%arg8 : memref<!tpu.dma_semaphore, #tpu.memory_space<semaphore_mem>>) src(%arg5 : memref<128xf32, #tpu.memory_space<vmem>>) dst(%dma_wait3A_130 : memref<10240xf32, #tpu.memory_space<vmem_shared>>)
        %dma_wait3A_131 = arith.constant 0 : i32
        %dma_wait3A_132 = tpu.memref_slice %arg4[%add3A_95, %dma_wait3A_131] : memref<54x128xi32, #tpu.memory_space<vmem>> -> memref<1x128xi32, #tpu.memory_space<vmem>>
        %dma_wait3A_133 = tpu.memref_squeeze %dma_wait3A_132 : memref<1x128xi32, #tpu.memory_space<vmem>> -> memref<128xi32, #tpu.memory_space<vmem>>
        %dma_wait3A_134 = arith.constant 0 : i32
        %dma_wait3A_135 = tpu.memref_slice %arg7[%dma_wait3A_134] : memref<10240xf32, #tpu.memory_space<vmem_shared>> -> memref<10240xf32, #tpu.memory_space<vmem_shared>>
        tpu.wait_indirect_dma semaphore(%arg8 : memref<!tpu.dma_semaphore, #tpu.memory_space<semaphore_mem>>) src(%arg5 : memref<128xf32, #tpu.memory_space<vmem>>) dst(%dma_wait3A_135 : memref<10240xf32, #tpu.memory_space<vmem_shared>>)
        %dma_wait3A_136 = arith.constant 0 : i32
        %dma_wait3A_137 = tpu.memref_slice %arg4[%add3A_102, %dma_wait3A_136] : memref<54x128xi32, #tpu.memory_space<vmem>> -> memref<1x128xi32, #tpu.memory_space<vmem>>
        %dma_wait3A_138 = tpu.memref_squeeze %dma_wait3A_137 : memref<1x128xi32, #tpu.memory_space<vmem>> -> memref<128xi32, #tpu.memory_space<vmem>>
        %dma_wait3A_139 = arith.constant 0 : i32
        %dma_wait3A_140 = tpu.memref_slice %arg7[%dma_wait3A_139] : memref<10240xf32, #tpu.memory_space<vmem_shared>> -> memref<10240xf32, #tpu.memory_space<vmem_shared>>
        tpu.wait_indirect_dma semaphore(%arg8 : memref<!tpu.dma_semaphore, #tpu.memory_space<semaphore_mem>>) src(%arg5 : memref<128xf32, #tpu.memory_space<vmem>>) dst(%dma_wait3A_140 : memref<10240xf32, #tpu.memory_space<vmem_shared>>)
        %dma_wait3A_141 = arith.constant 0 : i32
        %dma_wait3A_142 = tpu.memref_slice %arg4[%add3A_109, %dma_wait3A_141] : memref<54x128xi32, #tpu.memory_space<vmem>> -> memref<1x128xi32, #tpu.memory_space<vmem>>
        %dma_wait3A_143 = tpu.memref_squeeze %dma_wait3A_142 : memref<1x128xi32, #tpu.memory_space<vmem>> -> memref<128xi32, #tpu.memory_space<vmem>>
        %dma_wait3A_144 = arith.constant 0 : i32
        %dma_wait3A_145 = tpu.memref_slice %arg7[%dma_wait3A_144] : memref<10240xf32, #tpu.memory_space<vmem_shared>> -> memref<10240xf32, #tpu.memory_space<vmem_shared>>
        tpu.wait_indirect_dma semaphore(%arg8 : memref<!tpu.dma_semaphore, #tpu.memory_space<semaphore_mem>>) src(%arg5 : memref<128xf32, #tpu.memory_space<vmem>>) dst(%dma_wait3A_145 : memref<10240xf32, #tpu.memory_space<vmem_shared>>)
        %dma_wait3A_146 = arith.constant 0 : i32
        %dma_wait3A_147 = tpu.memref_slice %arg4[%add3A_116, %dma_wait3A_146] : memref<54x128xi32, #tpu.memory_space<vmem>> -> memref<1x128xi32, #tpu.memory_space<vmem>>
        %dma_wait3A_148 = tpu.memref_squeeze %dma_wait3A_147 : memref<1x128xi32, #tpu.memory_space<vmem>> -> memref<128xi32, #tpu.memory_space<vmem>>
        %dma_wait3A_149 = arith.constant 0 : i32
        %dma_wait3A_150 = tpu.memref_slice %arg7[%dma_wait3A_149] : memref<10240xf32, #tpu.memory_space<vmem_shared>> -> memref<10240xf32, #tpu.memory_space<vmem_shared>>
        tpu.wait_indirect_dma semaphore(%arg8 : memref<!tpu.dma_semaphore, #tpu.memory_space<semaphore_mem>>) src(%arg5 : memref<128xf32, #tpu.memory_space<vmem>>) dst(%dma_wait3A_150 : memref<10240xf32, #tpu.memory_space<vmem_shared>>)
        %scan3A_151 = arith.constant 0 : i32
        scf.yield %scan3A_151 : i32
      }
      %scan3A_75 = arith.constant 9 : i32
      %scan3A_76 = arith.constant 0 : i32
      scf.yield %scan3A_76 : i32
    }
    %scan3A_59 = arith.constant 3 : i32
    %barrier3A_60 = arith.constant 0 : index
    tpu.barrier barrier_id(%barrier3A_60)
    %mul3A_61 = arith.constant 640 : i32
    %mul3A_62 = arith.muli %arg1, %mul3A_61 : i32
    %mul3A_63 = arith.constant 10240 : i32
    %mul3A_64 = arith.muli %arg0, %mul3A_63 : i32
    %mul3A_65 = arith.constant 640 : i32
    %mul3A_66 = arith.muli %arg1, %mul3A_65 : i32
    %add3A = arith.addi %mul3A_64, %mul3A_66 : i32
    "tpu.region"() ({
      %run_scoped3A = tpu.sem_alloc : memref<!tpu.dma_semaphore, #tpu.memory_space<semaphore_mem>>
      %dma_start3A = tpu.memref_slice %arg3[%add3A] : memref<20480xf32, #tpu.memory_space<hbm>> -> memref<640xf32, #tpu.memory_space<hbm>>
      %dma_start3A_67 = tpu.memref_slice %arg7[%mul3A_62] : memref<10240xf32, #tpu.memory_space<vmem_shared>> -> memref<640xf32, #tpu.memory_space<vmem_shared>>
      tpu.enqueue_dma source(%dma_start3A_67 : memref<640xf32, #tpu.memory_space<vmem_shared>>) target(%dma_start3A : memref<640xf32, #tpu.memory_space<hbm>>) target_semaphore(%run_scoped3A : memref<!tpu.dma_semaphore, #tpu.memory_space<semaphore_mem>>)
      %dma_wait3A = tpu.memref_slice %arg3[%add3A] : memref<20480xf32, #tpu.memory_space<hbm>> -> memref<640xf32, #tpu.memory_space<hbm>>
      %dma_wait3A_68 = tpu.memref_slice %arg7[%mul3A_62] : memref<10240xf32, #tpu.memory_space<vmem_shared>> -> memref<640xf32, #tpu.memory_space<vmem_shared>>
      tpu.wait_dma2 semaphore(%run_scoped3A : memref<!tpu.dma_semaphore, #tpu.memory_space<semaphore_mem>>) src(%dma_wait3A_68 : memref<640xf32, #tpu.memory_space<vmem_shared>>) dst(%dma_wait3A : memref<640xf32, #tpu.memory_space<hbm>>)
      tpu.yield
    }) : () -> ()
    return
  }
}

#map = affine_map<(d0, d1) -> (0, 0, 0)>
#map1 = affine_map<(d0, d1) -> (0, 0, 0, 0, 0, 0)>
module attributes {stable_mosaic.version = 14 : i64} {
  func.func @_conv_kernel(%arg0: i32, %arg1: i32, %arg2: memref<2x10000x128xf32, #tpu.memory_space<hbm>>, %arg3: memref<2x16x6x2x42x84xi32, #tpu.memory_space<hbm>>, %arg4: memref<2x10240x128xf32, #tpu.memory_space<hbm>>, %arg5: memref<42x84xi32, #tpu.memory_space<vmem>>, %arg6: memref<42x84xi32, #tpu.memory_space<vmem>>, %arg7: memref<84x128xf32, #tpu.memory_space<vmem>>, %arg8: memref<84x128xf32, #tpu.memory_space<vmem>>, %arg9: memref<84x128xf32, #tpu.memory_space<vmem>>, %arg10: memref<10240x128xf32, #tpu.memory_space<vmem_shared>>, %arg11: memref<!tpu.dma_semaphore, #tpu.memory_space<semaphore_mem>>, %arg12: memref<!tpu.dma_semaphore, #tpu.memory_space<semaphore_mem>>, %arg13: memref<!tpu.dma_semaphore, #tpu.memory_space<semaphore_mem>>, %arg14: memref<!tpu.dma_semaphore, #tpu.memory_space<semaphore_mem>>, %arg15: memref<!tpu.dma_semaphore, #tpu.memory_space<semaphore_mem>>, %arg16: memref<!tpu.dma_semaphore, #tpu.memory_space<semaphore_mem>>) attributes {dimension_semantics = [#tpu.dimension_semantics<core_parallel>, #tpu.dimension_semantics<subcore_parallel>], iteration_bounds = array<i64: 2, 16>, scalar_prefetch = 0 : i64, scratch_operands = 12 : i64, tpu.core_type = #tpu.core_type<sc_vector_subcore>, window_params = [{transform_indices = #map}, {transform_indices = #map1}, {transform_indices = #map}]} {
    %scan3A = arith.constant 0 : i32
    %scan3A_0 = arith.constant 0 : i32
    %scan3A_1 = arith.constant 84 : i32
    %scan3A_2 = arith.addi %scan3A_0, %scan3A_1 : i32
    %scan3A_3 = arith.constant 1 : i32
    %scan3A_4 = scf.for %scan3A_48 = %scan3A_0 to %scan3A_2 step %scan3A_3 iter_args(%scan3A_49 = %scan3A) -> (i32)  : i32 {
      %broadcast_in_dim3A = arith.constant 0.000000e+00 : f32
      %broadcast_in_dim3A_50 = vector.broadcast %broadcast_in_dim3A : f32 to vector<16xf32>
      %swap3A = arith.index_cast %scan3A_48 : i32 to index
      %swap3A_51 = arith.constant 0 : index
      %swap3A_52 = tpu.vector_load %arg7[%swap3A, %swap3A_51] {strides = array<i32>} : memref<84x128xf32, #tpu.memory_space<vmem>>, vector<1x16xf32>,
      %swap3A_53 = vector.shape_cast %swap3A_52 : vector<1x16xf32> to vector<16xf32>
      %swap3A_54 = vector.shape_cast %broadcast_in_dim3A_50 : vector<16xf32> to vector<1x16xf32>
      tpu.vector_store %arg7[%swap3A, %swap3A_51], %swap3A_54 {strides = array<i32>} : memref<84x128xf32, #tpu.memory_space<vmem>>, vector<1x16xf32>,
      %broadcast_in_dim3A_55 = arith.constant 0.000000e+00 : f32
      %broadcast_in_dim3A_56 = vector.broadcast %broadcast_in_dim3A_55 : f32 to vector<16xf32>
      %swap3A_57 = arith.index_cast %scan3A_48 : i32 to index
      %swap3A_58 = arith.constant 16 : index
      %swap3A_59 = tpu.vector_load %arg7[%swap3A_57, %swap3A_58] {strides = array<i32>} : memref<84x128xf32, #tpu.memory_space<vmem>>, vector<1x16xf32>,
      %swap3A_60 = vector.shape_cast %swap3A_59 : vector<1x16xf32> to vector<16xf32>
      %swap3A_61 = vector.shape_cast %broadcast_in_dim3A_56 : vector<16xf32> to vector<1x16xf32>
      tpu.vector_store %arg7[%swap3A_57, %swap3A_58], %swap3A_61 {strides = array<i32>} : memref<84x128xf32, #tpu.memory_space<vmem>>, vector<1x16xf32>,
      %broadcast_in_dim3A_62 = arith.constant 0.000000e+00 : f32
      %broadcast_in_dim3A_63 = vector.broadcast %broadcast_in_dim3A_62 : f32 to vector<16xf32>
      %swap3A_64 = arith.index_cast %scan3A_48 : i32 to index
      %swap3A_65 = arith.constant 32 : index
      %swap3A_66 = tpu.vector_load %arg7[%swap3A_64, %swap3A_65] {strides = array<i32>} : memref<84x128xf32, #tpu.memory_space<vmem>>, vector<1x16xf32>,
      %swap3A_67 = vector.shape_cast %swap3A_66 : vector<1x16xf32> to vector<16xf32>
      %swap3A_68 = vector.shape_cast %broadcast_in_dim3A_63 : vector<16xf32> to vector<1x16xf32>
      tpu.vector_store %arg7[%swap3A_64, %swap3A_65], %swap3A_68 {strides = array<i32>} : memref<84x128xf32, #tpu.memory_space<vmem>>, vector<1x16xf32>,
      %broadcast_in_dim3A_69 = arith.constant 0.000000e+00 : f32
      %broadcast_in_dim3A_70 = vector.broadcast %broadcast_in_dim3A_69 : f32 to vector<16xf32>
      %swap3A_71 = arith.index_cast %scan3A_48 : i32 to index
      %swap3A_72 = arith.constant 48 : index
      %swap3A_73 = tpu.vector_load %arg7[%swap3A_71, %swap3A_72] {strides = array<i32>} : memref<84x128xf32, #tpu.memory_space<vmem>>, vector<1x16xf32>,
      %swap3A_74 = vector.shape_cast %swap3A_73 : vector<1x16xf32> to vector<16xf32>
      %swap3A_75 = vector.shape_cast %broadcast_in_dim3A_70 : vector<16xf32> to vector<1x16xf32>
      tpu.vector_store %arg7[%swap3A_71, %swap3A_72], %swap3A_75 {strides = array<i32>} : memref<84x128xf32, #tpu.memory_space<vmem>>, vector<1x16xf32>,
      %broadcast_in_dim3A_76 = arith.constant 0.000000e+00 : f32
      %broadcast_in_dim3A_77 = vector.broadcast %broadcast_in_dim3A_76 : f32 to vector<16xf32>
      %swap3A_78 = arith.index_cast %scan3A_48 : i32 to index
      %swap3A_79 = arith.constant 64 : index
      %swap3A_80 = tpu.vector_load %arg7[%swap3A_78, %swap3A_79] {strides = array<i32>} : memref<84x128xf32, #tpu.memory_space<vmem>>, vector<1x16xf32>,
      %swap3A_81 = vector.shape_cast %swap3A_80 : vector<1x16xf32> to vector<16xf32>
      %swap3A_82 = vector.shape_cast %broadcast_in_dim3A_77 : vector<16xf32> to vector<1x16xf32>
      tpu.vector_store %arg7[%swap3A_78, %swap3A_79], %swap3A_82 {strides = array<i32>} : memref<84x128xf32, #tpu.memory_space<vmem>>, vector<1x16xf32>,
      %broadcast_in_dim3A_83 = arith.constant 0.000000e+00 : f32
      %broadcast_in_dim3A_84 = vector.broadcast %broadcast_in_dim3A_83 : f32 to vector<16xf32>
      %swap3A_85 = arith.index_cast %scan3A_48 : i32 to index
      %swap3A_86 = arith.constant 80 : index
      %swap3A_87 = tpu.vector_load %arg7[%swap3A_85, %swap3A_86] {strides = array<i32>} : memref<84x128xf32, #tpu.memory_space<vmem>>, vector<1x16xf32>,
      %swap3A_88 = vector.shape_cast %swap3A_87 : vector<1x16xf32> to vector<16xf32>
      %swap3A_89 = vector.shape_cast %broadcast_in_dim3A_84 : vector<16xf32> to vector<1x16xf32>
      tpu.vector_store %arg7[%swap3A_85, %swap3A_86], %swap3A_89 {strides = array<i32>} : memref<84x128xf32, #tpu.memory_space<vmem>>, vector<1x16xf32>,
      %broadcast_in_dim3A_90 = arith.constant 0.000000e+00 : f32
      %broadcast_in_dim3A_91 = vector.broadcast %broadcast_in_dim3A_90 : f32 to vector<16xf32>
      %swap3A_92 = arith.index_cast %scan3A_48 : i32 to index
      %swap3A_93 = arith.constant 96 : index
      %swap3A_94 = tpu.vector_load %arg7[%swap3A_92, %swap3A_93] {strides = array<i32>} : memref<84x128xf32, #tpu.memory_space<vmem>>, vector<1x16xf32>,
      %swap3A_95 = vector.shape_cast %swap3A_94 : vector<1x16xf32> to vector<16xf32>
      %swap3A_96 = vector.shape_cast %broadcast_in_dim3A_91 : vector<16xf32> to vector<1x16xf32>
      tpu.vector_store %arg7[%swap3A_92, %swap3A_93], %swap3A_96 {strides = array<i32>} : memref<84x128xf32, #tpu.memory_space<vmem>>, vector<1x16xf32>,
      %broadcast_in_dim3A_97 = arith.constant 0.000000e+00 : f32
      %broadcast_in_dim3A_98 = vector.broadcast %broadcast_in_dim3A_97 : f32 to vector<16xf32>
      %swap3A_99 = arith.index_cast %scan3A_48 : i32 to index
      %swap3A_100 = arith.constant 112 : index
      %swap3A_101 = tpu.vector_load %arg7[%swap3A_99, %swap3A_100] {strides = array<i32>} : memref<84x128xf32, #tpu.memory_space<vmem>>, vector<1x16xf32>,
      %swap3A_102 = vector.shape_cast %swap3A_101 : vector<1x16xf32> to vector<16xf32>
      %swap3A_103 = vector.shape_cast %broadcast_in_dim3A_98 : vector<16xf32> to vector<1x16xf32>
      tpu.vector_store %arg7[%swap3A_99, %swap3A_100], %swap3A_103 {strides = array<i32>} : memref<84x128xf32, #tpu.memory_space<vmem>>, vector<1x16xf32>,
      %scan3A_104 = arith.constant 0 : i32
      scf.yield %scan3A_104 : i32
    }
    %scan3A_5 = arith.constant 84 : i32
    %mul3A = arith.constant 640 : i32
    %mul3A_6 = arith.muli %arg1, %mul3A : i32
    %add3A = arith.constant 0 : i32
    %add3A_7 = arith.addi %mul3A_6, %add3A : i32
    "tpu.region"() ({
      %run_scoped3A = tpu.sem_alloc : memref<!tpu.dma_semaphore, #tpu.memory_space<semaphore_mem>>
      %dma_start3A = arith.constant 0 : i32
      %dma_start3A_48 = tpu.memref_slice %arg10[%add3A_7, %dma_start3A] : memref<10240x128xf32, #tpu.memory_space<vmem_shared>> -> memref<84x128xf32, #tpu.memory_space<vmem_shared>>
      %dma_start3A_49 = arith.constant 0 : i32
      %dma_start3A_50 = tpu.memref_slice %arg10[%add3A_7, %dma_start3A_49] : memref<10240x128xf32, #tpu.memory_space<vmem_shared>> -> memref<84x128xf32, #tpu.memory_space<vmem_shared>>
      tpu.enqueue_dma source(%arg7 : memref<84x128xf32, #tpu.memory_space<vmem>>) target(%dma_start3A_50 : memref<84x128xf32, #tpu.memory_space<vmem_shared>>) target_semaphore(%run_scoped3A : memref<!tpu.dma_semaphore, #tpu.memory_space<semaphore_mem>>)
      %dma_wait3A = arith.constant 0 : i32
      %dma_wait3A_51 = tpu.memref_slice %arg10[%add3A_7, %dma_wait3A] : memref<10240x128xf32, #tpu.memory_space<vmem_shared>> -> memref<84x128xf32, #tpu.memory_space<vmem_shared>>
      %dma_wait3A_52 = arith.constant 0 : i32
      %dma_wait3A_53 = tpu.memref_slice %arg10[%add3A_7, %dma_wait3A_52] : memref<10240x128xf32, #tpu.memory_space<vmem_shared>> -> memref<84x128xf32, #tpu.memory_space<vmem_shared>>
      tpu.wait_dma2 semaphore(%run_scoped3A : memref<!tpu.dma_semaphore, #tpu.memory_space<semaphore_mem>>) src(%arg7 : memref<84x128xf32, #tpu.memory_space<vmem>>) dst(%dma_wait3A_53 : memref<84x128xf32, #tpu.memory_space<vmem_shared>>)
      tpu.yield
    }) : () -> ()
    %mul3A_8 = arith.constant 640 : i32
    %mul3A_9 = arith.muli %arg1, %mul3A_8 : i32
    %add3A_10 = arith.constant 84 : i32
    %add3A_11 = arith.addi %mul3A_9, %add3A_10 : i32
    "tpu.region"() ({
      %run_scoped3A = tpu.sem_alloc : memref<!tpu.dma_semaphore, #tpu.memory_space<semaphore_mem>>
      %dma_start3A = arith.constant 0 : i32
      %dma_start3A_48 = tpu.memref_slice %arg10[%add3A_11, %dma_start3A] : memref<10240x128xf32, #tpu.memory_space<vmem_shared>> -> memref<84x128xf32, #tpu.memory_space<vmem_shared>>
      %dma_start3A_49 = arith.constant 0 : i32
      %dma_start3A_50 = tpu.memref_slice %arg10[%add3A_11, %dma_start3A_49] : memref<10240x128xf32, #tpu.memory_space<vmem_shared>> -> memref<84x128xf32, #tpu.memory_space<vmem_shared>>
      tpu.enqueue_dma source(%arg7 : memref<84x128xf32, #tpu.memory_space<vmem>>) target(%dma_start3A_50 : memref<84x128xf32, #tpu.memory_space<vmem_shared>>) target_semaphore(%run_scoped3A : memref<!tpu.dma_semaphore, #tpu.memory_space<semaphore_mem>>)
      %dma_wait3A = arith.constant 0 : i32
      %dma_wait3A_51 = tpu.memref_slice %arg10[%add3A_11, %dma_wait3A] : memref<10240x128xf32, #tpu.memory_space<vmem_shared>> -> memref<84x128xf32, #tpu.memory_space<vmem_shared>>
      %dma_wait3A_52 = arith.constant 0 : i32
      %dma_wait3A_53 = tpu.memref_slice %arg10[%add3A_11, %dma_wait3A_52] : memref<10240x128xf32, #tpu.memory_space<vmem_shared>> -> memref<84x128xf32, #tpu.memory_space<vmem_shared>>
      tpu.wait_dma2 semaphore(%run_scoped3A : memref<!tpu.dma_semaphore, #tpu.memory_space<semaphore_mem>>) src(%arg7 : memref<84x128xf32, #tpu.memory_space<vmem>>) dst(%dma_wait3A_53 : memref<84x128xf32, #tpu.memory_space<vmem_shared>>)
      tpu.yield
    }) : () -> ()
    %mul3A_12 = arith.constant 640 : i32
    %mul3A_13 = arith.muli %arg1, %mul3A_12 : i32
    %add3A_14 = arith.constant 168 : i32
    %add3A_15 = arith.addi %mul3A_13, %add3A_14 : i32
    "tpu.region"() ({
      %run_scoped3A = tpu.sem_alloc : memref<!tpu.dma_semaphore, #tpu.memory_space<semaphore_mem>>
      %dma_start3A = arith.constant 0 : i32
      %dma_start3A_48 = tpu.memref_slice %arg10[%add3A_15, %dma_start3A] : memref<10240x128xf32, #tpu.memory_space<vmem_shared>> -> memref<84x128xf32, #tpu.memory_space<vmem_shared>>
      %dma_start3A_49 = arith.constant 0 : i32
      %dma_start3A_50 = tpu.memref_slice %arg10[%add3A_15, %dma_start3A_49] : memref<10240x128xf32, #tpu.memory_space<vmem_shared>> -> memref<84x128xf32, #tpu.memory_space<vmem_shared>>
      tpu.enqueue_dma source(%arg7 : memref<84x128xf32, #tpu.memory_space<vmem>>) target(%dma_start3A_50 : memref<84x128xf32, #tpu.memory_space<vmem_shared>>) target_semaphore(%run_scoped3A : memref<!tpu.dma_semaphore, #tpu.memory_space<semaphore_mem>>)
      %dma_wait3A = arith.constant 0 : i32
      %dma_wait3A_51 = tpu.memref_slice %arg10[%add3A_15, %dma_wait3A] : memref<10240x128xf32, #tpu.memory_space<vmem_shared>> -> memref<84x128xf32, #tpu.memory_space<vmem_shared>>
      %dma_wait3A_52 = arith.constant 0 : i32
      %dma_wait3A_53 = tpu.memref_slice %arg10[%add3A_15, %dma_wait3A_52] : memref<10240x128xf32, #tpu.memory_space<vmem_shared>> -> memref<84x128xf32, #tpu.memory_space<vmem_shared>>
      tpu.wait_dma2 semaphore(%run_scoped3A : memref<!tpu.dma_semaphore, #tpu.memory_space<semaphore_mem>>) src(%arg7 : memref<84x128xf32, #tpu.memory_space<vmem>>) dst(%dma_wait3A_53 : memref<84x128xf32, #tpu.memory_space<vmem_shared>>)
      tpu.yield
    }) : () -> ()
    %mul3A_16 = arith.constant 640 : i32
    %mul3A_17 = arith.muli %arg1, %mul3A_16 : i32
    %add3A_18 = arith.constant 252 : i32
    %add3A_19 = arith.addi %mul3A_17, %add3A_18 : i32
    "tpu.region"() ({
      %run_scoped3A = tpu.sem_alloc : memref<!tpu.dma_semaphore, #tpu.memory_space<semaphore_mem>>
      %dma_start3A = arith.constant 0 : i32
      %dma_start3A_48 = tpu.memref_slice %arg10[%add3A_19, %dma_start3A] : memref<10240x128xf32, #tpu.memory_space<vmem_shared>> -> memref<84x128xf32, #tpu.memory_space<vmem_shared>>
      %dma_start3A_49 = arith.constant 0 : i32
      %dma_start3A_50 = tpu.memref_slice %arg10[%add3A_19, %dma_start3A_49] : memref<10240x128xf32, #tpu.memory_space<vmem_shared>> -> memref<84x128xf32, #tpu.memory_space<vmem_shared>>
      tpu.enqueue_dma source(%arg7 : memref<84x128xf32, #tpu.memory_space<vmem>>) target(%dma_start3A_50 : memref<84x128xf32, #tpu.memory_space<vmem_shared>>) target_semaphore(%run_scoped3A : memref<!tpu.dma_semaphore, #tpu.memory_space<semaphore_mem>>)
      %dma_wait3A = arith.constant 0 : i32
      %dma_wait3A_51 = tpu.memref_slice %arg10[%add3A_19, %dma_wait3A] : memref<10240x128xf32, #tpu.memory_space<vmem_shared>> -> memref<84x128xf32, #tpu.memory_space<vmem_shared>>
      %dma_wait3A_52 = arith.constant 0 : i32
      %dma_wait3A_53 = tpu.memref_slice %arg10[%add3A_19, %dma_wait3A_52] : memref<10240x128xf32, #tpu.memory_space<vmem_shared>> -> memref<84x128xf32, #tpu.memory_space<vmem_shared>>
      tpu.wait_dma2 semaphore(%run_scoped3A : memref<!tpu.dma_semaphore, #tpu.memory_space<semaphore_mem>>) src(%arg7 : memref<84x128xf32, #tpu.memory_space<vmem>>) dst(%dma_wait3A_53 : memref<84x128xf32, #tpu.memory_space<vmem_shared>>)
      tpu.yield
    }) : () -> ()
    %mul3A_20 = arith.constant 640 : i32
    %mul3A_21 = arith.muli %arg1, %mul3A_20 : i32
    %add3A_22 = arith.constant 336 : i32
    %add3A_23 = arith.addi %mul3A_21, %add3A_22 : i32
    "tpu.region"() ({
      %run_scoped3A = tpu.sem_alloc : memref<!tpu.dma_semaphore, #tpu.memory_space<semaphore_mem>>
      %dma_start3A = arith.constant 0 : i32
      %dma_start3A_48 = tpu.memref_slice %arg10[%add3A_23, %dma_start3A] : memref<10240x128xf32, #tpu.memory_space<vmem_shared>> -> memref<84x128xf32, #tpu.memory_space<vmem_shared>>
      %dma_start3A_49 = arith.constant 0 : i32
      %dma_start3A_50 = tpu.memref_slice %arg10[%add3A_23, %dma_start3A_49] : memref<10240x128xf32, #tpu.memory_space<vmem_shared>> -> memref<84x128xf32, #tpu.memory_space<vmem_shared>>
      tpu.enqueue_dma source(%arg7 : memref<84x128xf32, #tpu.memory_space<vmem>>) target(%dma_start3A_50 : memref<84x128xf32, #tpu.memory_space<vmem_shared>>) target_semaphore(%run_scoped3A : memref<!tpu.dma_semaphore, #tpu.memory_space<semaphore_mem>>)
      %dma_wait3A = arith.constant 0 : i32
      %dma_wait3A_51 = tpu.memref_slice %arg10[%add3A_23, %dma_wait3A] : memref<10240x128xf32, #tpu.memory_space<vmem_shared>> -> memref<84x128xf32, #tpu.memory_space<vmem_shared>>
      %dma_wait3A_52 = arith.constant 0 : i32
      %dma_wait3A_53 = tpu.memref_slice %arg10[%add3A_23, %dma_wait3A_52] : memref<10240x128xf32, #tpu.memory_space<vmem_shared>> -> memref<84x128xf32, #tpu.memory_space<vmem_shared>>
      tpu.wait_dma2 semaphore(%run_scoped3A : memref<!tpu.dma_semaphore, #tpu.memory_space<semaphore_mem>>) src(%arg7 : memref<84x128xf32, #tpu.memory_space<vmem>>) dst(%dma_wait3A_53 : memref<84x128xf32, #tpu.memory_space<vmem_shared>>)
      tpu.yield
    }) : () -> ()
    %mul3A_24 = arith.constant 640 : i32
    %mul3A_25 = arith.muli %arg1, %mul3A_24 : i32
    %add3A_26 = arith.constant 420 : i32
    %add3A_27 = arith.addi %mul3A_25, %add3A_26 : i32
    "tpu.region"() ({
      %run_scoped3A = tpu.sem_alloc : memref<!tpu.dma_semaphore, #tpu.memory_space<semaphore_mem>>
      %dma_start3A = arith.constant 0 : i32
      %dma_start3A_48 = tpu.memref_slice %arg10[%add3A_27, %dma_start3A] : memref<10240x128xf32, #tpu.memory_space<vmem_shared>> -> memref<84x128xf32, #tpu.memory_space<vmem_shared>>
      %dma_start3A_49 = arith.constant 0 : i32
      %dma_start3A_50 = tpu.memref_slice %arg10[%add3A_27, %dma_start3A_49] : memref<10240x128xf32, #tpu.memory_space<vmem_shared>> -> memref<84x128xf32, #tpu.memory_space<vmem_shared>>
      tpu.enqueue_dma source(%arg7 : memref<84x128xf32, #tpu.memory_space<vmem>>) target(%dma_start3A_50 : memref<84x128xf32, #tpu.memory_space<vmem_shared>>) target_semaphore(%run_scoped3A : memref<!tpu.dma_semaphore, #tpu.memory_space<semaphore_mem>>)
      %dma_wait3A = arith.constant 0 : i32
      %dma_wait3A_51 = tpu.memref_slice %arg10[%add3A_27, %dma_wait3A] : memref<10240x128xf32, #tpu.memory_space<vmem_shared>> -> memref<84x128xf32, #tpu.memory_space<vmem_shared>>
      %dma_wait3A_52 = arith.constant 0 : i32
      %dma_wait3A_53 = tpu.memref_slice %arg10[%add3A_27, %dma_wait3A_52] : memref<10240x128xf32, #tpu.memory_space<vmem_shared>> -> memref<84x128xf32, #tpu.memory_space<vmem_shared>>
      tpu.wait_dma2 semaphore(%run_scoped3A : memref<!tpu.dma_semaphore, #tpu.memory_space<semaphore_mem>>) src(%arg7 : memref<84x128xf32, #tpu.memory_space<vmem>>) dst(%dma_wait3A_53 : memref<84x128xf32, #tpu.memory_space<vmem_shared>>)
      tpu.yield
    }) : () -> ()
    %mul3A_28 = arith.constant 640 : i32
    %mul3A_29 = arith.muli %arg1, %mul3A_28 : i32
    %add3A_30 = arith.constant 504 : i32
    %add3A_31 = arith.addi %mul3A_29, %add3A_30 : i32
    "tpu.region"() ({
      %run_scoped3A = tpu.sem_alloc : memref<!tpu.dma_semaphore, #tpu.memory_space<semaphore_mem>>
      %dma_start3A = arith.constant 0 : i32
      %dma_start3A_48 = tpu.memref_slice %arg10[%add3A_31, %dma_start3A] : memref<10240x128xf32, #tpu.memory_space<vmem_shared>> -> memref<84x128xf32, #tpu.memory_space<vmem_shared>>
      %dma_start3A_49 = arith.constant 0 : i32
      %dma_start3A_50 = tpu.memref_slice %arg10[%add3A_31, %dma_start3A_49] : memref<10240x128xf32, #tpu.memory_space<vmem_shared>> -> memref<84x128xf32, #tpu.memory_space<vmem_shared>>
      tpu.enqueue_dma source(%arg7 : memref<84x128xf32, #tpu.memory_space<vmem>>) target(%dma_start3A_50 : memref<84x128xf32, #tpu.memory_space<vmem_shared>>) target_semaphore(%run_scoped3A : memref<!tpu.dma_semaphore, #tpu.memory_space<semaphore_mem>>)
      %dma_wait3A = arith.constant 0 : i32
      %dma_wait3A_51 = tpu.memref_slice %arg10[%add3A_31, %dma_wait3A] : memref<10240x128xf32, #tpu.memory_space<vmem_shared>> -> memref<84x128xf32, #tpu.memory_space<vmem_shared>>
      %dma_wait3A_52 = arith.constant 0 : i32
      %dma_wait3A_53 = tpu.memref_slice %arg10[%add3A_31, %dma_wait3A_52] : memref<10240x128xf32, #tpu.memory_space<vmem_shared>> -> memref<84x128xf32, #tpu.memory_space<vmem_shared>>
      tpu.wait_dma2 semaphore(%run_scoped3A : memref<!tpu.dma_semaphore, #tpu.memory_space<semaphore_mem>>) src(%arg7 : memref<84x128xf32, #tpu.memory_space<vmem>>) dst(%dma_wait3A_53 : memref<84x128xf32, #tpu.memory_space<vmem_shared>>)
      tpu.yield
    }) : () -> ()
    %mul3A_32 = arith.constant 640 : i32
    %mul3A_33 = arith.muli %arg1, %mul3A_32 : i32
    %add3A_34 = arith.constant 588 : i32
    %add3A_35 = arith.addi %mul3A_33, %add3A_34 : i32
    "tpu.region"() ({
      %run_scoped3A = tpu.sem_alloc : memref<!tpu.dma_semaphore, #tpu.memory_space<semaphore_mem>>
      %dma_start3A = arith.constant 0 : i32
      %dma_start3A_48 = arith.constant 0 : i32
      %dma_start3A_49 = tpu.memref_slice %arg7[%dma_start3A, %dma_start3A_48] : memref<84x128xf32, #tpu.memory_space<vmem>> -> memref<52x128xf32, #tpu.memory_space<vmem>>
      %dma_start3A_50 = arith.constant 0 : i32
      %dma_start3A_51 = tpu.memref_slice %arg10[%add3A_35, %dma_start3A_50] : memref<10240x128xf32, #tpu.memory_space<vmem_shared>> -> memref<52x128xf32, #tpu.memory_space<vmem_shared>>
      %dma_start3A_52 = arith.constant 0 : i32
      %dma_start3A_53 = tpu.memref_slice %arg10[%add3A_35, %dma_start3A_52] : memref<10240x128xf32, #tpu.memory_space<vmem_shared>> -> memref<52x128xf32, #tpu.memory_space<vmem_shared>>
      %dma_start3A_54 = arith.constant 0 : i32
      %dma_start3A_55 = arith.constant 0 : i32
      %dma_start3A_56 = tpu.memref_slice %arg7[%dma_start3A_54, %dma_start3A_55] : memref<84x128xf32, #tpu.memory_space<vmem>> -> memref<52x128xf32, #tpu.memory_space<vmem>>
      tpu.enqueue_dma source(%dma_start3A_56 : memref<52x128xf32, #tpu.memory_space<vmem>>) target(%dma_start3A_53 : memref<52x128xf32, #tpu.memory_space<vmem_shared>>) target_semaphore(%run_scoped3A : memref<!tpu.dma_semaphore, #tpu.memory_space<semaphore_mem>>)
      %dma_wait3A = arith.constant 0 : i32
      %dma_wait3A_57 = arith.constant 0 : i32
      %dma_wait3A_58 = tpu.memref_slice %arg7[%dma_wait3A, %dma_wait3A_57] : memref<84x128xf32, #tpu.memory_space<vmem>> -> memref<52x128xf32, #tpu.memory_space<vmem>>
      %dma_wait3A_59 = arith.constant 0 : i32
      %dma_wait3A_60 = tpu.memref_slice %arg10[%add3A_35, %dma_wait3A_59] : memref<10240x128xf32, #tpu.memory_space<vmem_shared>> -> memref<52x128xf32, #tpu.memory_space<vmem_shared>>
      %dma_wait3A_61 = arith.constant 0 : i32
      %dma_wait3A_62 = tpu.memref_slice %arg10[%add3A_35, %dma_wait3A_61] : memref<10240x128xf32, #tpu.memory_space<vmem_shared>> -> memref<52x128xf32, #tpu.memory_space<vmem_shared>>
      %dma_wait3A_63 = arith.constant 0 : i32
      %dma_wait3A_64 = arith.constant 0 : i32
      %dma_wait3A_65 = tpu.memref_slice %arg7[%dma_wait3A_63, %dma_wait3A_64] : memref<84x128xf32, #tpu.memory_space<vmem>> -> memref<52x128xf32, #tpu.memory_space<vmem>>
      tpu.wait_dma2 semaphore(%run_scoped3A : memref<!tpu.dma_semaphore, #tpu.memory_space<semaphore_mem>>) src(%dma_wait3A_65 : memref<52x128xf32, #tpu.memory_space<vmem>>) dst(%dma_wait3A_62 : memref<52x128xf32, #tpu.memory_space<vmem_shared>>)
      tpu.yield
    }) : () -> ()
    %barrier3A = arith.constant 0 : index
    tpu.barrier barrier_id(%barrier3A)
    %scan3A_36 = arith.constant 0 : i32
    %scan3A_37 = arith.constant 0 : i32
    %scan3A_38 = arith.constant 6 : i32
    %scan3A_39 = arith.addi %scan3A_37, %scan3A_38 : i32
    %scan3A_40 = arith.constant 1 : i32
    %scan3A_41 = scf.for %scan3A_48 = %scan3A_37 to %scan3A_39 step %scan3A_40 iter_args(%scan3A_49 = %scan3A_36) -> (i32)  : i32 {
      %run_scoped3A = arith.constant 0 : i32
      "tpu.region"() ({
        %run_scoped3A_86 = tpu.sem_alloc : memref<!tpu.dma_semaphore, #tpu.memory_space<semaphore_mem>>
        %dma_start3A_87 = arith.constant 0 : i32
        %dma_start3A_88 = arith.constant 0 : i32
        %dma_start3A_89 = tpu.memref_slice %arg3[%arg0, %arg1, %scan3A_48, %run_scoped3A, %dma_start3A_87, %dma_start3A_88] : memref<2x16x6x2x42x84xi32, #tpu.memory_space<hbm>> -> memref<1x1x1x1x42x84xi32, #tpu.memory_space<hbm>>
        %dma_start3A_90 = tpu.memref_squeeze %dma_start3A_89 : memref<1x1x1x1x42x84xi32, #tpu.memory_space<hbm>> -> memref<42x84xi32, #tpu.memory_space<hbm>>
        %dma_start3A_91 = arith.constant 0 : i32
        %dma_start3A_92 = arith.constant 0 : i32
        %dma_start3A_93 = tpu.memref_slice %arg3[%arg0, %arg1, %scan3A_48, %run_scoped3A, %dma_start3A_91, %dma_start3A_92] : memref<2x16x6x2x42x84xi32, #tpu.memory_space<hbm>> -> memref<1x1x1x1x42x84xi32, #tpu.memory_space<hbm>>
        %dma_start3A_94 = tpu.memref_squeeze %dma_start3A_93 : memref<1x1x1x1x42x84xi32, #tpu.memory_space<hbm>> -> memref<42x84xi32, #tpu.memory_space<hbm>>
        tpu.enqueue_dma source(%dma_start3A_94 : memref<42x84xi32, #tpu.memory_space<hbm>>) target(%arg5 : memref<42x84xi32, #tpu.memory_space<vmem>>) target_semaphore(%run_scoped3A_86 : memref<!tpu.dma_semaphore, #tpu.memory_space<semaphore_mem>>)
        %dma_wait3A_95 = arith.constant 0 : i32
        %dma_wait3A_96 = arith.constant 0 : i32
        %dma_wait3A_97 = tpu.memref_slice %arg3[%arg0, %arg1, %scan3A_48, %run_scoped3A, %dma_wait3A_95, %dma_wait3A_96] : memref<2x16x6x2x42x84xi32, #tpu.memory_space<hbm>> -> memref<1x1x1x1x42x84xi32, #tpu.memory_space<hbm>>
        %dma_wait3A_98 = tpu.memref_squeeze %dma_wait3A_97 : memref<1x1x1x1x42x84xi32, #tpu.memory_space<hbm>> -> memref<42x84xi32, #tpu.memory_space<hbm>>
        %dma_wait3A_99 = arith.constant 0 : i32
        %dma_wait3A_100 = arith.constant 0 : i32
        %dma_wait3A_101 = tpu.memref_slice %arg3[%arg0, %arg1, %scan3A_48, %run_scoped3A, %dma_wait3A_99, %dma_wait3A_100] : memref<2x16x6x2x42x84xi32, #tpu.memory_space<hbm>> -> memref<1x1x1x1x42x84xi32, #tpu.memory_space<hbm>>
        %dma_wait3A_102 = tpu.memref_squeeze %dma_wait3A_101 : memref<1x1x1x1x42x84xi32, #tpu.memory_space<hbm>> -> memref<42x84xi32, #tpu.memory_space<hbm>>
        tpu.wait_dma2 semaphore(%run_scoped3A_86 : memref<!tpu.dma_semaphore, #tpu.memory_space<semaphore_mem>>) src(%dma_wait3A_102 : memref<42x84xi32, #tpu.memory_space<hbm>>) dst(%arg5 : memref<42x84xi32, #tpu.memory_space<vmem>>)
        tpu.yield
      }) : () -> ()
      %run_scoped3A_50 = arith.constant 1 : i32
      "tpu.region"() ({
        %run_scoped3A_86 = tpu.sem_alloc : memref<!tpu.dma_semaphore, #tpu.memory_space<semaphore_mem>>
        %dma_start3A_87 = arith.constant 0 : i32
        %dma_start3A_88 = arith.constant 0 : i32
        %dma_start3A_89 = tpu.memref_slice %arg3[%arg0, %arg1, %scan3A_48, %run_scoped3A_50, %dma_start3A_87, %dma_start3A_88] : memref<2x16x6x2x42x84xi32, #tpu.memory_space<hbm>> -> memref<1x1x1x1x42x84xi32, #tpu.memory_space<hbm>>
        %dma_start3A_90 = tpu.memref_squeeze %dma_start3A_89 : memref<1x1x1x1x42x84xi32, #tpu.memory_space<hbm>> -> memref<42x84xi32, #tpu.memory_space<hbm>>
        %dma_start3A_91 = arith.constant 0 : i32
        %dma_start3A_92 = arith.constant 0 : i32
        %dma_start3A_93 = tpu.memref_slice %arg3[%arg0, %arg1, %scan3A_48, %run_scoped3A_50, %dma_start3A_91, %dma_start3A_92] : memref<2x16x6x2x42x84xi32, #tpu.memory_space<hbm>> -> memref<1x1x1x1x42x84xi32, #tpu.memory_space<hbm>>
        %dma_start3A_94 = tpu.memref_squeeze %dma_start3A_93 : memref<1x1x1x1x42x84xi32, #tpu.memory_space<hbm>> -> memref<42x84xi32, #tpu.memory_space<hbm>>
        tpu.enqueue_dma source(%dma_start3A_94 : memref<42x84xi32, #tpu.memory_space<hbm>>) target(%arg6 : memref<42x84xi32, #tpu.memory_space<vmem>>) target_semaphore(%run_scoped3A_86 : memref<!tpu.dma_semaphore, #tpu.memory_space<semaphore_mem>>)
        %dma_wait3A_95 = arith.constant 0 : i32
        %dma_wait3A_96 = arith.constant 0 : i32
        %dma_wait3A_97 = tpu.memref_slice %arg3[%arg0, %arg1, %scan3A_48, %run_scoped3A_50, %dma_wait3A_95, %dma_wait3A_96] : memref<2x16x6x2x42x84xi32, #tpu.memory_space<hbm>> -> memref<1x1x1x1x42x84xi32, #tpu.memory_space<hbm>>
        %dma_wait3A_98 = tpu.memref_squeeze %dma_wait3A_97 : memref<1x1x1x1x42x84xi32, #tpu.memory_space<hbm>> -> memref<42x84xi32, #tpu.memory_space<hbm>>
        %dma_wait3A_99 = arith.constant 0 : i32
        %dma_wait3A_100 = arith.constant 0 : i32
        %dma_wait3A_101 = tpu.memref_slice %arg3[%arg0, %arg1, %scan3A_48, %run_scoped3A_50, %dma_wait3A_99, %dma_wait3A_100] : memref<2x16x6x2x42x84xi32, #tpu.memory_space<hbm>> -> memref<1x1x1x1x42x84xi32, #tpu.memory_space<hbm>>
        %dma_wait3A_102 = tpu.memref_squeeze %dma_wait3A_101 : memref<1x1x1x1x42x84xi32, #tpu.memory_space<hbm>> -> memref<42x84xi32, #tpu.memory_space<hbm>>
        tpu.wait_dma2 semaphore(%run_scoped3A_86 : memref<!tpu.dma_semaphore, #tpu.memory_space<semaphore_mem>>) src(%dma_wait3A_102 : memref<42x84xi32, #tpu.memory_space<hbm>>) dst(%arg6 : memref<42x84xi32, #tpu.memory_space<vmem>>)
        tpu.yield
      }) : () -> ()
      %dma_start3A = arith.constant 0 : i32
      %dma_start3A_51 = arith.constant 0 : i32
      %dma_start3A_52 = tpu.memref_slice %arg5[%dma_start3A, %dma_start3A_51] : memref<42x84xi32, #tpu.memory_space<vmem>> -> memref<1x84xi32, #tpu.memory_space<vmem>>
      %dma_start3A_53 = tpu.memref_squeeze %dma_start3A_52 : memref<1x84xi32, #tpu.memory_space<vmem>> -> memref<84xi32, #tpu.memory_space<vmem>>
      %dma_start3A_54 = arith.constant 0 : i32
      %dma_start3A_55 = arith.constant 0 : i32
      %dma_start3A_56 = tpu.memref_slice %arg2[%arg0, %dma_start3A_54, %dma_start3A_55] : memref<2x10000x128xf32, #tpu.memory_space<hbm>> -> memref<1x10000x128xf32, #tpu.memory_space<hbm>>
      %dma_start3A_57 = tpu.memref_squeeze %dma_start3A_56 : memref<1x10000x128xf32, #tpu.memory_space<hbm>> -> memref<10000x128xf32, #tpu.memory_space<hbm>>
      %dma_start3A_58 = arith.constant 0 : i32
      %dma_start3A_59 = arith.constant 0 : i32
      %dma_start3A_60 = tpu.memref_slice %dma_start3A_57[%dma_start3A_58, %dma_start3A_59] : memref<10000x128xf32, #tpu.memory_space<hbm>> -> memref<10000x128xf32, #tpu.memory_space<hbm>>
      tpu.enqueue_indirect_dma source(%dma_start3A_60 : memref<10000x128xf32, #tpu.memory_space<hbm>>) target(%arg7 : memref<84x128xf32, #tpu.memory_space<vmem>>) offsets(%dma_start3A_53 : memref<84xi32, #tpu.memory_space<vmem>>) semaphore(%arg11 : memref<!tpu.dma_semaphore, #tpu.memory_space<semaphore_mem>>)
      %dma_start3A_61 = arith.constant 1 : i32
      %dma_start3A_62 = arith.constant 0 : i32
      %dma_start3A_63 = tpu.memref_slice %arg5[%dma_start3A_61, %dma_start3A_62] : memref<42x84xi32, #tpu.memory_space<vmem>> -> memref<1x84xi32, #tpu.memory_space<vmem>>
      %dma_start3A_64 = tpu.memref_squeeze %dma_start3A_63 : memref<1x84xi32, #tpu.memory_space<vmem>> -> memref<84xi32, #tpu.memory_space<vmem>>
      %dma_start3A_65 = arith.constant 0 : i32
      %dma_start3A_66 = arith.constant 0 : i32
      %dma_start3A_67 = tpu.memref_slice %arg2[%arg0, %dma_start3A_65, %dma_start3A_66] : memref<2x10000x128xf32, #tpu.memory_space<hbm>> -> memref<1x10000x128xf32, #tpu.memory_space<hbm>>
      %dma_start3A_68 = tpu.memref_squeeze %dma_start3A_67 : memref<1x10000x128xf32, #tpu.memory_space<hbm>> -> memref<10000x128xf32, #tpu.memory_space<hbm>>
      %dma_start3A_69 = arith.constant 0 : i32
      %dma_start3A_70 = arith.constant 0 : i32
      %dma_start3A_71 = tpu.memref_slice %dma_start3A_68[%dma_start3A_69, %dma_start3A_70] : memref<10000x128xf32, #tpu.memory_space<hbm>> -> memref<10000x128xf32, #tpu.memory_space<hbm>>
      tpu.enqueue_indirect_dma source(%dma_start3A_71 : memref<10000x128xf32, #tpu.memory_space<hbm>>) target(%arg8 : memref<84x128xf32, #tpu.memory_space<vmem>>) offsets(%dma_start3A_64 : memref<84xi32, #tpu.memory_space<vmem>>) semaphore(%arg12 : memref<!tpu.dma_semaphore, #tpu.memory_space<semaphore_mem>>)
      %scan3A_72 = arith.constant 0 : i32
      %scan3A_73 = arith.constant 0 : i32
      %scan3A_74 = arith.constant 14 : i32
      %scan3A_75 = arith.addi %scan3A_73, %scan3A_74 : i32
      %scan3A_76 = arith.constant 1 : i32
      %scan3A_77 = scf.for %scan3A_86 = %scan3A_73 to %scan3A_75 step %scan3A_76 iter_args(%scan3A_87 = %scan3A_72) -> (i32)  : i32 {
        %mul3A_88 = arith.constant 3 : i32
        %mul3A_89 = arith.muli %mul3A_88, %scan3A_86 : i32
        %add3A_90 = arith.constant 0 : i32
        %add3A_91 = arith.addi %mul3A_89, %add3A_90 : i32
        %gt3A = arith.constant 0 : i32
        %gt3A_92 = arith.cmpi sgt, %add3A_91, %gt3A : i32
        %convert_element_type3A = arith.extui %gt3A_92 : i1 to i32
        %cond3A = arith.constant 0 : i32
        %cond3A_93 = arith.cmpi ne, %convert_element_type3A, %cond3A : i32
        scf.if %cond3A_93 {
          %sub3A = arith.constant 1 : i32
          %sub3A_177 = arith.subi %add3A_91, %sub3A : i32
          %dma_wait3A_178 = arith.constant 0 : i32
          %dma_wait3A_179 = tpu.memref_slice %arg6[%sub3A_177, %dma_wait3A_178] : memref<42x84xi32, #tpu.memory_space<vmem>> -> memref<1x84xi32, #tpu.memory_space<vmem>>
          %dma_wait3A_180 = tpu.memref_squeeze %dma_wait3A_179 : memref<1x84xi32, #tpu.memory_space<vmem>> -> memref<84xi32, #tpu.memory_space<vmem>>
          %dma_wait3A_181 = arith.constant 0 : i32
          %dma_wait3A_182 = arith.constant 0 : i32
          %dma_wait3A_183 = tpu.memref_slice %arg10[%dma_wait3A_181, %dma_wait3A_182] : memref<10240x128xf32, #tpu.memory_space<vmem_shared>> -> memref<10240x128xf32, #tpu.memory_space<vmem_shared>>
          tpu.wait_indirect_dma semaphore(%arg16 : memref<!tpu.dma_semaphore, #tpu.memory_space<semaphore_mem>>) src(%arg9 : memref<84x128xf32, #tpu.memory_space<vmem>>) dst(%dma_wait3A_183 : memref<10240x128xf32, #tpu.memory_space<vmem_shared>>)
        } else {
        }
        %add3A_94 = arith.constant 2 : i32
        %add3A_95 = arith.addi %add3A_91, %add3A_94 : i32
        %lt3A = arith.constant 42 : i32
        %lt3A_96 = arith.cmpi slt, %add3A_95, %lt3A : i32
        %convert_element_type3A_97 = arith.extui %lt3A_96 : i1 to i32
        %cond3A_98 = arith.constant 0 : i32
        %cond3A_99 = arith.cmpi ne, %convert_element_type3A_97, %cond3A_98 : i32
        scf.if %cond3A_99 {
          %add3A_177 = arith.constant 2 : i32
          %add3A_178 = arith.addi %add3A_91, %add3A_177 : i32
          %dma_start3A_179 = arith.constant 0 : i32
          %dma_start3A_180 = tpu.memref_slice %arg5[%add3A_178, %dma_start3A_179] : memref<42x84xi32, #tpu.memory_space<vmem>> -> memref<1x84xi32, #tpu.memory_space<vmem>>
          %dma_start3A_181 = tpu.memref_squeeze %dma_start3A_180 : memref<1x84xi32, #tpu.memory_space<vmem>> -> memref<84xi32, #tpu.memory_space<vmem>>
          %dma_start3A_182 = arith.constant 0 : i32
          %dma_start3A_183 = arith.constant 0 : i32
          %dma_start3A_184 = tpu.memref_slice %arg2[%arg0, %dma_start3A_182, %dma_start3A_183] : memref<2x10000x128xf32, #tpu.memory_space<hbm>> -> memref<1x10000x128xf32, #tpu.memory_space<hbm>>
          %dma_start3A_185 = tpu.memref_squeeze %dma_start3A_184 : memref<1x10000x128xf32, #tpu.memory_space<hbm>> -> memref<10000x128xf32, #tpu.memory_space<hbm>>
          %dma_start3A_186 = arith.constant 0 : i32
          %dma_start3A_187 = arith.constant 0 : i32
          %dma_start3A_188 = tpu.memref_slice %dma_start3A_185[%dma_start3A_186, %dma_start3A_187] : memref<10000x128xf32, #tpu.memory_space<hbm>> -> memref<10000x128xf32, #tpu.memory_space<hbm>>
          tpu.enqueue_indirect_dma source(%dma_start3A_188 : memref<10000x128xf32, #tpu.memory_space<hbm>>) target(%arg9 : memref<84x128xf32, #tpu.memory_space<vmem>>) offsets(%dma_start3A_181 : memref<84xi32, #tpu.memory_space<vmem>>) semaphore(%arg13 : memref<!tpu.dma_semaphore, #tpu.memory_space<semaphore_mem>>)
        } else {
        }
        %dma_wait3A_100 = arith.constant 0 : i32
        %dma_wait3A_101 = tpu.memref_slice %arg5[%add3A_91, %dma_wait3A_100] : memref<42x84xi32, #tpu.memory_space<vmem>> -> memref<1x84xi32, #tpu.memory_space<vmem>>
        %dma_wait3A_102 = tpu.memref_squeeze %dma_wait3A_101 : memref<1x84xi32, #tpu.memory_space<vmem>> -> memref<84xi32, #tpu.memory_space<vmem>>
        %dma_wait3A_103 = arith.constant 0 : i32
        %dma_wait3A_104 = arith.constant 0 : i32
        %dma_wait3A_105 = tpu.memref_slice %arg2[%arg0, %dma_wait3A_103, %dma_wait3A_104] : memref<2x10000x128xf32, #tpu.memory_space<hbm>> -> memref<1x10000x128xf32, #tpu.memory_space<hbm>>
        %dma_wait3A_106 = tpu.memref_squeeze %dma_wait3A_105 : memref<1x10000x128xf32, #tpu.memory_space<hbm>> -> memref<10000x128xf32, #tpu.memory_space<hbm>>
        %dma_wait3A_107 = arith.constant 0 : i32
        %dma_wait3A_108 = arith.constant 0 : i32
        %dma_wait3A_109 = tpu.memref_slice %dma_wait3A_106[%dma_wait3A_107, %dma_wait3A_108] : memref<10000x128xf32, #tpu.memory_space<hbm>> -> memref<10000x128xf32, #tpu.memory_space<hbm>>
        tpu.wait_indirect_dma semaphore(%arg11 : memref<!tpu.dma_semaphore, #tpu.memory_space<semaphore_mem>>) src(%dma_wait3A_109 : memref<10000x128xf32, #tpu.memory_space<hbm>>) dst(%arg7 : memref<84x128xf32, #tpu.memory_space<vmem>>)
        %dma_start3A_110 = arith.constant 0 : i32
        %dma_start3A_111 = tpu.memref_slice %arg6[%add3A_91, %dma_start3A_110] : memref<42x84xi32, #tpu.memory_space<vmem>> -> memref<1x84xi32, #tpu.memory_space<vmem>>
        %dma_start3A_112 = tpu.memref_squeeze %dma_start3A_111 : memref<1x84xi32, #tpu.memory_space<vmem>> -> memref<84xi32, #tpu.memory_space<vmem>>
        %dma_start3A_113 = arith.constant 0 : i32
        %dma_start3A_114 = arith.constant 0 : i32
        %dma_start3A_115 = tpu.memref_slice %arg10[%dma_start3A_113, %dma_start3A_114] : memref<10240x128xf32, #tpu.memory_space<vmem_shared>> -> memref<10240x128xf32, #tpu.memory_space<vmem_shared>>
        tpu.enqueue_indirect_dma source(%arg7 : memref<84x128xf32, #tpu.memory_space<vmem>>) target(%dma_start3A_115 : memref<10240x128xf32, #tpu.memory_space<vmem_shared>>) offsets(%dma_start3A_112 : memref<84xi32, #tpu.memory_space<vmem>>) semaphore(%arg14 : memref<!tpu.dma_semaphore, #tpu.memory_space<semaphore_mem>>) {add = true}
        %add3A_116 = arith.constant 1 : i32
        %add3A_117 = arith.addi %mul3A_89, %add3A_116 : i32
        %gt3A_118 = arith.constant 0 : i32
        %gt3A_119 = arith.cmpi sgt, %add3A_117, %gt3A_118 : i32
        %convert_element_type3A_120 = arith.extui %gt3A_119 : i1 to i32
        %cond3A_121 = arith.constant 0 : i32
        %cond3A_122 = arith.cmpi ne, %convert_element_type3A_120, %cond3A_121 : i32
        scf.if %cond3A_122 {
          %sub3A = arith.constant 1 : i32
          %sub3A_177 = arith.subi %add3A_117, %sub3A : i32
          %dma_wait3A_178 = arith.constant 0 : i32
          %dma_wait3A_179 = tpu.memref_slice %arg6[%sub3A_177, %dma_wait3A_178] : memref<42x84xi32, #tpu.memory_space<vmem>> -> memref<1x84xi32, #tpu.memory_space<vmem>>
          %dma_wait3A_180 = tpu.memref_squeeze %dma_wait3A_179 : memref<1x84xi32, #tpu.memory_space<vmem>> -> memref<84xi32, #tpu.memory_space<vmem>>
          %dma_wait3A_181 = arith.constant 0 : i32
          %dma_wait3A_182 = arith.constant 0 : i32
          %dma_wait3A_183 = tpu.memref_slice %arg10[%dma_wait3A_181, %dma_wait3A_182] : memref<10240x128xf32, #tpu.memory_space<vmem_shared>> -> memref<10240x128xf32, #tpu.memory_space<vmem_shared>>
          tpu.wait_indirect_dma semaphore(%arg14 : memref<!tpu.dma_semaphore, #tpu.memory_space<semaphore_mem>>) src(%arg7 : memref<84x128xf32, #tpu.memory_space<vmem>>) dst(%dma_wait3A_183 : memref<10240x128xf32, #tpu.memory_space<vmem_shared>>)
        } else {
        }
        %add3A_123 = arith.constant 2 : i32
        %add3A_124 = arith.addi %add3A_117, %add3A_123 : i32
        %lt3A_125 = arith.constant 42 : i32
        %lt3A_126 = arith.cmpi slt, %add3A_124, %lt3A_125 : i32
        %convert_element_type3A_127 = arith.extui %lt3A_126 : i1 to i32
        %cond3A_128 = arith.constant 0 : i32
        %cond3A_129 = arith.cmpi ne, %convert_element_type3A_127, %cond3A_128 : i32
        scf.if %cond3A_129 {
          %add3A_177 = arith.constant 2 : i32
          %add3A_178 = arith.addi %add3A_117, %add3A_177 : i32
          %dma_start3A_179 = arith.constant 0 : i32
          %dma_start3A_180 = tpu.memref_slice %arg5[%add3A_178, %dma_start3A_179] : memref<42x84xi32, #tpu.memory_space<vmem>> -> memref<1x84xi32, #tpu.memory_space<vmem>>
          %dma_start3A_181 = tpu.memref_squeeze %dma_start3A_180 : memref<1x84xi32, #tpu.memory_space<vmem>> -> memref<84xi32, #tpu.memory_space<vmem>>
          %dma_start3A_182 = arith.constant 0 : i32
          %dma_start3A_183 = arith.constant 0 : i32
          %dma_start3A_184 = tpu.memref_slice %arg2[%arg0, %dma_start3A_182, %dma_start3A_183] : memref<2x10000x128xf32, #tpu.memory_space<hbm>> -> memref<1x10000x128xf32, #tpu.memory_space<hbm>>
          %dma_start3A_185 = tpu.memref_squeeze %dma_start3A_184 : memref<1x10000x128xf32, #tpu.memory_space<hbm>> -> memref<10000x128xf32, #tpu.memory_space<hbm>>
          %dma_start3A_186 = arith.constant 0 : i32
          %dma_start3A_187 = arith.constant 0 : i32
          %dma_start3A_188 = tpu.memref_slice %dma_start3A_185[%dma_start3A_186, %dma_start3A_187] : memref<10000x128xf32, #tpu.memory_space<hbm>> -> memref<10000x128xf32, #tpu.memory_space<hbm>>
          tpu.enqueue_indirect_dma source(%dma_start3A_188 : memref<10000x128xf32, #tpu.memory_space<hbm>>) target(%arg7 : memref<84x128xf32, #tpu.memory_space<vmem>>) offsets(%dma_start3A_181 : memref<84xi32, #tpu.memory_space<vmem>>) semaphore(%arg11 : memref<!tpu.dma_semaphore, #tpu.memory_space<semaphore_mem>>)
        } else {
        }
        %dma_wait3A_130 = arith.constant 0 : i32
        %dma_wait3A_131 = tpu.memref_slice %arg5[%add3A_117, %dma_wait3A_130] : memref<42x84xi32, #tpu.memory_space<vmem>> -> memref<1x84xi32, #tpu.memory_space<vmem>>
        %dma_wait3A_132 = tpu.memref_squeeze %dma_wait3A_131 : memref<1x84xi32, #tpu.memory_space<vmem>> -> memref<84xi32, #tpu.memory_space<vmem>>
        %dma_wait3A_133 = arith.constant 0 : i32
        %dma_wait3A_134 = arith.constant 0 : i32
        %dma_wait3A_135 = tpu.memref_slice %arg2[%arg0, %dma_wait3A_133, %dma_wait3A_134] : memref<2x10000x128xf32, #tpu.memory_space<hbm>> -> memref<1x10000x128xf32, #tpu.memory_space<hbm>>
        %dma_wait3A_136 = tpu.memref_squeeze %dma_wait3A_135 : memref<1x10000x128xf32, #tpu.memory_space<hbm>> -> memref<10000x128xf32, #tpu.memory_space<hbm>>
        %dma_wait3A_137 = arith.constant 0 : i32
        %dma_wait3A_138 = arith.constant 0 : i32
        %dma_wait3A_139 = tpu.memref_slice %dma_wait3A_136[%dma_wait3A_137, %dma_wait3A_138] : memref<10000x128xf32, #tpu.memory_space<hbm>> -> memref<10000x128xf32, #tpu.memory_space<hbm>>
        tpu.wait_indirect_dma semaphore(%arg12 : memref<!tpu.dma_semaphore, #tpu.memory_space<semaphore_mem>>) src(%dma_wait3A_139 : memref<10000x128xf32, #tpu.memory_space<hbm>>) dst(%arg8 : memref<84x128xf32, #tpu.memory_space<vmem>>)
        %dma_start3A_140 = arith.constant 0 : i32
        %dma_start3A_141 = tpu.memref_slice %arg6[%add3A_117, %dma_start3A_140] : memref<42x84xi32, #tpu.memory_space<vmem>> -> memref<1x84xi32, #tpu.memory_space<vmem>>
        %dma_start3A_142 = tpu.memref_squeeze %dma_start3A_141 : memref<1x84xi32, #tpu.memory_space<vmem>> -> memref<84xi32, #tpu.memory_space<vmem>>
        %dma_start3A_143 = arith.constant 0 : i32
        %dma_start3A_144 = arith.constant 0 : i32
        %dma_start3A_145 = tpu.memref_slice %arg10[%dma_start3A_143, %dma_start3A_144] : memref<10240x128xf32, #tpu.memory_space<vmem_shared>> -> memref<10240x128xf32, #tpu.memory_space<vmem_shared>>
        tpu.enqueue_indirect_dma source(%arg8 : memref<84x128xf32, #tpu.memory_space<vmem>>) target(%dma_start3A_145 : memref<10240x128xf32, #tpu.memory_space<vmem_shared>>) offsets(%dma_start3A_142 : memref<84xi32, #tpu.memory_space<vmem>>) semaphore(%arg15 : memref<!tpu.dma_semaphore, #tpu.memory_space<semaphore_mem>>) {add = true}
        %add3A_146 = arith.constant 2 : i32
        %add3A_147 = arith.addi %mul3A_89, %add3A_146 : i32
        %gt3A_148 = arith.constant 0 : i32
        %gt3A_149 = arith.cmpi sgt, %add3A_147, %gt3A_148 : i32
        %convert_element_type3A_150 = arith.extui %gt3A_149 : i1 to i32
        %cond3A_151 = arith.constant 0 : i32
        %cond3A_152 = arith.cmpi ne, %convert_element_type3A_150, %cond3A_151 : i32
        scf.if %cond3A_152 {
          %sub3A = arith.constant 1 : i32
          %sub3A_177 = arith.subi %add3A_147, %sub3A : i32
          %dma_wait3A_178 = arith.constant 0 : i32
          %dma_wait3A_179 = tpu.memref_slice %arg6[%sub3A_177, %dma_wait3A_178] : memref<42x84xi32, #tpu.memory_space<vmem>> -> memref<1x84xi32, #tpu.memory_space<vmem>>
          %dma_wait3A_180 = tpu.memref_squeeze %dma_wait3A_179 : memref<1x84xi32, #tpu.memory_space<vmem>> -> memref<84xi32, #tpu.memory_space<vmem>>
          %dma_wait3A_181 = arith.constant 0 : i32
          %dma_wait3A_182 = arith.constant 0 : i32
          %dma_wait3A_183 = tpu.memref_slice %arg10[%dma_wait3A_181, %dma_wait3A_182] : memref<10240x128xf32, #tpu.memory_space<vmem_shared>> -> memref<10240x128xf32, #tpu.memory_space<vmem_shared>>
          tpu.wait_indirect_dma semaphore(%arg15 : memref<!tpu.dma_semaphore, #tpu.memory_space<semaphore_mem>>) src(%arg8 : memref<84x128xf32, #tpu.memory_space<vmem>>) dst(%dma_wait3A_183 : memref<10240x128xf32, #tpu.memory_space<vmem_shared>>)
        } else {
        }
        %add3A_153 = arith.constant 2 : i32
        %add3A_154 = arith.addi %add3A_147, %add3A_153 : i32
        %lt3A_155 = arith.constant 42 : i32
        %lt3A_156 = arith.cmpi slt, %add3A_154, %lt3A_155 : i32
        %convert_element_type3A_157 = arith.extui %lt3A_156 : i1 to i32
        %cond3A_158 = arith.constant 0 : i32
        %cond3A_159 = arith.cmpi ne, %convert_element_type3A_157, %cond3A_158 : i32
        scf.if %cond3A_159 {
          %add3A_177 = arith.constant 2 : i32
          %add3A_178 = arith.addi %add3A_147, %add3A_177 : i32
          %dma_start3A_179 = arith.constant 0 : i32
          %dma_start3A_180 = tpu.memref_slice %arg5[%add3A_178, %dma_start3A_179] : memref<42x84xi32, #tpu.memory_space<vmem>> -> memref<1x84xi32, #tpu.memory_space<vmem>>
          %dma_start3A_181 = tpu.memref_squeeze %dma_start3A_180 : memref<1x84xi32, #tpu.memory_space<vmem>> -> memref<84xi32, #tpu.memory_space<vmem>>
          %dma_start3A_182 = arith.constant 0 : i32
          %dma_start3A_183 = arith.constant 0 : i32
          %dma_start3A_184 = tpu.memref_slice %arg2[%arg0, %dma_start3A_182, %dma_start3A_183] : memref<2x10000x128xf32, #tpu.memory_space<hbm>> -> memref<1x10000x128xf32, #tpu.memory_space<hbm>>
          %dma_start3A_185 = tpu.memref_squeeze %dma_start3A_184 : memref<1x10000x128xf32, #tpu.memory_space<hbm>> -> memref<10000x128xf32, #tpu.memory_space<hbm>>
          %dma_start3A_186 = arith.constant 0 : i32
          %dma_start3A_187 = arith.constant 0 : i32
          %dma_start3A_188 = tpu.memref_slice %dma_start3A_185[%dma_start3A_186, %dma_start3A_187] : memref<10000x128xf32, #tpu.memory_space<hbm>> -> memref<10000x128xf32, #tpu.memory_space<hbm>>
          tpu.enqueue_indirect_dma source(%dma_start3A_188 : memref<10000x128xf32, #tpu.memory_space<hbm>>) target(%arg8 : memref<84x128xf32, #tpu.memory_space<vmem>>) offsets(%dma_start3A_181 : memref<84xi32, #tpu.memory_space<vmem>>) semaphore(%arg12 : memref<!tpu.dma_semaphore, #tpu.memory_space<semaphore_mem>>)
        } else {
        }
        %dma_wait3A_160 = arith.constant 0 : i32
        %dma_wait3A_161 = tpu.memref_slice %arg5[%add3A_147, %dma_wait3A_160] : memref<42x84xi32, #tpu.memory_space<vmem>> -> memref<1x84xi32, #tpu.memory_space<vmem>>
        %dma_wait3A_162 = tpu.memref_squeeze %dma_wait3A_161 : memref<1x84xi32, #tpu.memory_space<vmem>> -> memref<84xi32, #tpu.memory_space<vmem>>
        %dma_wait3A_163 = arith.constant 0 : i32
        %dma_wait3A_164 = arith.constant 0 : i32
        %dma_wait3A_165 = tpu.memref_slice %arg2[%arg0, %dma_wait3A_163, %dma_wait3A_164] : memref<2x10000x128xf32, #tpu.memory_space<hbm>> -> memref<1x10000x128xf32, #tpu.memory_space<hbm>>
        %dma_wait3A_166 = tpu.memref_squeeze %dma_wait3A_165 : memref<1x10000x128xf32, #tpu.memory_space<hbm>> -> memref<10000x128xf32, #tpu.memory_space<hbm>>
        %dma_wait3A_167 = arith.constant 0 : i32
        %dma_wait3A_168 = arith.constant 0 : i32
        %dma_wait3A_169 = tpu.memref_slice %dma_wait3A_166[%dma_wait3A_167, %dma_wait3A_168] : memref<10000x128xf32, #tpu.memory_space<hbm>> -> memref<10000x128xf32, #tpu.memory_space<hbm>>
        tpu.wait_indirect_dma semaphore(%arg13 : memref<!tpu.dma_semaphore, #tpu.memory_space<semaphore_mem>>) src(%dma_wait3A_169 : memref<10000x128xf32, #tpu.memory_space<hbm>>) dst(%arg9 : memref<84x128xf32, #tpu.memory_space<vmem>>)
        %dma_start3A_170 = arith.constant 0 : i32
        %dma_start3A_171 = tpu.memref_slice %arg6[%add3A_147, %dma_start3A_170] : memref<42x84xi32, #tpu.memory_space<vmem>> -> memref<1x84xi32, #tpu.memory_space<vmem>>
        %dma_start3A_172 = tpu.memref_squeeze %dma_start3A_171 : memref<1x84xi32, #tpu.memory_space<vmem>> -> memref<84xi32, #tpu.memory_space<vmem>>
        %dma_start3A_173 = arith.constant 0 : i32
        %dma_start3A_174 = arith.constant 0 : i32
        %dma_start3A_175 = tpu.memref_slice %arg10[%dma_start3A_173, %dma_start3A_174] : memref<10240x128xf32, #tpu.memory_space<vmem_shared>> -> memref<10240x128xf32, #tpu.memory_space<vmem_shared>>
        tpu.enqueue_indirect_dma source(%arg9 : memref<84x128xf32, #tpu.memory_space<vmem>>) target(%dma_start3A_175 : memref<10240x128xf32, #tpu.memory_space<vmem_shared>>) offsets(%dma_start3A_172 : memref<84xi32, #tpu.memory_space<vmem>>) semaphore(%arg16 : memref<!tpu.dma_semaphore, #tpu.memory_space<semaphore_mem>>) {add = true}
        %scan3A_176 = arith.constant 0 : i32
        scf.yield %scan3A_176 : i32
      }
      %scan3A_78 = arith.constant 14 : i32
      %dma_wait3A = arith.constant 41 : i32
      %dma_wait3A_79 = arith.constant 0 : i32
      %dma_wait3A_80 = tpu.memref_slice %arg6[%dma_wait3A, %dma_wait3A_79] : memref<42x84xi32, #tpu.memory_space<vmem>> -> memref<1x84xi32, #tpu.memory_space<vmem>>
      %dma_wait3A_81 = tpu.memref_squeeze %dma_wait3A_80 : memref<1x84xi32, #tpu.memory_space<vmem>> -> memref<84xi32, #tpu.memory_space<vmem>>
      %dma_wait3A_82 = arith.constant 0 : i32
      %dma_wait3A_83 = arith.constant 0 : i32
      %dma_wait3A_84 = tpu.memref_slice %arg10[%dma_wait3A_82, %dma_wait3A_83] : memref<10240x128xf32, #tpu.memory_space<vmem_shared>> -> memref<10240x128xf32, #tpu.memory_space<vmem_shared>>
      tpu.wait_indirect_dma semaphore(%arg16 : memref<!tpu.dma_semaphore, #tpu.memory_space<semaphore_mem>>) src(%arg9 : memref<84x128xf32, #tpu.memory_space<vmem>>) dst(%dma_wait3A_84 : memref<10240x128xf32, #tpu.memory_space<vmem_shared>>)
      %scan3A_85 = arith.constant 0 : i32
      scf.yield %scan3A_85 : i32
    }
    %scan3A_42 = arith.constant 6 : i32
    %barrier3A_43 = arith.constant 0 : index
    tpu.barrier barrier_id(%barrier3A_43)
    %mul3A_44 = arith.constant 640 : i32
    %mul3A_45 = arith.muli %arg1, %mul3A_44 : i32
    %mul3A_46 = arith.constant 640 : i32
    %mul3A_47 = arith.muli %arg1, %mul3A_46 : i32
    "tpu.region"() ({
      %run_scoped3A = tpu.sem_alloc : memref<!tpu.dma_semaphore, #tpu.memory_space<semaphore_mem>>
      %dma_start3A = arith.constant 0 : i32
      %dma_start3A_48 = tpu.memref_slice %arg4[%arg0, %mul3A_47, %dma_start3A] : memref<2x10240x128xf32, #tpu.memory_space<hbm>> -> memref<1x640x128xf32, #tpu.memory_space<hbm>>
      %dma_start3A_49 = tpu.memref_squeeze %dma_start3A_48 : memref<1x640x128xf32, #tpu.memory_space<hbm>> -> memref<640x128xf32, #tpu.memory_space<hbm>>
      %dma_start3A_50 = arith.constant 0 : i32
      %dma_start3A_51 = tpu.memref_slice %arg10[%mul3A_45, %dma_start3A_50] : memref<10240x128xf32, #tpu.memory_space<vmem_shared>> -> memref<640x128xf32, #tpu.memory_space<vmem_shared>>
      tpu.enqueue_dma source(%dma_start3A_51 : memref<640x128xf32, #tpu.memory_space<vmem_shared>>) target(%dma_start3A_49 : memref<640x128xf32, #tpu.memory_space<hbm>>) target_semaphore(%run_scoped3A : memref<!tpu.dma_semaphore, #tpu.memory_space<semaphore_mem>>)
      %dma_wait3A = arith.constant 0 : i32
      %dma_wait3A_52 = tpu.memref_slice %arg4[%arg0, %mul3A_47, %dma_wait3A] : memref<2x10240x128xf32, #tpu.memory_space<hbm>> -> memref<1x640x128xf32, #tpu.memory_space<hbm>>
      %dma_wait3A_53 = tpu.memref_squeeze %dma_wait3A_52 : memref<1x640x128xf32, #tpu.memory_space<hbm>> -> memref<640x128xf32, #tpu.memory_space<hbm>>
      %dma_wait3A_54 = arith.constant 0 : i32
      %dma_wait3A_55 = tpu.memref_slice %arg10[%mul3A_45, %dma_wait3A_54] : memref<10240x128xf32, #tpu.memory_space<vmem_shared>> -> memref<640x128xf32, #tpu.memory_space<vmem_shared>>
      tpu.wait_dma2 semaphore(%run_scoped3A : memref<!tpu.dma_semaphore, #tpu.memory_space<semaphore_mem>>) src(%dma_wait3A_55 : memref<640x128xf32, #tpu.memory_space<vmem_shared>>) dst(%dma_wait3A_53 : memref<640x128xf32, #tpu.memory_space<hbm>>)
      tpu.yield
    }) : () -> ()
    return
  }
}

#map = affine_map<(d0, d1) -> (0, 0, 0)>
#map1 = affine_map<(d0, d1) -> (0, 0, 0, 0, 0, 0)>
module attributes {stable_mosaic.version = 14 : i64} {
  func.func @_conv_kernel(%arg0: i32, %arg1: i32, %arg2: memref<2x10000x128xf32, #tpu.memory_space<hbm>>, %arg3: memref<2x16x6x2x42x84xi32, #tpu.memory_space<hbm>>, %arg4: memref<2x10240x128xf32, #tpu.memory_space<hbm>>, %arg5: memref<42x84xi32, #tpu.memory_space<vmem>>, %arg6: memref<42x84xi32, #tpu.memory_space<vmem>>, %arg7: memref<84x128xf32, #tpu.memory_space<vmem>>, %arg8: memref<84x128xf32, #tpu.memory_space<vmem>>, %arg9: memref<84x128xf32, #tpu.memory_space<vmem>>, %arg10: memref<10240x128xf32, #tpu.memory_space<vmem_shared>>, %arg11: memref<!tpu.dma_semaphore, #tpu.memory_space<semaphore_mem>>, %arg12: memref<!tpu.dma_semaphore, #tpu.memory_space<semaphore_mem>>, %arg13: memref<!tpu.dma_semaphore, #tpu.memory_space<semaphore_mem>>, %arg14: memref<!tpu.dma_semaphore, #tpu.memory_space<semaphore_mem>>, %arg15: memref<!tpu.dma_semaphore, #tpu.memory_space<semaphore_mem>>, %arg16: memref<!tpu.dma_semaphore, #tpu.memory_space<semaphore_mem>>) attributes {dimension_semantics = [#tpu.dimension_semantics<core_parallel>, #tpu.dimension_semantics<subcore_parallel>], iteration_bounds = array<i64: 2, 16>, scalar_prefetch = 0 : i64, scratch_operands = 12 : i64, tpu.core_type = #tpu.core_type<sc_vector_subcore>, window_params = [{transform_indices = #map}, {transform_indices = #map1}, {transform_indices = #map}]} {
    %scan3A = arith.constant 0 : i32
    %scan3A_0 = arith.constant 0 : i32
    %scan3A_1 = arith.constant 84 : i32
    %scan3A_2 = arith.addi %scan3A_0, %scan3A_1 : i32
    %scan3A_3 = arith.constant 1 : i32
    %scan3A_4 = scf.for %scan3A_48 = %scan3A_0 to %scan3A_2 step %scan3A_3 iter_args(%scan3A_49 = %scan3A) -> (i32)  : i32 {
      %broadcast_in_dim3A = arith.constant 0.000000e+00 : f32
      %broadcast_in_dim3A_50 = vector.broadcast %broadcast_in_dim3A : f32 to vector<16xf32>
      %swap3A = arith.index_cast %scan3A_48 : i32 to index
      %swap3A_51 = arith.constant 0 : index
      %swap3A_52 = tpu.vector_load %arg7[%swap3A, %swap3A_51] {strides = array<i32>} : memref<84x128xf32, #tpu.memory_space<vmem>>, vector<1x16xf32>,
      %swap3A_53 = vector.shape_cast %swap3A_52 : vector<1x16xf32> to vector<16xf32>
      %swap3A_54 = vector.shape_cast %broadcast_in_dim3A_50 : vector<16xf32> to vector<1x16xf32>
      tpu.vector_store %arg7[%swap3A, %swap3A_51], %swap3A_54 {strides = array<i32>} : memref<84x128xf32, #tpu.memory_space<vmem>>, vector<1x16xf32>,
      %broadcast_in_dim3A_55 = arith.constant 0.000000e+00 : f32
      %broadcast_in_dim3A_56 = vector.broadcast %broadcast_in_dim3A_55 : f32 to vector<16xf32>
      %swap3A_57 = arith.index_cast %scan3A_48 : i32 to index
      %swap3A_58 = arith.constant 16 : index
      %swap3A_59 = tpu.vector_load %arg7[%swap3A_57, %swap3A_58] {strides = array<i32>} : memref<84x128xf32, #tpu.memory_space<vmem>>, vector<1x16xf32>,
      %swap3A_60 = vector.shape_cast %swap3A_59 : vector<1x16xf32> to vector<16xf32>
      %swap3A_61 = vector.shape_cast %broadcast_in_dim3A_56 : vector<16xf32> to vector<1x16xf32>
      tpu.vector_store %arg7[%swap3A_57, %swap3A_58], %swap3A_61 {strides = array<i32>} : memref<84x128xf32, #tpu.memory_space<vmem>>, vector<1x16xf32>,
      %broadcast_in_dim3A_62 = arith.constant 0.000000e+00 : f32
      %broadcast_in_dim3A_63 = vector.broadcast %broadcast_in_dim3A_62 : f32 to vector<16xf32>
      %swap3A_64 = arith.index_cast %scan3A_48 : i32 to index
      %swap3A_65 = arith.constant 32 : index
      %swap3A_66 = tpu.vector_load %arg7[%swap3A_64, %swap3A_65] {strides = array<i32>} : memref<84x128xf32, #tpu.memory_space<vmem>>, vector<1x16xf32>,
      %swap3A_67 = vector.shape_cast %swap3A_66 : vector<1x16xf32> to vector<16xf32>
      %swap3A_68 = vector.shape_cast %broadcast_in_dim3A_63 : vector<16xf32> to vector<1x16xf32>
      tpu.vector_store %arg7[%swap3A_64, %swap3A_65], %swap3A_68 {strides = array<i32>} : memref<84x128xf32, #tpu.memory_space<vmem>>, vector<1x16xf32>,
      %broadcast_in_dim3A_69 = arith.constant 0.000000e+00 : f32
      %broadcast_in_dim3A_70 = vector.broadcast %broadcast_in_dim3A_69 : f32 to vector<16xf32>
      %swap3A_71 = arith.index_cast %scan3A_48 : i32 to index
      %swap3A_72 = arith.constant 48 : index
      %swap3A_73 = tpu.vector_load %arg7[%swap3A_71, %swap3A_72] {strides = array<i32>} : memref<84x128xf32, #tpu.memory_space<vmem>>, vector<1x16xf32>,
      %swap3A_74 = vector.shape_cast %swap3A_73 : vector<1x16xf32> to vector<16xf32>
      %swap3A_75 = vector.shape_cast %broadcast_in_dim3A_70 : vector<16xf32> to vector<1x16xf32>
      tpu.vector_store %arg7[%swap3A_71, %swap3A_72], %swap3A_75 {strides = array<i32>} : memref<84x128xf32, #tpu.memory_space<vmem>>, vector<1x16xf32>,
      %broadcast_in_dim3A_76 = arith.constant 0.000000e+00 : f32
      %broadcast_in_dim3A_77 = vector.broadcast %broadcast_in_dim3A_76 : f32 to vector<16xf32>
      %swap3A_78 = arith.index_cast %scan3A_48 : i32 to index
      %swap3A_79 = arith.constant 64 : index
      %swap3A_80 = tpu.vector_load %arg7[%swap3A_78, %swap3A_79] {strides = array<i32>} : memref<84x128xf32, #tpu.memory_space<vmem>>, vector<1x16xf32>,
      %swap3A_81 = vector.shape_cast %swap3A_80 : vector<1x16xf32> to vector<16xf32>
      %swap3A_82 = vector.shape_cast %broadcast_in_dim3A_77 : vector<16xf32> to vector<1x16xf32>
      tpu.vector_store %arg7[%swap3A_78, %swap3A_79], %swap3A_82 {strides = array<i32>} : memref<84x128xf32, #tpu.memory_space<vmem>>, vector<1x16xf32>,
      %broadcast_in_dim3A_83 = arith.constant 0.000000e+00 : f32
      %broadcast_in_dim3A_84 = vector.broadcast %broadcast_in_dim3A_83 : f32 to vector<16xf32>
      %swap3A_85 = arith.index_cast %scan3A_48 : i32 to index
      %swap3A_86 = arith.constant 80 : index
      %swap3A_87 = tpu.vector_load %arg7[%swap3A_85, %swap3A_86] {strides = array<i32>} : memref<84x128xf32, #tpu.memory_space<vmem>>, vector<1x16xf32>,
      %swap3A_88 = vector.shape_cast %swap3A_87 : vector<1x16xf32> to vector<16xf32>
      %swap3A_89 = vector.shape_cast %broadcast_in_dim3A_84 : vector<16xf32> to vector<1x16xf32>
      tpu.vector_store %arg7[%swap3A_85, %swap3A_86], %swap3A_89 {strides = array<i32>} : memref<84x128xf32, #tpu.memory_space<vmem>>, vector<1x16xf32>,
      %broadcast_in_dim3A_90 = arith.constant 0.000000e+00 : f32
      %broadcast_in_dim3A_91 = vector.broadcast %broadcast_in_dim3A_90 : f32 to vector<16xf32>
      %swap3A_92 = arith.index_cast %scan3A_48 : i32 to index
      %swap3A_93 = arith.constant 96 : index
      %swap3A_94 = tpu.vector_load %arg7[%swap3A_92, %swap3A_93] {strides = array<i32>} : memref<84x128xf32, #tpu.memory_space<vmem>>, vector<1x16xf32>,
      %swap3A_95 = vector.shape_cast %swap3A_94 : vector<1x16xf32> to vector<16xf32>
      %swap3A_96 = vector.shape_cast %broadcast_in_dim3A_91 : vector<16xf32> to vector<1x16xf32>
      tpu.vector_store %arg7[%swap3A_92, %swap3A_93], %swap3A_96 {strides = array<i32>} : memref<84x128xf32, #tpu.memory_space<vmem>>, vector<1x16xf32>,
      %broadcast_in_dim3A_97 = arith.constant 0.000000e+00 : f32
      %broadcast_in_dim3A_98 = vector.broadcast %broadcast_in_dim3A_97 : f32 to vector<16xf32>
      %swap3A_99 = arith.index_cast %scan3A_48 : i32 to index
      %swap3A_100 = arith.constant 112 : index
      %swap3A_101 = tpu.vector_load %arg7[%swap3A_99, %swap3A_100] {strides = array<i32>} : memref<84x128xf32, #tpu.memory_space<vmem>>, vector<1x16xf32>,
      %swap3A_102 = vector.shape_cast %swap3A_101 : vector<1x16xf32> to vector<16xf32>
      %swap3A_103 = vector.shape_cast %broadcast_in_dim3A_98 : vector<16xf32> to vector<1x16xf32>
      tpu.vector_store %arg7[%swap3A_99, %swap3A_100], %swap3A_103 {strides = array<i32>} : memref<84x128xf32, #tpu.memory_space<vmem>>, vector<1x16xf32>,
      %scan3A_104 = arith.constant 0 : i32
      scf.yield %scan3A_104 : i32
    }
    %scan3A_5 = arith.constant 84 : i32
    %mul3A = arith.constant 640 : i32
    %mul3A_6 = arith.muli %arg1, %mul3A : i32
    %add3A = arith.constant 0 : i32
    %add3A_7 = arith.addi %mul3A_6, %add3A : i32
    "tpu.region"() ({
      %run_scoped3A = tpu.sem_alloc : memref<!tpu.dma_semaphore, #tpu.memory_space<semaphore_mem>>
      %dma_start3A = arith.constant 0 : i32
      %dma_start3A_48 = tpu.memref_slice %arg10[%add3A_7, %dma_start3A] : memref<10240x128xf32, #tpu.memory_space<vmem_shared>> -> memref<84x128xf32, #tpu.memory_space<vmem_shared>>
      %dma_start3A_49 = arith.constant 0 : i32
      %dma_start3A_50 = tpu.memref_slice %arg10[%add3A_7, %dma_start3A_49] : memref<10240x128xf32, #tpu.memory_space<vmem_shared>> -> memref<84x128xf32, #tpu.memory_space<vmem_shared>>
      tpu.enqueue_dma source(%arg7 : memref<84x128xf32, #tpu.memory_space<vmem>>) target(%dma_start3A_50 : memref<84x128xf32, #tpu.memory_space<vmem_shared>>) target_semaphore(%run_scoped3A : memref<!tpu.dma_semaphore, #tpu.memory_space<semaphore_mem>>)
      %dma_wait3A = arith.constant 0 : i32
      %dma_wait3A_51 = tpu.memref_slice %arg10[%add3A_7, %dma_wait3A] : memref<10240x128xf32, #tpu.memory_space<vmem_shared>> -> memref<84x128xf32, #tpu.memory_space<vmem_shared>>
      %dma_wait3A_52 = arith.constant 0 : i32
      %dma_wait3A_53 = tpu.memref_slice %arg10[%add3A_7, %dma_wait3A_52] : memref<10240x128xf32, #tpu.memory_space<vmem_shared>> -> memref<84x128xf32, #tpu.memory_space<vmem_shared>>
      tpu.wait_dma2 semaphore(%run_scoped3A : memref<!tpu.dma_semaphore, #tpu.memory_space<semaphore_mem>>) src(%arg7 : memref<84x128xf32, #tpu.memory_space<vmem>>) dst(%dma_wait3A_53 : memref<84x128xf32, #tpu.memory_space<vmem_shared>>)
      tpu.yield
    }) : () -> ()
    %mul3A_8 = arith.constant 640 : i32
    %mul3A_9 = arith.muli %arg1, %mul3A_8 : i32
    %add3A_10 = arith.constant 84 : i32
    %add3A_11 = arith.addi %mul3A_9, %add3A_10 : i32
    "tpu.region"() ({
      %run_scoped3A = tpu.sem_alloc : memref<!tpu.dma_semaphore, #tpu.memory_space<semaphore_mem>>
      %dma_start3A = arith.constant 0 : i32
      %dma_start3A_48 = tpu.memref_slice %arg10[%add3A_11, %dma_start3A] : memref<10240x128xf32, #tpu.memory_space<vmem_shared>> -> memref<84x128xf32, #tpu.memory_space<vmem_shared>>
      %dma_start3A_49 = arith.constant 0 : i32
      %dma_start3A_50 = tpu.memref_slice %arg10[%add3A_11, %dma_start3A_49] : memref<10240x128xf32, #tpu.memory_space<vmem_shared>> -> memref<84x128xf32, #tpu.memory_space<vmem_shared>>
      tpu.enqueue_dma source(%arg7 : memref<84x128xf32, #tpu.memory_space<vmem>>) target(%dma_start3A_50 : memref<84x128xf32, #tpu.memory_space<vmem_shared>>) target_semaphore(%run_scoped3A : memref<!tpu.dma_semaphore, #tpu.memory_space<semaphore_mem>>)
      %dma_wait3A = arith.constant 0 : i32
      %dma_wait3A_51 = tpu.memref_slice %arg10[%add3A_11, %dma_wait3A] : memref<10240x128xf32, #tpu.memory_space<vmem_shared>> -> memref<84x128xf32, #tpu.memory_space<vmem_shared>>
      %dma_wait3A_52 = arith.constant 0 : i32
      %dma_wait3A_53 = tpu.memref_slice %arg10[%add3A_11, %dma_wait3A_52] : memref<10240x128xf32, #tpu.memory_space<vmem_shared>> -> memref<84x128xf32, #tpu.memory_space<vmem_shared>>
      tpu.wait_dma2 semaphore(%run_scoped3A : memref<!tpu.dma_semaphore, #tpu.memory_space<semaphore_mem>>) src(%arg7 : memref<84x128xf32, #tpu.memory_space<vmem>>) dst(%dma_wait3A_53 : memref<84x128xf32, #tpu.memory_space<vmem_shared>>)
      tpu.yield
    }) : () -> ()
    %mul3A_12 = arith.constant 640 : i32
    %mul3A_13 = arith.muli %arg1, %mul3A_12 : i32
    %add3A_14 = arith.constant 168 : i32
    %add3A_15 = arith.addi %mul3A_13, %add3A_14 : i32
    "tpu.region"() ({
      %run_scoped3A = tpu.sem_alloc : memref<!tpu.dma_semaphore, #tpu.memory_space<semaphore_mem>>
      %dma_start3A = arith.constant 0 : i32
      %dma_start3A_48 = tpu.memref_slice %arg10[%add3A_15, %dma_start3A] : memref<10240x128xf32, #tpu.memory_space<vmem_shared>> -> memref<84x128xf32, #tpu.memory_space<vmem_shared>>
      %dma_start3A_49 = arith.constant 0 : i32
      %dma_start3A_50 = tpu.memref_slice %arg10[%add3A_15, %dma_start3A_49] : memref<10240x128xf32, #tpu.memory_space<vmem_shared>> -> memref<84x128xf32, #tpu.memory_space<vmem_shared>>
      tpu.enqueue_dma source(%arg7 : memref<84x128xf32, #tpu.memory_space<vmem>>) target(%dma_start3A_50 : memref<84x128xf32, #tpu.memory_space<vmem_shared>>) target_semaphore(%run_scoped3A : memref<!tpu.dma_semaphore, #tpu.memory_space<semaphore_mem>>)
      %dma_wait3A = arith.constant 0 : i32
      %dma_wait3A_51 = tpu.memref_slice %arg10[%add3A_15, %dma_wait3A] : memref<10240x128xf32, #tpu.memory_space<vmem_shared>> -> memref<84x128xf32, #tpu.memory_space<vmem_shared>>
      %dma_wait3A_52 = arith.constant 0 : i32
      %dma_wait3A_53 = tpu.memref_slice %arg10[%add3A_15, %dma_wait3A_52] : memref<10240x128xf32, #tpu.memory_space<vmem_shared>> -> memref<84x128xf32, #tpu.memory_space<vmem_shared>>
      tpu.wait_dma2 semaphore(%run_scoped3A : memref<!tpu.dma_semaphore, #tpu.memory_space<semaphore_mem>>) src(%arg7 : memref<84x128xf32, #tpu.memory_space<vmem>>) dst(%dma_wait3A_53 : memref<84x128xf32, #tpu.memory_space<vmem_shared>>)
      tpu.yield
    }) : () -> ()
    %mul3A_16 = arith.constant 640 : i32
    %mul3A_17 = arith.muli %arg1, %mul3A_16 : i32
    %add3A_18 = arith.constant 252 : i32
    %add3A_19 = arith.addi %mul3A_17, %add3A_18 : i32
    "tpu.region"() ({
      %run_scoped3A = tpu.sem_alloc : memref<!tpu.dma_semaphore, #tpu.memory_space<semaphore_mem>>
      %dma_start3A = arith.constant 0 : i32
      %dma_start3A_48 = tpu.memref_slice %arg10[%add3A_19, %dma_start3A] : memref<10240x128xf32, #tpu.memory_space<vmem_shared>> -> memref<84x128xf32, #tpu.memory_space<vmem_shared>>
      %dma_start3A_49 = arith.constant 0 : i32
      %dma_start3A_50 = tpu.memref_slice %arg10[%add3A_19, %dma_start3A_49] : memref<10240x128xf32, #tpu.memory_space<vmem_shared>> -> memref<84x128xf32, #tpu.memory_space<vmem_shared>>
      tpu.enqueue_dma source(%arg7 : memref<84x128xf32, #tpu.memory_space<vmem>>) target(%dma_start3A_50 : memref<84x128xf32, #tpu.memory_space<vmem_shared>>) target_semaphore(%run_scoped3A : memref<!tpu.dma_semaphore, #tpu.memory_space<semaphore_mem>>)
      %dma_wait3A = arith.constant 0 : i32
      %dma_wait3A_51 = tpu.memref_slice %arg10[%add3A_19, %dma_wait3A] : memref<10240x128xf32, #tpu.memory_space<vmem_shared>> -> memref<84x128xf32, #tpu.memory_space<vmem_shared>>
      %dma_wait3A_52 = arith.constant 0 : i32
      %dma_wait3A_53 = tpu.memref_slice %arg10[%add3A_19, %dma_wait3A_52] : memref<10240x128xf32, #tpu.memory_space<vmem_shared>> -> memref<84x128xf32, #tpu.memory_space<vmem_shared>>
      tpu.wait_dma2 semaphore(%run_scoped3A : memref<!tpu.dma_semaphore, #tpu.memory_space<semaphore_mem>>) src(%arg7 : memref<84x128xf32, #tpu.memory_space<vmem>>) dst(%dma_wait3A_53 : memref<84x128xf32, #tpu.memory_space<vmem_shared>>)
      tpu.yield
    }) : () -> ()
    %mul3A_20 = arith.constant 640 : i32
    %mul3A_21 = arith.muli %arg1, %mul3A_20 : i32
    %add3A_22 = arith.constant 336 : i32
    %add3A_23 = arith.addi %mul3A_21, %add3A_22 : i32
    "tpu.region"() ({
      %run_scoped3A = tpu.sem_alloc : memref<!tpu.dma_semaphore, #tpu.memory_space<semaphore_mem>>
      %dma_start3A = arith.constant 0 : i32
      %dma_start3A_48 = tpu.memref_slice %arg10[%add3A_23, %dma_start3A] : memref<10240x128xf32, #tpu.memory_space<vmem_shared>> -> memref<84x128xf32, #tpu.memory_space<vmem_shared>>
      %dma_start3A_49 = arith.constant 0 : i32
      %dma_start3A_50 = tpu.memref_slice %arg10[%add3A_23, %dma_start3A_49] : memref<10240x128xf32, #tpu.memory_space<vmem_shared>> -> memref<84x128xf32, #tpu.memory_space<vmem_shared>>
      tpu.enqueue_dma source(%arg7 : memref<84x128xf32, #tpu.memory_space<vmem>>) target(%dma_start3A_50 : memref<84x128xf32, #tpu.memory_space<vmem_shared>>) target_semaphore(%run_scoped3A : memref<!tpu.dma_semaphore, #tpu.memory_space<semaphore_mem>>)
      %dma_wait3A = arith.constant 0 : i32
      %dma_wait3A_51 = tpu.memref_slice %arg10[%add3A_23, %dma_wait3A] : memref<10240x128xf32, #tpu.memory_space<vmem_shared>> -> memref<84x128xf32, #tpu.memory_space<vmem_shared>>
      %dma_wait3A_52 = arith.constant 0 : i32
      %dma_wait3A_53 = tpu.memref_slice %arg10[%add3A_23, %dma_wait3A_52] : memref<10240x128xf32, #tpu.memory_space<vmem_shared>> -> memref<84x128xf32, #tpu.memory_space<vmem_shared>>
      tpu.wait_dma2 semaphore(%run_scoped3A : memref<!tpu.dma_semaphore, #tpu.memory_space<semaphore_mem>>) src(%arg7 : memref<84x128xf32, #tpu.memory_space<vmem>>) dst(%dma_wait3A_53 : memref<84x128xf32, #tpu.memory_space<vmem_shared>>)
      tpu.yield
    }) : () -> ()
    %mul3A_24 = arith.constant 640 : i32
    %mul3A_25 = arith.muli %arg1, %mul3A_24 : i32
    %add3A_26 = arith.constant 420 : i32
    %add3A_27 = arith.addi %mul3A_25, %add3A_26 : i32
    "tpu.region"() ({
      %run_scoped3A = tpu.sem_alloc : memref<!tpu.dma_semaphore, #tpu.memory_space<semaphore_mem>>
      %dma_start3A = arith.constant 0 : i32
      %dma_start3A_48 = tpu.memref_slice %arg10[%add3A_27, %dma_start3A] : memref<10240x128xf32, #tpu.memory_space<vmem_shared>> -> memref<84x128xf32, #tpu.memory_space<vmem_shared>>
      %dma_start3A_49 = arith.constant 0 : i32
      %dma_start3A_50 = tpu.memref_slice %arg10[%add3A_27, %dma_start3A_49] : memref<10240x128xf32, #tpu.memory_space<vmem_shared>> -> memref<84x128xf32, #tpu.memory_space<vmem_shared>>
      tpu.enqueue_dma source(%arg7 : memref<84x128xf32, #tpu.memory_space<vmem>>) target(%dma_start3A_50 : memref<84x128xf32, #tpu.memory_space<vmem_shared>>) target_semaphore(%run_scoped3A : memref<!tpu.dma_semaphore, #tpu.memory_space<semaphore_mem>>)
      %dma_wait3A = arith.constant 0 : i32
      %dma_wait3A_51 = tpu.memref_slice %arg10[%add3A_27, %dma_wait3A] : memref<10240x128xf32, #tpu.memory_space<vmem_shared>> -> memref<84x128xf32, #tpu.memory_space<vmem_shared>>
      %dma_wait3A_52 = arith.constant 0 : i32
      %dma_wait3A_53 = tpu.memref_slice %arg10[%add3A_27, %dma_wait3A_52] : memref<10240x128xf32, #tpu.memory_space<vmem_shared>> -> memref<84x128xf32, #tpu.memory_space<vmem_shared>>
      tpu.wait_dma2 semaphore(%run_scoped3A : memref<!tpu.dma_semaphore, #tpu.memory_space<semaphore_mem>>) src(%arg7 : memref<84x128xf32, #tpu.memory_space<vmem>>) dst(%dma_wait3A_53 : memref<84x128xf32, #tpu.memory_space<vmem_shared>>)
      tpu.yield
    }) : () -> ()
    %mul3A_28 = arith.constant 640 : i32
    %mul3A_29 = arith.muli %arg1, %mul3A_28 : i32
    %add3A_30 = arith.constant 504 : i32
    %add3A_31 = arith.addi %mul3A_29, %add3A_30 : i32
    "tpu.region"() ({
      %run_scoped3A = tpu.sem_alloc : memref<!tpu.dma_semaphore, #tpu.memory_space<semaphore_mem>>
      %dma_start3A = arith.constant 0 : i32
      %dma_start3A_48 = tpu.memref_slice %arg10[%add3A_31, %dma_start3A] : memref<10240x128xf32, #tpu.memory_space<vmem_shared>> -> memref<84x128xf32, #tpu.memory_space<vmem_shared>>
      %dma_start3A_49 = arith.constant 0 : i32
      %dma_start3A_50 = tpu.memref_slice %arg10[%add3A_31, %dma_start3A_49] : memref<10240x128xf32, #tpu.memory_space<vmem_shared>> -> memref<84x128xf32, #tpu.memory_space<vmem_shared>>
      tpu.enqueue_dma source(%arg7 : memref<84x128xf32, #tpu.memory_space<vmem>>) target(%dma_start3A_50 : memref<84x128xf32, #tpu.memory_space<vmem_shared>>) target_semaphore(%run_scoped3A : memref<!tpu.dma_semaphore, #tpu.memory_space<semaphore_mem>>)
      %dma_wait3A = arith.constant 0 : i32
      %dma_wait3A_51 = tpu.memref_slice %arg10[%add3A_31, %dma_wait3A] : memref<10240x128xf32, #tpu.memory_space<vmem_shared>> -> memref<84x128xf32, #tpu.memory_space<vmem_shared>>
      %dma_wait3A_52 = arith.constant 0 : i32
      %dma_wait3A_53 = tpu.memref_slice %arg10[%add3A_31, %dma_wait3A_52] : memref<10240x128xf32, #tpu.memory_space<vmem_shared>> -> memref<84x128xf32, #tpu.memory_space<vmem_shared>>
      tpu.wait_dma2 semaphore(%run_scoped3A : memref<!tpu.dma_semaphore, #tpu.memory_space<semaphore_mem>>) src(%arg7 : memref<84x128xf32, #tpu.memory_space<vmem>>) dst(%dma_wait3A_53 : memref<84x128xf32, #tpu.memory_space<vmem_shared>>)
      tpu.yield
    }) : () -> ()
    %mul3A_32 = arith.constant 640 : i32
    %mul3A_33 = arith.muli %arg1, %mul3A_32 : i32
    %add3A_34 = arith.constant 588 : i32
    %add3A_35 = arith.addi %mul3A_33, %add3A_34 : i32
    "tpu.region"() ({
      %run_scoped3A = tpu.sem_alloc : memref<!tpu.dma_semaphore, #tpu.memory_space<semaphore_mem>>
      %dma_start3A = arith.constant 0 : i32
      %dma_start3A_48 = arith.constant 0 : i32
      %dma_start3A_49 = tpu.memref_slice %arg7[%dma_start3A, %dma_start3A_48] : memref<84x128xf32, #tpu.memory_space<vmem>> -> memref<52x128xf32, #tpu.memory_space<vmem>>
      %dma_start3A_50 = arith.constant 0 : i32
      %dma_start3A_51 = tpu.memref_slice %arg10[%add3A_35, %dma_start3A_50] : memref<10240x128xf32, #tpu.memory_space<vmem_shared>> -> memref<52x128xf32, #tpu.memory_space<vmem_shared>>
      %dma_start3A_52 = arith.constant 0 : i32
      %dma_start3A_53 = tpu.memref_slice %arg10[%add3A_35, %dma_start3A_52] : memref<10240x128xf32, #tpu.memory_space<vmem_shared>> -> memref<52x128xf32, #tpu.memory_space<vmem_shared>>
      %dma_start3A_54 = arith.constant 0 : i32
      %dma_start3A_55 = arith.constant 0 : i32
      %dma_start3A_56 = tpu.memref_slice %arg7[%dma_start3A_54, %dma_start3A_55] : memref<84x128xf32, #tpu.memory_space<vmem>> -> memref<52x128xf32, #tpu.memory_space<vmem>>
      tpu.enqueue_dma source(%dma_start3A_56 : memref<52x128xf32, #tpu.memory_space<vmem>>) target(%dma_start3A_53 : memref<52x128xf32, #tpu.memory_space<vmem_shared>>) target_semaphore(%run_scoped3A : memref<!tpu.dma_semaphore, #tpu.memory_space<semaphore_mem>>)
      %dma_wait3A = arith.constant 0 : i32
      %dma_wait3A_57 = arith.constant 0 : i32
      %dma_wait3A_58 = tpu.memref_slice %arg7[%dma_wait3A, %dma_wait3A_57] : memref<84x128xf32, #tpu.memory_space<vmem>> -> memref<52x128xf32, #tpu.memory_space<vmem>>
      %dma_wait3A_59 = arith.constant 0 : i32
      %dma_wait3A_60 = tpu.memref_slice %arg10[%add3A_35, %dma_wait3A_59] : memref<10240x128xf32, #tpu.memory_space<vmem_shared>> -> memref<52x128xf32, #tpu.memory_space<vmem_shared>>
      %dma_wait3A_61 = arith.constant 0 : i32
      %dma_wait3A_62 = tpu.memref_slice %arg10[%add3A_35, %dma_wait3A_61] : memref<10240x128xf32, #tpu.memory_space<vmem_shared>> -> memref<52x128xf32, #tpu.memory_space<vmem_shared>>
      %dma_wait3A_63 = arith.constant 0 : i32
      %dma_wait3A_64 = arith.constant 0 : i32
      %dma_wait3A_65 = tpu.memref_slice %arg7[%dma_wait3A_63, %dma_wait3A_64] : memref<84x128xf32, #tpu.memory_space<vmem>> -> memref<52x128xf32, #tpu.memory_space<vmem>>
      tpu.wait_dma2 semaphore(%run_scoped3A : memref<!tpu.dma_semaphore, #tpu.memory_space<semaphore_mem>>) src(%dma_wait3A_65 : memref<52x128xf32, #tpu.memory_space<vmem>>) dst(%dma_wait3A_62 : memref<52x128xf32, #tpu.memory_space<vmem_shared>>)
      tpu.yield
    }) : () -> ()
    %barrier3A = arith.constant 0 : index
    tpu.barrier barrier_id(%barrier3A)
    %scan3A_36 = arith.constant 0 : i32
    %scan3A_37 = arith.constant 0 : i32
    %scan3A_38 = arith.constant 6 : i32
    %scan3A_39 = arith.addi %scan3A_37, %scan3A_38 : i32
    %scan3A_40 = arith.constant 1 : i32
    %scan3A_41 = scf.for %scan3A_48 = %scan3A_37 to %scan3A_39 step %scan3A_40 iter_args(%scan3A_49 = %scan3A_36) -> (i32)  : i32 {
      %run_scoped3A = arith.constant 0 : i32
      "tpu.region"() ({
        %run_scoped3A_86 = tpu.sem_alloc : memref<!tpu.dma_semaphore, #tpu.memory_space<semaphore_mem>>
        %dma_start3A_87 = arith.constant 0 : i32
        %dma_start3A_88 = arith.constant 0 : i32
        %dma_start3A_89 = tpu.memref_slice %arg3[%arg0, %arg1, %scan3A_48, %run_scoped3A, %dma_start3A_87, %dma_start3A_88] : memref<2x16x6x2x42x84xi32, #tpu.memory_space<hbm>> -> memref<1x1x1x1x42x84xi32, #tpu.memory_space<hbm>>
        %dma_start3A_90 = tpu.memref_squeeze %dma_start3A_89 : memref<1x1x1x1x42x84xi32, #tpu.memory_space<hbm>> -> memref<42x84xi32, #tpu.memory_space<hbm>>
        %dma_start3A_91 = arith.constant 0 : i32
        %dma_start3A_92 = arith.constant 0 : i32
        %dma_start3A_93 = tpu.memref_slice %arg3[%arg0, %arg1, %scan3A_48, %run_scoped3A, %dma_start3A_91, %dma_start3A_92] : memref<2x16x6x2x42x84xi32, #tpu.memory_space<hbm>> -> memref<1x1x1x1x42x84xi32, #tpu.memory_space<hbm>>
        %dma_start3A_94 = tpu.memref_squeeze %dma_start3A_93 : memref<1x1x1x1x42x84xi32, #tpu.memory_space<hbm>> -> memref<42x84xi32, #tpu.memory_space<hbm>>
        tpu.enqueue_dma source(%dma_start3A_94 : memref<42x84xi32, #tpu.memory_space<hbm>>) target(%arg5 : memref<42x84xi32, #tpu.memory_space<vmem>>) target_semaphore(%run_scoped3A_86 : memref<!tpu.dma_semaphore, #tpu.memory_space<semaphore_mem>>)
        %dma_wait3A_95 = arith.constant 0 : i32
        %dma_wait3A_96 = arith.constant 0 : i32
        %dma_wait3A_97 = tpu.memref_slice %arg3[%arg0, %arg1, %scan3A_48, %run_scoped3A, %dma_wait3A_95, %dma_wait3A_96] : memref<2x16x6x2x42x84xi32, #tpu.memory_space<hbm>> -> memref<1x1x1x1x42x84xi32, #tpu.memory_space<hbm>>
        %dma_wait3A_98 = tpu.memref_squeeze %dma_wait3A_97 : memref<1x1x1x1x42x84xi32, #tpu.memory_space<hbm>> -> memref<42x84xi32, #tpu.memory_space<hbm>>
        %dma_wait3A_99 = arith.constant 0 : i32
        %dma_wait3A_100 = arith.constant 0 : i32
        %dma_wait3A_101 = tpu.memref_slice %arg3[%arg0, %arg1, %scan3A_48, %run_scoped3A, %dma_wait3A_99, %dma_wait3A_100] : memref<2x16x6x2x42x84xi32, #tpu.memory_space<hbm>> -> memref<1x1x1x1x42x84xi32, #tpu.memory_space<hbm>>
        %dma_wait3A_102 = tpu.memref_squeeze %dma_wait3A_101 : memref<1x1x1x1x42x84xi32, #tpu.memory_space<hbm>> -> memref<42x84xi32, #tpu.memory_space<hbm>>
        tpu.wait_dma2 semaphore(%run_scoped3A_86 : memref<!tpu.dma_semaphore, #tpu.memory_space<semaphore_mem>>) src(%dma_wait3A_102 : memref<42x84xi32, #tpu.memory_space<hbm>>) dst(%arg5 : memref<42x84xi32, #tpu.memory_space<vmem>>)
        tpu.yield
      }) : () -> ()
      %run_scoped3A_50 = arith.constant 1 : i32
      "tpu.region"() ({
        %run_scoped3A_86 = tpu.sem_alloc : memref<!tpu.dma_semaphore, #tpu.memory_space<semaphore_mem>>
        %dma_start3A_87 = arith.constant 0 : i32
        %dma_start3A_88 = arith.constant 0 : i32
        %dma_start3A_89 = tpu.memref_slice %arg3[%arg0, %arg1, %scan3A_48, %run_scoped3A_50, %dma_start3A_87, %dma_start3A_88] : memref<2x16x6x2x42x84xi32, #tpu.memory_space<hbm>> -> memref<1x1x1x1x42x84xi32, #tpu.memory_space<hbm>>
        %dma_start3A_90 = tpu.memref_squeeze %dma_start3A_89 : memref<1x1x1x1x42x84xi32, #tpu.memory_space<hbm>> -> memref<42x84xi32, #tpu.memory_space<hbm>>
        %dma_start3A_91 = arith.constant 0 : i32
        %dma_start3A_92 = arith.constant 0 : i32
        %dma_start3A_93 = tpu.memref_slice %arg3[%arg0, %arg1, %scan3A_48, %run_scoped3A_50, %dma_start3A_91, %dma_start3A_92] : memref<2x16x6x2x42x84xi32, #tpu.memory_space<hbm>> -> memref<1x1x1x1x42x84xi32, #tpu.memory_space<hbm>>
        %dma_start3A_94 = tpu.memref_squeeze %dma_start3A_93 : memref<1x1x1x1x42x84xi32, #tpu.memory_space<hbm>> -> memref<42x84xi32, #tpu.memory_space<hbm>>
        tpu.enqueue_dma source(%dma_start3A_94 : memref<42x84xi32, #tpu.memory_space<hbm>>) target(%arg6 : memref<42x84xi32, #tpu.memory_space<vmem>>) target_semaphore(%run_scoped3A_86 : memref<!tpu.dma_semaphore, #tpu.memory_space<semaphore_mem>>)
        %dma_wait3A_95 = arith.constant 0 : i32
        %dma_wait3A_96 = arith.constant 0 : i32
        %dma_wait3A_97 = tpu.memref_slice %arg3[%arg0, %arg1, %scan3A_48, %run_scoped3A_50, %dma_wait3A_95, %dma_wait3A_96] : memref<2x16x6x2x42x84xi32, #tpu.memory_space<hbm>> -> memref<1x1x1x1x42x84xi32, #tpu.memory_space<hbm>>
        %dma_wait3A_98 = tpu.memref_squeeze %dma_wait3A_97 : memref<1x1x1x1x42x84xi32, #tpu.memory_space<hbm>> -> memref<42x84xi32, #tpu.memory_space<hbm>>
        %dma_wait3A_99 = arith.constant 0 : i32
        %dma_wait3A_100 = arith.constant 0 : i32
        %dma_wait3A_101 = tpu.memref_slice %arg3[%arg0, %arg1, %scan3A_48, %run_scoped3A_50, %dma_wait3A_99, %dma_wait3A_100] : memref<2x16x6x2x42x84xi32, #tpu.memory_space<hbm>> -> memref<1x1x1x1x42x84xi32, #tpu.memory_space<hbm>>
        %dma_wait3A_102 = tpu.memref_squeeze %dma_wait3A_101 : memref<1x1x1x1x42x84xi32, #tpu.memory_space<hbm>> -> memref<42x84xi32, #tpu.memory_space<hbm>>
        tpu.wait_dma2 semaphore(%run_scoped3A_86 : memref<!tpu.dma_semaphore, #tpu.memory_space<semaphore_mem>>) src(%dma_wait3A_102 : memref<42x84xi32, #tpu.memory_space<hbm>>) dst(%arg6 : memref<42x84xi32, #tpu.memory_space<vmem>>)
        tpu.yield
      }) : () -> ()
      %dma_start3A = arith.constant 0 : i32
      %dma_start3A_51 = arith.constant 0 : i32
      %dma_start3A_52 = tpu.memref_slice %arg5[%dma_start3A, %dma_start3A_51] : memref<42x84xi32, #tpu.memory_space<vmem>> -> memref<1x84xi32, #tpu.memory_space<vmem>>
      %dma_start3A_53 = tpu.memref_squeeze %dma_start3A_52 : memref<1x84xi32, #tpu.memory_space<vmem>> -> memref<84xi32, #tpu.memory_space<vmem>>
      %dma_start3A_54 = arith.constant 0 : i32
      %dma_start3A_55 = arith.constant 0 : i32
      %dma_start3A_56 = tpu.memref_slice %arg2[%arg0, %dma_start3A_54, %dma_start3A_55] : memref<2x10000x128xf32, #tpu.memory_space<hbm>> -> memref<1x10000x128xf32, #tpu.memory_space<hbm>>
      %dma_start3A_57 = tpu.memref_squeeze %dma_start3A_56 : memref<1x10000x128xf32, #tpu.memory_space<hbm>> -> memref<10000x128xf32, #tpu.memory_space<hbm>>
      %dma_start3A_58 = arith.constant 0 : i32
      %dma_start3A_59 = arith.constant 0 : i32
      %dma_start3A_60 = tpu.memref_slice %dma_start3A_57[%dma_start3A_58, %dma_start3A_59] : memref<10000x128xf32, #tpu.memory_space<hbm>> -> memref<10000x128xf32, #tpu.memory_space<hbm>>
      tpu.enqueue_indirect_dma source(%dma_start3A_60 : memref<10000x128xf32, #tpu.memory_space<hbm>>) target(%arg7 : memref<84x128xf32, #tpu.memory_space<vmem>>) offsets(%dma_start3A_53 : memref<84xi32, #tpu.memory_space<vmem>>) semaphore(%arg11 : memref<!tpu.dma_semaphore, #tpu.memory_space<semaphore_mem>>)
      %dma_start3A_61 = arith.constant 1 : i32
      %dma_start3A_62 = arith.constant 0 : i32
      %dma_start3A_63 = tpu.memref_slice %arg5[%dma_start3A_61, %dma_start3A_62] : memref<42x84xi32, #tpu.memory_space<vmem>> -> memref<1x84xi32, #tpu.memory_space<vmem>>
      %dma_start3A_64 = tpu.memref_squeeze %dma_start3A_63 : memref<1x84xi32, #tpu.memory_space<vmem>> -> memref<84xi32, #tpu.memory_space<vmem>>
      %dma_start3A_65 = arith.constant 0 : i32
      %dma_start3A_66 = arith.constant 0 : i32
      %dma_start3A_67 = tpu.memref_slice %arg2[%arg0, %dma_start3A_65, %dma_start3A_66] : memref<2x10000x128xf32, #tpu.memory_space<hbm>> -> memref<1x10000x128xf32, #tpu.memory_space<hbm>>
      %dma_start3A_68 = tpu.memref_squeeze %dma_start3A_67 : memref<1x10000x128xf32, #tpu.memory_space<hbm>> -> memref<10000x128xf32, #tpu.memory_space<hbm>>
      %dma_start3A_69 = arith.constant 0 : i32
      %dma_start3A_70 = arith.constant 0 : i32
      %dma_start3A_71 = tpu.memref_slice %dma_start3A_68[%dma_start3A_69, %dma_start3A_70] : memref<10000x128xf32, #tpu.memory_space<hbm>> -> memref<10000x128xf32, #tpu.memory_space<hbm>>
      tpu.enqueue_indirect_dma source(%dma_start3A_71 : memref<10000x128xf32, #tpu.memory_space<hbm>>) target(%arg8 : memref<84x128xf32, #tpu.memory_space<vmem>>) offsets(%dma_start3A_64 : memref<84xi32, #tpu.memory_space<vmem>>) semaphore(%arg12 : memref<!tpu.dma_semaphore, #tpu.memory_space<semaphore_mem>>)
      %scan3A_72 = arith.constant 0 : i32
      %scan3A_73 = arith.constant 0 : i32
      %scan3A_74 = arith.constant 14 : i32
      %scan3A_75 = arith.addi %scan3A_73, %scan3A_74 : i32
      %scan3A_76 = arith.constant 1 : i32
      %scan3A_77 = scf.for %scan3A_86 = %scan3A_73 to %scan3A_75 step %scan3A_76 iter_args(%scan3A_87 = %scan3A_72) -> (i32)  : i32 {
        %mul3A_88 = arith.constant 3 : i32
        %mul3A_89 = arith.muli %mul3A_88, %scan3A_86 : i32
        %add3A_90 = arith.constant 0 : i32
        %add3A_91 = arith.addi %mul3A_89, %add3A_90 : i32
        %gt3A = arith.constant 0 : i32
        %gt3A_92 = arith.cmpi sgt, %add3A_91, %gt3A : i32
        %convert_element_type3A = arith.extui %gt3A_92 : i1 to i32
        %cond3A = arith.constant 0 : i32
        %cond3A_93 = arith.cmpi ne, %convert_element_type3A, %cond3A : i32
        scf.if %cond3A_93 {
          %sub3A = arith.constant 1 : i32
          %sub3A_177 = arith.subi %add3A_91, %sub3A : i32
          %dma_wait3A_178 = arith.constant 0 : i32
          %dma_wait3A_179 = tpu.memref_slice %arg6[%sub3A_177, %dma_wait3A_178] : memref<42x84xi32, #tpu.memory_space<vmem>> -> memref<1x84xi32, #tpu.memory_space<vmem>>
          %dma_wait3A_180 = tpu.memref_squeeze %dma_wait3A_179 : memref<1x84xi32, #tpu.memory_space<vmem>> -> memref<84xi32, #tpu.memory_space<vmem>>
          %dma_wait3A_181 = arith.constant 0 : i32
          %dma_wait3A_182 = arith.constant 0 : i32
          %dma_wait3A_183 = tpu.memref_slice %arg10[%dma_wait3A_181, %dma_wait3A_182] : memref<10240x128xf32, #tpu.memory_space<vmem_shared>> -> memref<10240x128xf32, #tpu.memory_space<vmem_shared>>
          tpu.wait_indirect_dma semaphore(%arg16 : memref<!tpu.dma_semaphore, #tpu.memory_space<semaphore_mem>>) src(%arg9 : memref<84x128xf32, #tpu.memory_space<vmem>>) dst(%dma_wait3A_183 : memref<10240x128xf32, #tpu.memory_space<vmem_shared>>)
        } else {
        }
        %add3A_94 = arith.constant 2 : i32
        %add3A_95 = arith.addi %add3A_91, %add3A_94 : i32
        %lt3A = arith.constant 42 : i32
        %lt3A_96 = arith.cmpi slt, %add3A_95, %lt3A : i32
        %convert_element_type3A_97 = arith.extui %lt3A_96 : i1 to i32
        %cond3A_98 = arith.constant 0 : i32
        %cond3A_99 = arith.cmpi ne, %convert_element_type3A_97, %cond3A_98 : i32
        scf.if %cond3A_99 {
          %add3A_177 = arith.constant 2 : i32
          %add3A_178 = arith.addi %add3A_91, %add3A_177 : i32
          %dma_start3A_179 = arith.constant 0 : i32
          %dma_start3A_180 = tpu.memref_slice %arg5[%add3A_178, %dma_start3A_179] : memref<42x84xi32, #tpu.memory_space<vmem>> -> memref<1x84xi32, #tpu.memory_space<vmem>>
          %dma_start3A_181 = tpu.memref_squeeze %dma_start3A_180 : memref<1x84xi32, #tpu.memory_space<vmem>> -> memref<84xi32, #tpu.memory_space<vmem>>
          %dma_start3A_182 = arith.constant 0 : i32
          %dma_start3A_183 = arith.constant 0 : i32
          %dma_start3A_184 = tpu.memref_slice %arg2[%arg0, %dma_start3A_182, %dma_start3A_183] : memref<2x10000x128xf32, #tpu.memory_space<hbm>> -> memref<1x10000x128xf32, #tpu.memory_space<hbm>>
          %dma_start3A_185 = tpu.memref_squeeze %dma_start3A_184 : memref<1x10000x128xf32, #tpu.memory_space<hbm>> -> memref<10000x128xf32, #tpu.memory_space<hbm>>
          %dma_start3A_186 = arith.constant 0 : i32
          %dma_start3A_187 = arith.constant 0 : i32
          %dma_start3A_188 = tpu.memref_slice %dma_start3A_185[%dma_start3A_186, %dma_start3A_187] : memref<10000x128xf32, #tpu.memory_space<hbm>> -> memref<10000x128xf32, #tpu.memory_space<hbm>>
          tpu.enqueue_indirect_dma source(%dma_start3A_188 : memref<10000x128xf32, #tpu.memory_space<hbm>>) target(%arg9 : memref<84x128xf32, #tpu.memory_space<vmem>>) offsets(%dma_start3A_181 : memref<84xi32, #tpu.memory_space<vmem>>) semaphore(%arg13 : memref<!tpu.dma_semaphore, #tpu.memory_space<semaphore_mem>>)
        } else {
        }
        %dma_wait3A_100 = arith.constant 0 : i32
        %dma_wait3A_101 = tpu.memref_slice %arg5[%add3A_91, %dma_wait3A_100] : memref<42x84xi32, #tpu.memory_space<vmem>> -> memref<1x84xi32, #tpu.memory_space<vmem>>
        %dma_wait3A_102 = tpu.memref_squeeze %dma_wait3A_101 : memref<1x84xi32, #tpu.memory_space<vmem>> -> memref<84xi32, #tpu.memory_space<vmem>>
        %dma_wait3A_103 = arith.constant 0 : i32
        %dma_wait3A_104 = arith.constant 0 : i32
        %dma_wait3A_105 = tpu.memref_slice %arg2[%arg0, %dma_wait3A_103, %dma_wait3A_104] : memref<2x10000x128xf32, #tpu.memory_space<hbm>> -> memref<1x10000x128xf32, #tpu.memory_space<hbm>>
        %dma_wait3A_106 = tpu.memref_squeeze %dma_wait3A_105 : memref<1x10000x128xf32, #tpu.memory_space<hbm>> -> memref<10000x128xf32, #tpu.memory_space<hbm>>
        %dma_wait3A_107 = arith.constant 0 : i32
        %dma_wait3A_108 = arith.constant 0 : i32
        %dma_wait3A_109 = tpu.memref_slice %dma_wait3A_106[%dma_wait3A_107, %dma_wait3A_108] : memref<10000x128xf32, #tpu.memory_space<hbm>> -> memref<10000x128xf32, #tpu.memory_space<hbm>>
        tpu.wait_indirect_dma semaphore(%arg11 : memref<!tpu.dma_semaphore, #tpu.memory_space<semaphore_mem>>) src(%dma_wait3A_109 : memref<10000x128xf32, #tpu.memory_space<hbm>>) dst(%arg7 : memref<84x128xf32, #tpu.memory_space<vmem>>)
        %dma_start3A_110 = arith.constant 0 : i32
        %dma_start3A_111 = tpu.memref_slice %arg6[%add3A_91, %dma_start3A_110] : memref<42x84xi32, #tpu.memory_space<vmem>> -> memref<1x84xi32, #tpu.memory_space<vmem>>
        %dma_start3A_112 = tpu.memref_squeeze %dma_start3A_111 : memref<1x84xi32, #tpu.memory_space<vmem>> -> memref<84xi32, #tpu.memory_space<vmem>>
        %dma_start3A_113 = arith.constant 0 : i32
        %dma_start3A_114 = arith.constant 0 : i32
        %dma_start3A_115 = tpu.memref_slice %arg10[%dma_start3A_113, %dma_start3A_114] : memref<10240x128xf32, #tpu.memory_space<vmem_shared>> -> memref<10240x128xf32, #tpu.memory_space<vmem_shared>>
        tpu.enqueue_indirect_dma source(%arg7 : memref<84x128xf32, #tpu.memory_space<vmem>>) target(%dma_start3A_115 : memref<10240x128xf32, #tpu.memory_space<vmem_shared>>) offsets(%dma_start3A_112 : memref<84xi32, #tpu.memory_space<vmem>>) semaphore(%arg14 : memref<!tpu.dma_semaphore, #tpu.memory_space<semaphore_mem>>) {add = true}
        %add3A_116 = arith.constant 1 : i32
        %add3A_117 = arith.addi %mul3A_89, %add3A_116 : i32
        %gt3A_118 = arith.constant 0 : i32
        %gt3A_119 = arith.cmpi sgt, %add3A_117, %gt3A_118 : i32
        %convert_element_type3A_120 = arith.extui %gt3A_119 : i1 to i32
        %cond3A_121 = arith.constant 0 : i32
        %cond3A_122 = arith.cmpi ne, %convert_element_type3A_120, %cond3A_121 : i32
        scf.if %cond3A_122 {
          %sub3A = arith.constant 1 : i32
          %sub3A_177 = arith.subi %add3A_117, %sub3A : i32
          %dma_wait3A_178 = arith.constant 0 : i32
          %dma_wait3A_179 = tpu.memref_slice %arg6[%sub3A_177, %dma_wait3A_178] : memref<42x84xi32, #tpu.memory_space<vmem>> -> memref<1x84xi32, #tpu.memory_space<vmem>>
          %dma_wait3A_180 = tpu.memref_squeeze %dma_wait3A_179 : memref<1x84xi32, #tpu.memory_space<vmem>> -> memref<84xi32, #tpu.memory_space<vmem>>
          %dma_wait3A_181 = arith.constant 0 : i32
          %dma_wait3A_182 = arith.constant 0 : i32
          %dma_wait3A_183 = tpu.memref_slice %arg10[%dma_wait3A_181, %dma_wait3A_182] : memref<10240x128xf32, #tpu.memory_space<vmem_shared>> -> memref<10240x128xf32, #tpu.memory_space<vmem_shared>>
          tpu.wait_indirect_dma semaphore(%arg14 : memref<!tpu.dma_semaphore, #tpu.memory_space<semaphore_mem>>) src(%arg7 : memref<84x128xf32, #tpu.memory_space<vmem>>) dst(%dma_wait3A_183 : memref<10240x128xf32, #tpu.memory_space<vmem_shared>>)
        } else {
        }
        %add3A_123 = arith.constant 2 : i32
        %add3A_124 = arith.addi %add3A_117, %add3A_123 : i32
        %lt3A_125 = arith.constant 42 : i32
        %lt3A_126 = arith.cmpi slt, %add3A_124, %lt3A_125 : i32
        %convert_element_type3A_127 = arith.extui %lt3A_126 : i1 to i32
        %cond3A_128 = arith.constant 0 : i32
        %cond3A_129 = arith.cmpi ne, %convert_element_type3A_127, %cond3A_128 : i32
        scf.if %cond3A_129 {
          %add3A_177 = arith.constant 2 : i32
          %add3A_178 = arith.addi %add3A_117, %add3A_177 : i32
          %dma_start3A_179 = arith.constant 0 : i32
          %dma_start3A_180 = tpu.memref_slice %arg5[%add3A_178, %dma_start3A_179] : memref<42x84xi32, #tpu.memory_space<vmem>> -> memref<1x84xi32, #tpu.memory_space<vmem>>
          %dma_start3A_181 = tpu.memref_squeeze %dma_start3A_180 : memref<1x84xi32, #tpu.memory_space<vmem>> -> memref<84xi32, #tpu.memory_space<vmem>>
          %dma_start3A_182 = arith.constant 0 : i32
          %dma_start3A_183 = arith.constant 0 : i32
          %dma_start3A_184 = tpu.memref_slice %arg2[%arg0, %dma_start3A_182, %dma_start3A_183] : memref<2x10000x128xf32, #tpu.memory_space<hbm>> -> memref<1x10000x128xf32, #tpu.memory_space<hbm>>
          %dma_start3A_185 = tpu.memref_squeeze %dma_start3A_184 : memref<1x10000x128xf32, #tpu.memory_space<hbm>> -> memref<10000x128xf32, #tpu.memory_space<hbm>>
          %dma_start3A_186 = arith.constant 0 : i32
          %dma_start3A_187 = arith.constant 0 : i32
          %dma_start3A_188 = tpu.memref_slice %dma_start3A_185[%dma_start3A_186, %dma_start3A_187] : memref<10000x128xf32, #tpu.memory_space<hbm>> -> memref<10000x128xf32, #tpu.memory_space<hbm>>
          tpu.enqueue_indirect_dma source(%dma_start3A_188 : memref<10000x128xf32, #tpu.memory_space<hbm>>) target(%arg7 : memref<84x128xf32, #tpu.memory_space<vmem>>) offsets(%dma_start3A_181 : memref<84xi32, #tpu.memory_space<vmem>>) semaphore(%arg11 : memref<!tpu.dma_semaphore, #tpu.memory_space<semaphore_mem>>)
        } else {
        }
        %dma_wait3A_130 = arith.constant 0 : i32
        %dma_wait3A_131 = tpu.memref_slice %arg5[%add3A_117, %dma_wait3A_130] : memref<42x84xi32, #tpu.memory_space<vmem>> -> memref<1x84xi32, #tpu.memory_space<vmem>>
        %dma_wait3A_132 = tpu.memref_squeeze %dma_wait3A_131 : memref<1x84xi32, #tpu.memory_space<vmem>> -> memref<84xi32, #tpu.memory_space<vmem>>
        %dma_wait3A_133 = arith.constant 0 : i32
        %dma_wait3A_134 = arith.constant 0 : i32
        %dma_wait3A_135 = tpu.memref_slice %arg2[%arg0, %dma_wait3A_133, %dma_wait3A_134] : memref<2x10000x128xf32, #tpu.memory_space<hbm>> -> memref<1x10000x128xf32, #tpu.memory_space<hbm>>
        %dma_wait3A_136 = tpu.memref_squeeze %dma_wait3A_135 : memref<1x10000x128xf32, #tpu.memory_space<hbm>> -> memref<10000x128xf32, #tpu.memory_space<hbm>>
        %dma_wait3A_137 = arith.constant 0 : i32
        %dma_wait3A_138 = arith.constant 0 : i32
        %dma_wait3A_139 = tpu.memref_slice %dma_wait3A_136[%dma_wait3A_137, %dma_wait3A_138] : memref<10000x128xf32, #tpu.memory_space<hbm>> -> memref<10000x128xf32, #tpu.memory_space<hbm>>
        tpu.wait_indirect_dma semaphore(%arg12 : memref<!tpu.dma_semaphore, #tpu.memory_space<semaphore_mem>>) src(%dma_wait3A_139 : memref<10000x128xf32, #tpu.memory_space<hbm>>) dst(%arg8 : memref<84x128xf32, #tpu.memory_space<vmem>>)
        %dma_start3A_140 = arith.constant 0 : i32
        %dma_start3A_141 = tpu.memref_slice %arg6[%add3A_117, %dma_start3A_140] : memref<42x84xi32, #tpu.memory_space<vmem>> -> memref<1x84xi32, #tpu.memory_space<vmem>>
        %dma_start3A_142 = tpu.memref_squeeze %dma_start3A_141 : memref<1x84xi32, #tpu.memory_space<vmem>> -> memref<84xi32, #tpu.memory_space<vmem>>
        %dma_start3A_143 = arith.constant 0 : i32
        %dma_start3A_144 = arith.constant 0 : i32
        %dma_start3A_145 = tpu.memref_slice %arg10[%dma_start3A_143, %dma_start3A_144] : memref<10240x128xf32, #tpu.memory_space<vmem_shared>> -> memref<10240x128xf32, #tpu.memory_space<vmem_shared>>
        tpu.enqueue_indirect_dma source(%arg8 : memref<84x128xf32, #tpu.memory_space<vmem>>) target(%dma_start3A_145 : memref<10240x128xf32, #tpu.memory_space<vmem_shared>>) offsets(%dma_start3A_142 : memref<84xi32, #tpu.memory_space<vmem>>) semaphore(%arg15 : memref<!tpu.dma_semaphore, #tpu.memory_space<semaphore_mem>>) {add = true}
        %add3A_146 = arith.constant 2 : i32
        %add3A_147 = arith.addi %mul3A_89, %add3A_146 : i32
        %gt3A_148 = arith.constant 0 : i32
        %gt3A_149 = arith.cmpi sgt, %add3A_147, %gt3A_148 : i32
        %convert_element_type3A_150 = arith.extui %gt3A_149 : i1 to i32
        %cond3A_151 = arith.constant 0 : i32
        %cond3A_152 = arith.cmpi ne, %convert_element_type3A_150, %cond3A_151 : i32
        scf.if %cond3A_152 {
          %sub3A = arith.constant 1 : i32
          %sub3A_177 = arith.subi %add3A_147, %sub3A : i32
          %dma_wait3A_178 = arith.constant 0 : i32
          %dma_wait3A_179 = tpu.memref_slice %arg6[%sub3A_177, %dma_wait3A_178] : memref<42x84xi32, #tpu.memory_space<vmem>> -> memref<1x84xi32, #tpu.memory_space<vmem>>
          %dma_wait3A_180 = tpu.memref_squeeze %dma_wait3A_179 : memref<1x84xi32, #tpu.memory_space<vmem>> -> memref<84xi32, #tpu.memory_space<vmem>>
          %dma_wait3A_181 = arith.constant 0 : i32
          %dma_wait3A_182 = arith.constant 0 : i32
          %dma_wait3A_183 = tpu.memref_slice %arg10[%dma_wait3A_181, %dma_wait3A_182] : memref<10240x128xf32, #tpu.memory_space<vmem_shared>> -> memref<10240x128xf32, #tpu.memory_space<vmem_shared>>
          tpu.wait_indirect_dma semaphore(%arg15 : memref<!tpu.dma_semaphore, #tpu.memory_space<semaphore_mem>>) src(%arg8 : memref<84x128xf32, #tpu.memory_space<vmem>>) dst(%dma_wait3A_183 : memref<10240x128xf32, #tpu.memory_space<vmem_shared>>)
        } else {
        }
        %add3A_153 = arith.constant 2 : i32
        %add3A_154 = arith.addi %add3A_147, %add3A_153 : i32
        %lt3A_155 = arith.constant 42 : i32
        %lt3A_156 = arith.cmpi slt, %add3A_154, %lt3A_155 : i32
        %convert_element_type3A_157 = arith.extui %lt3A_156 : i1 to i32
        %cond3A_158 = arith.constant 0 : i32
        %cond3A_159 = arith.cmpi ne, %convert_element_type3A_157, %cond3A_158 : i32
        scf.if %cond3A_159 {
          %add3A_177 = arith.constant 2 : i32
          %add3A_178 = arith.addi %add3A_147, %add3A_177 : i32
          %dma_start3A_179 = arith.constant 0 : i32
          %dma_start3A_180 = tpu.memref_slice %arg5[%add3A_178, %dma_start3A_179] : memref<42x84xi32, #tpu.memory_space<vmem>> -> memref<1x84xi32, #tpu.memory_space<vmem>>
          %dma_start3A_181 = tpu.memref_squeeze %dma_start3A_180 : memref<1x84xi32, #tpu.memory_space<vmem>> -> memref<84xi32, #tpu.memory_space<vmem>>
          %dma_start3A_182 = arith.constant 0 : i32
          %dma_start3A_183 = arith.constant 0 : i32
          %dma_start3A_184 = tpu.memref_slice %arg2[%arg0, %dma_start3A_182, %dma_start3A_183] : memref<2x10000x128xf32, #tpu.memory_space<hbm>> -> memref<1x10000x128xf32, #tpu.memory_space<hbm>>
          %dma_start3A_185 = tpu.memref_squeeze %dma_start3A_184 : memref<1x10000x128xf32, #tpu.memory_space<hbm>> -> memref<10000x128xf32, #tpu.memory_space<hbm>>
          %dma_start3A_186 = arith.constant 0 : i32
          %dma_start3A_187 = arith.constant 0 : i32
          %dma_start3A_188 = tpu.memref_slice %dma_start3A_185[%dma_start3A_186, %dma_start3A_187] : memref<10000x128xf32, #tpu.memory_space<hbm>> -> memref<10000x128xf32, #tpu.memory_space<hbm>>
          tpu.enqueue_indirect_dma source(%dma_start3A_188 : memref<10000x128xf32, #tpu.memory_space<hbm>>) target(%arg8 : memref<84x128xf32, #tpu.memory_space<vmem>>) offsets(%dma_start3A_181 : memref<84xi32, #tpu.memory_space<vmem>>) semaphore(%arg12 : memref<!tpu.dma_semaphore, #tpu.memory_space<semaphore_mem>>)
        } else {
        }
        %dma_wait3A_160 = arith.constant 0 : i32
        %dma_wait3A_161 = tpu.memref_slice %arg5[%add3A_147, %dma_wait3A_160] : memref<42x84xi32, #tpu.memory_space<vmem>> -> memref<1x84xi32, #tpu.memory_space<vmem>>
        %dma_wait3A_162 = tpu.memref_squeeze %dma_wait3A_161 : memref<1x84xi32, #tpu.memory_space<vmem>> -> memref<84xi32, #tpu.memory_space<vmem>>
        %dma_wait3A_163 = arith.constant 0 : i32
        %dma_wait3A_164 = arith.constant 0 : i32
        %dma_wait3A_165 = tpu.memref_slice %arg2[%arg0, %dma_wait3A_163, %dma_wait3A_164] : memref<2x10000x128xf32, #tpu.memory_space<hbm>> -> memref<1x10000x128xf32, #tpu.memory_space<hbm>>
        %dma_wait3A_166 = tpu.memref_squeeze %dma_wait3A_165 : memref<1x10000x128xf32, #tpu.memory_space<hbm>> -> memref<10000x128xf32, #tpu.memory_space<hbm>>
        %dma_wait3A_167 = arith.constant 0 : i32
        %dma_wait3A_168 = arith.constant 0 : i32
        %dma_wait3A_169 = tpu.memref_slice %dma_wait3A_166[%dma_wait3A_167, %dma_wait3A_168] : memref<10000x128xf32, #tpu.memory_space<hbm>> -> memref<10000x128xf32, #tpu.memory_space<hbm>>
        tpu.wait_indirect_dma semaphore(%arg13 : memref<!tpu.dma_semaphore, #tpu.memory_space<semaphore_mem>>) src(%dma_wait3A_169 : memref<10000x128xf32, #tpu.memory_space<hbm>>) dst(%arg9 : memref<84x128xf32, #tpu.memory_space<vmem>>)
        %dma_start3A_170 = arith.constant 0 : i32
        %dma_start3A_171 = tpu.memref_slice %arg6[%add3A_147, %dma_start3A_170] : memref<42x84xi32, #tpu.memory_space<vmem>> -> memref<1x84xi32, #tpu.memory_space<vmem>>
        %dma_start3A_172 = tpu.memref_squeeze %dma_start3A_171 : memref<1x84xi32, #tpu.memory_space<vmem>> -> memref<84xi32, #tpu.memory_space<vmem>>
        %dma_start3A_173 = arith.constant 0 : i32
        %dma_start3A_174 = arith.constant 0 : i32
        %dma_start3A_175 = tpu.memref_slice %arg10[%dma_start3A_173, %dma_start3A_174] : memref<10240x128xf32, #tpu.memory_space<vmem_shared>> -> memref<10240x128xf32, #tpu.memory_space<vmem_shared>>
        tpu.enqueue_indirect_dma source(%arg9 : memref<84x128xf32, #tpu.memory_space<vmem>>) target(%dma_start3A_175 : memref<10240x128xf32, #tpu.memory_space<vmem_shared>>) offsets(%dma_start3A_172 : memref<84xi32, #tpu.memory_space<vmem>>) semaphore(%arg16 : memref<!tpu.dma_semaphore, #tpu.memory_space<semaphore_mem>>) {add = true}
        %scan3A_176 = arith.constant 0 : i32
        scf.yield %scan3A_176 : i32
      }
      %scan3A_78 = arith.constant 14 : i32
      %dma_wait3A = arith.constant 41 : i32
      %dma_wait3A_79 = arith.constant 0 : i32
      %dma_wait3A_80 = tpu.memref_slice %arg6[%dma_wait3A, %dma_wait3A_79] : memref<42x84xi32, #tpu.memory_space<vmem>> -> memref<1x84xi32, #tpu.memory_space<vmem>>
      %dma_wait3A_81 = tpu.memref_squeeze %dma_wait3A_80 : memref<1x84xi32, #tpu.memory_space<vmem>> -> memref<84xi32, #tpu.memory_space<vmem>>
      %dma_wait3A_82 = arith.constant 0 : i32
      %dma_wait3A_83 = arith.constant 0 : i32
      %dma_wait3A_84 = tpu.memref_slice %arg10[%dma_wait3A_82, %dma_wait3A_83] : memref<10240x128xf32, #tpu.memory_space<vmem_shared>> -> memref<10240x128xf32, #tpu.memory_space<vmem_shared>>
      tpu.wait_indirect_dma semaphore(%arg16 : memref<!tpu.dma_semaphore, #tpu.memory_space<semaphore_mem>>) src(%arg9 : memref<84x128xf32, #tpu.memory_space<vmem>>) dst(%dma_wait3A_84 : memref<10240x128xf32, #tpu.memory_space<vmem_shared>>)
      %scan3A_85 = arith.constant 0 : i32
      scf.yield %scan3A_85 : i32
    }
    %scan3A_42 = arith.constant 6 : i32
    %barrier3A_43 = arith.constant 0 : index
    tpu.barrier barrier_id(%barrier3A_43)
    %mul3A_44 = arith.constant 640 : i32
    %mul3A_45 = arith.muli %arg1, %mul3A_44 : i32
    %mul3A_46 = arith.constant 640 : i32
    %mul3A_47 = arith.muli %arg1, %mul3A_46 : i32
    "tpu.region"() ({
      %run_scoped3A = tpu.sem_alloc : memref<!tpu.dma_semaphore, #tpu.memory_space<semaphore_mem>>
      %dma_start3A = arith.constant 0 : i32
      %dma_start3A_48 = tpu.memref_slice %arg4[%arg0, %mul3A_47, %dma_start3A] : memref<2x10240x128xf32, #tpu.memory_space<hbm>> -> memref<1x640x128xf32, #tpu.memory_space<hbm>>
      %dma_start3A_49 = tpu.memref_squeeze %dma_start3A_48 : memref<1x640x128xf32, #tpu.memory_space<hbm>> -> memref<640x128xf32, #tpu.memory_space<hbm>>
      %dma_start3A_50 = arith.constant 0 : i32
      %dma_start3A_51 = tpu.memref_slice %arg10[%mul3A_45, %dma_start3A_50] : memref<10240x128xf32, #tpu.memory_space<vmem_shared>> -> memref<640x128xf32, #tpu.memory_space<vmem_shared>>
      tpu.enqueue_dma source(%dma_start3A_51 : memref<640x128xf32, #tpu.memory_space<vmem_shared>>) target(%dma_start3A_49 : memref<640x128xf32, #tpu.memory_space<hbm>>) target_semaphore(%run_scoped3A : memref<!tpu.dma_semaphore, #tpu.memory_space<semaphore_mem>>)
      %dma_wait3A = arith.constant 0 : i32
      %dma_wait3A_52 = tpu.memref_slice %arg4[%arg0, %mul3A_47, %dma_wait3A] : memref<2x10240x128xf32, #tpu.memory_space<hbm>> -> memref<1x640x128xf32, #tpu.memory_space<hbm>>
      %dma_wait3A_53 = tpu.memref_squeeze %dma_wait3A_52 : memref<1x640x128xf32, #tpu.memory_space<hbm>> -> memref<640x128xf32, #tpu.memory_space<hbm>>
      %dma_wait3A_54 = arith.constant 0 : i32
      %dma_wait3A_55 = tpu.memref_slice %arg10[%mul3A_45, %dma_wait3A_54] : memref<10240x128xf32, #tpu.memory_space<vmem_shared>> -> memref<640x128xf32, #tpu.memory_space<vmem_shared>>
      tpu.wait_dma2 semaphore(%run_scoped3A : memref<!tpu.dma_semaphore, #tpu.memory_space<semaphore_mem>>) src(%dma_wait3A_55 : memref<640x128xf32, #tpu.memory_space<vmem_shared>>) dst(%dma_wait3A_53 : memref<640x128xf32, #tpu.memory_space<hbm>>)
      tpu.yield
    }) : () -> ()
    return
  }
}

module attributes {stable_mosaic.version = 14 : i64} {
  func.func @_mm1_body(%arg0: memref<10000x128xf32, #tpu.memory_space<vmem>>, %arg1: memref<10000x128xf32, #tpu.memory_space<vmem>>, %arg2: memref<128x128xf32, #tpu.memory_space<vmem>>, %arg3: memref<2x10240xf32, #tpu.memory_space<vmem>>, %arg4: memref<2x10000x128xf32, #tpu.memory_space<vmem>>, %arg5: memref<2x10240xf32, #tpu.memory_space<vmem>>) attributes {dimension_semantics = [], scalar_prefetch = 0 : i64, scratch_operands = 0 : i64, tpu.core_type = #tpu.core_type<tc>} {
    %get3A = arith.constant 0 : index
    %get3A_0 = arith.constant 0 : index
    %get3A_1 = vector.load %arg3[%get3A, %get3A_0] : memref<2x10240xf32, #tpu.memory_space<vmem>>, vector<1x10240xf32>
    %get3A_2 = vector.shape_cast %get3A_1 : vector<1x10240xf32> to vector<10240xf32>
    %gt3A = arith.constant 0.000000e+00 : f32
    %gt3A_3 = vector.broadcast %gt3A : f32 to vector<10240xf32>
    %gt3A_4 = arith.cmpf ogt, %get3A_2, %gt3A_3 : vector<10240xf32>
    %rsqrt3A = math.rsqrt %get3A_2 : vector<10240xf32>
    %jit3A = arith.constant 0.000000e+00 : f32
    %broadcast_in_dim3A = vector.broadcast %jit3A : f32 to vector<10240xf32>
    %select_n3A = arith.select %gt3A_4, %rsqrt3A, %broadcast_in_dim3A : vector<10240xi1>, vector<10240xf32>
    %swap3A = arith.constant 0 : index
    %swap3A_5 = arith.constant 0 : index
    %swap3A_6 = vector.load %arg5[%swap3A, %swap3A_5] : memref<2x10240xf32, #tpu.memory_space<vmem>>, vector<1x10240xf32>
    %swap3A_7 = vector.shape_cast %swap3A_6 : vector<1x10240xf32> to vector<10240xf32>
    %swap3A_8 = vector.shape_cast %select_n3A : vector<10240xf32> to vector<1x10240xf32>
    tpu.vector_store %arg5[%swap3A, %swap3A_5], %swap3A_8 {strides = array<i32>} : memref<2x10240xf32, #tpu.memory_space<vmem>>, vector<1x10240xf32>,
    %get3A_9 = arith.constant 0 : index
    %get3A_10 = arith.constant 0 : index
    %get3A_11 = vector.load %arg0[%get3A_9, %get3A_10] : memref<10000x128xf32, #tpu.memory_space<vmem>>, vector<10000x128xf32>
    %get3A_12 = arith.constant 0 : index
    %get3A_13 = arith.constant 0 : index
    %get3A_14 = vector.load %arg2[%get3A_12, %get3A_13] : memref<128x128xf32, #tpu.memory_space<vmem>>, vector<128x128xf32>
    %dot_general3A = arith.constant dense<0.000000e+00> : vector<10000x128xf32>
    %dot_general3A_15 = tpu.matmul %get3A_11, %get3A_14, %dot_general3A {dimension_numbers = #tpu.dot_dimension_numbers<[1], [0], [0], [1], [0, 0, 1, 1], [], []>, transpose_lhs_hint = false} : vector<10000x128xf32>, vector<128x128xf32>, vector<10000x128xf32> -> vector<10000x128xf32>
    %slice3A = vector.extract_strided_slice %select_n3A {offsets = [0], sizes = [10000], strides = [1]} : vector<10240xf32> to vector<10000xf32>
    %broadcast_in_dim3A_16 = vector.shape_cast %slice3A : vector<10000xf32> to vector<10000x1xf32>
    %mul3A = vector.broadcast %broadcast_in_dim3A_16 : vector<10000x1xf32> to vector<10000x128xf32>
    %mul3A_17 = arith.mulf %dot_general3A_15, %mul3A : vector<10000x128xf32>
    %swap3A_18 = arith.constant 0 : index
    %swap3A_19 = arith.constant 0 : index
    %swap3A_20 = arith.constant 0 : index
    %swap3A_21 = vector.load %arg4[%swap3A_18, %swap3A_19, %swap3A_20] : memref<2x10000x128xf32, #tpu.memory_space<vmem>>, vector<1x10000x128xf32>
    %swap3A_22 = vector.shape_cast %swap3A_21 : vector<1x10000x128xf32> to vector<10000x128xf32>
    %swap3A_23 = vector.shape_cast %mul3A_17 : vector<10000x128xf32> to vector<1x10000x128xf32>
    tpu.vector_store %arg4[%swap3A_18, %swap3A_19, %swap3A_20], %swap3A_23 {strides = array<i32>} : memref<2x10000x128xf32, #tpu.memory_space<vmem>>, vector<1x10000x128xf32>,
    %get3A_24 = arith.constant 1 : index
    %get3A_25 = arith.constant 0 : index
    %get3A_26 = vector.load %arg3[%get3A_24, %get3A_25] : memref<2x10240xf32, #tpu.memory_space<vmem>>, vector<1x10240xf32>
    %get3A_27 = vector.shape_cast %get3A_26 : vector<1x10240xf32> to vector<10240xf32>
    %gt3A_28 = arith.constant 0.000000e+00 : f32
    %gt3A_29 = vector.broadcast %gt3A_28 : f32 to vector<10240xf32>
    %gt3A_30 = arith.cmpf ogt, %get3A_27, %gt3A_29 : vector<10240xf32>
    %rsqrt3A_31 = math.rsqrt %get3A_27 : vector<10240xf32>
    %jit3A_32 = arith.constant 0.000000e+00 : f32
    %broadcast_in_dim3A_33 = vector.broadcast %jit3A_32 : f32 to vector<10240xf32>
    %select_n3A_34 = arith.select %gt3A_30, %rsqrt3A_31, %broadcast_in_dim3A_33 : vector<10240xi1>, vector<10240xf32>
    %swap3A_35 = arith.constant 1 : index
    %swap3A_36 = arith.constant 0 : index
    %swap3A_37 = vector.load %arg5[%swap3A_35, %swap3A_36] : memref<2x10240xf32, #tpu.memory_space<vmem>>, vector<1x10240xf32>
    %swap3A_38 = vector.shape_cast %swap3A_37 : vector<1x10240xf32> to vector<10240xf32>
    %swap3A_39 = vector.shape_cast %select_n3A_34 : vector<10240xf32> to vector<1x10240xf32>
    tpu.vector_store %arg5[%swap3A_35, %swap3A_36], %swap3A_39 {strides = array<i32>} : memref<2x10240xf32, #tpu.memory_space<vmem>>, vector<1x10240xf32>,
    %get3A_40 = arith.constant 0 : index
    %get3A_41 = arith.constant 0 : index
    %get3A_42 = vector.load %arg1[%get3A_40, %get3A_41] : memref<10000x128xf32, #tpu.memory_space<vmem>>, vector<10000x128xf32>
    %get3A_43 = arith.constant 0 : index
    %get3A_44 = arith.constant 0 : index
    %get3A_45 = vector.load %arg2[%get3A_43, %get3A_44] : memref<128x128xf32, #tpu.memory_space<vmem>>, vector<128x128xf32>
    %dot_general3A_46 = arith.constant dense<0.000000e+00> : vector<10000x128xf32>
    %dot_general3A_47 = tpu.matmul %get3A_42, %get3A_45, %dot_general3A_46 {dimension_numbers = #tpu.dot_dimension_numbers<[1], [0], [0], [1], [0, 0, 1, 1], [], []>, transpose_lhs_hint = false} : vector<10000x128xf32>, vector<128x128xf32>, vector<10000x128xf32> -> vector<10000x128xf32>
    %slice3A_48 = vector.extract_strided_slice %select_n3A_34 {offsets = [0], sizes = [10000], strides = [1]} : vector<10240xf32> to vector<10000xf32>
    %broadcast_in_dim3A_49 = vector.shape_cast %slice3A_48 : vector<10000xf32> to vector<10000x1xf32>
    %mul3A_50 = vector.broadcast %broadcast_in_dim3A_49 : vector<10000x1xf32> to vector<10000x128xf32>
    %mul3A_51 = arith.mulf %dot_general3A_47, %mul3A_50 : vector<10000x128xf32>
    %swap3A_52 = arith.constant 1 : index
    %swap3A_53 = arith.constant 0 : index
    %swap3A_54 = arith.constant 0 : index
    %swap3A_55 = vector.load %arg4[%swap3A_52, %swap3A_53, %swap3A_54] : memref<2x10000x128xf32, #tpu.memory_space<vmem>>, vector<1x10000x128xf32>
    %swap3A_56 = vector.shape_cast %swap3A_55 : vector<1x10000x128xf32> to vector<10000x128xf32>
    %swap3A_57 = vector.shape_cast %mul3A_51 : vector<10000x128xf32> to vector<1x10000x128xf32>
    tpu.vector_store %arg4[%swap3A_52, %swap3A_53, %swap3A_54], %swap3A_57 {strides = array<i32>} : memref<2x10000x128xf32, #tpu.memory_space<vmem>>, vector<1x10000x128xf32>,
    return
  }
}

module attributes {stable_mosaic.version = 14 : i64} {
  func.func @_mm2_body(%arg0: memref<2x10240x128xf32, #tpu.memory_space<vmem>>, %arg1: memref<2x10240xf32, #tpu.memory_space<vmem>>, %arg2: memref<128xf32, #tpu.memory_space<vmem>>, %arg3: memref<128x128xf32, #tpu.memory_space<vmem>>, %arg4: memref<2x10000x128xf32, #tpu.memory_space<vmem>>) attributes {dimension_semantics = [], scalar_prefetch = 0 : i64, scratch_operands = 0 : i64, tpu.core_type = #tpu.core_type<tc>} {
    %get3A = arith.constant 0 : index
    %get3A_0 = arith.constant 0 : index
    %get3A_1 = vector.load %arg1[%get3A, %get3A_0] : memref<2x10240xf32, #tpu.memory_space<vmem>>, vector<1x10000xf32>
    %get3A_2 = vector.shape_cast %get3A_1 : vector<1x10000xf32> to vector<10000xf32>
    %broadcast_in_dim3A = vector.shape_cast %get3A_2 : vector<10000xf32> to vector<10000x1xf32>
    %get3A_3 = arith.constant 0 : index
    %get3A_4 = arith.constant 0 : index
    %get3A_5 = arith.constant 0 : index
    %get3A_6 = vector.load %arg0[%get3A_3, %get3A_4, %get3A_5] : memref<2x10240x128xf32, #tpu.memory_space<vmem>>, vector<1x10000x128xf32>
    %get3A_7 = vector.shape_cast %get3A_6 : vector<1x10000x128xf32> to vector<10000x128xf32>
    %mul3A = vector.broadcast %broadcast_in_dim3A : vector<10000x1xf32> to vector<10000x128xf32>
    %mul3A_8 = arith.mulf %get3A_7, %mul3A : vector<10000x128xf32>
    %get3A_9 = arith.constant 0 : index
    %get3A_10 = vector.load %arg2[%get3A_9] : memref<128xf32, #tpu.memory_space<vmem>>, vector<128xf32>
    %broadcast_in_dim3A_11 = vector.shape_cast %get3A_10 : vector<128xf32> to vector<1x128xf32>
    %add3A = vector.broadcast %broadcast_in_dim3A_11 : vector<1x128xf32> to vector<10000x128xf32>
    %add3A_12 = arith.addf %mul3A_8, %add3A : vector<10000x128xf32>
    %get3A_13 = arith.constant 0 : index
    %get3A_14 = arith.constant 0 : index
    %get3A_15 = vector.load %arg3[%get3A_13, %get3A_14] : memref<128x128xf32, #tpu.memory_space<vmem>>, vector<128x128xf32>
    %dot_general3A = arith.constant dense<0.000000e+00> : vector<10000x128xf32>
    %dot_general3A_16 = tpu.matmul %add3A_12, %get3A_15, %dot_general3A {dimension_numbers = #tpu.dot_dimension_numbers<[1], [0], [0], [1], [0, 0, 1, 1], [], []>, transpose_lhs_hint = false} : vector<10000x128xf32>, vector<128x128xf32>, vector<10000x128xf32> -> vector<10000x128xf32>
    %mul3A_17 = vector.broadcast %broadcast_in_dim3A : vector<10000x1xf32> to vector<10000x128xf32>
    %mul3A_18 = arith.mulf %dot_general3A_16, %mul3A_17 : vector<10000x128xf32>
    %swap3A = arith.constant 0 : index
    %swap3A_19 = arith.constant 0 : index
    %swap3A_20 = arith.constant 0 : index
    %swap3A_21 = vector.load %arg4[%swap3A, %swap3A_19, %swap3A_20] : memref<2x10000x128xf32, #tpu.memory_space<vmem>>, vector<1x10000x128xf32>
    %swap3A_22 = vector.shape_cast %swap3A_21 : vector<1x10000x128xf32> to vector<10000x128xf32>
    %swap3A_23 = vector.shape_cast %mul3A_18 : vector<10000x128xf32> to vector<1x10000x128xf32>
    tpu.vector_store %arg4[%swap3A, %swap3A_19, %swap3A_20], %swap3A_23 {strides = array<i32>} : memref<2x10000x128xf32, #tpu.memory_space<vmem>>, vector<1x10000x128xf32>,
    %get3A_24 = arith.constant 1 : index
    %get3A_25 = arith.constant 0 : index
    %get3A_26 = vector.load %arg1[%get3A_24, %get3A_25] : memref<2x10240xf32, #tpu.memory_space<vmem>>, vector<1x10000xf32>
    %get3A_27 = vector.shape_cast %get3A_26 : vector<1x10000xf32> to vector<10000xf32>
    %broadcast_in_dim3A_28 = vector.shape_cast %get3A_27 : vector<10000xf32> to vector<10000x1xf32>
    %get3A_29 = arith.constant 1 : index
    %get3A_30 = arith.constant 0 : index
    %get3A_31 = arith.constant 0 : index
    %get3A_32 = vector.load %arg0[%get3A_29, %get3A_30, %get3A_31] : memref<2x10240x128xf32, #tpu.memory_space<vmem>>, vector<1x10000x128xf32>
    %get3A_33 = vector.shape_cast %get3A_32 : vector<1x10000x128xf32> to vector<10000x128xf32>
    %mul3A_34 = vector.broadcast %broadcast_in_dim3A_28 : vector<10000x1xf32> to vector<10000x128xf32>
    %mul3A_35 = arith.mulf %get3A_33, %mul3A_34 : vector<10000x128xf32>
    %get3A_36 = arith.constant 0 : index
    %get3A_37 = vector.load %arg2[%get3A_36] : memref<128xf32, #tpu.memory_space<vmem>>, vector<128xf32>
    %broadcast_in_dim3A_38 = vector.shape_cast %get3A_37 : vector<128xf32> to vector<1x128xf32>
    %add3A_39 = vector.broadcast %broadcast_in_dim3A_38 : vector<1x128xf32> to vector<10000x128xf32>
    %add3A_40 = arith.addf %mul3A_35, %add3A_39 : vector<10000x128xf32>
    %get3A_41 = arith.constant 0 : index
    %get3A_42 = arith.constant 0 : index
    %get3A_43 = vector.load %arg3[%get3A_41, %get3A_42] : memref<128x128xf32, #tpu.memory_space<vmem>>, vector<128x128xf32>
    %dot_general3A_44 = arith.constant dense<0.000000e+00> : vector<10000x128xf32>
    %dot_general3A_45 = tpu.matmul %add3A_40, %get3A_43, %dot_general3A_44 {dimension_numbers = #tpu.dot_dimension_numbers<[1], [0], [0], [1], [0, 0, 1, 1], [], []>, transpose_lhs_hint = false} : vector<10000x128xf32>, vector<128x128xf32>, vector<10000x128xf32> -> vector<10000x128xf32>
    %mul3A_46 = vector.broadcast %broadcast_in_dim3A_28 : vector<10000x1xf32> to vector<10000x128xf32>
    %mul3A_47 = arith.mulf %dot_general3A_45, %mul3A_46 : vector<10000x128xf32>
    %swap3A_48 = arith.constant 1 : index
    %swap3A_49 = arith.constant 0 : index
    %swap3A_50 = arith.constant 0 : index
    %swap3A_51 = vector.load %arg4[%swap3A_48, %swap3A_49, %swap3A_50] : memref<2x10000x128xf32, #tpu.memory_space<vmem>>, vector<1x10000x128xf32>
    %swap3A_52 = vector.shape_cast %swap3A_51 : vector<1x10000x128xf32> to vector<10000x128xf32>
    %swap3A_53 = vector.shape_cast %mul3A_47 : vector<10000x128xf32> to vector<1x10000x128xf32>
    tpu.vector_store %arg4[%swap3A_48, %swap3A_49, %swap3A_50], %swap3A_53 {strides = array<i32>} : memref<2x10000x128xf32, #tpu.memory_space<vmem>>, vector<1x10000x128xf32>,
    return
  }
}

module attributes {stable_mosaic.version = 14 : i64} {
  func.func @_head_body(%arg0: memref<2x10240x128xf32, #tpu.memory_space<vmem>>, %arg1: memref<2x10240xf32, #tpu.memory_space<vmem>>, %arg2: memref<10000xi32, #tpu.memory_space<vmem>>, %arg3: memref<10000xi32, #tpu.memory_space<vmem>>, %arg4: memref<128xf32, #tpu.memory_space<vmem>>, %arg5: memref<128x128xf32, #tpu.memory_space<vmem>>, %arg6: memref<128xf32, #tpu.memory_space<vmem>>, %arg7: memref<128x64xf32, #tpu.memory_space<vmem>>, %arg8: memref<64xf32, #tpu.memory_space<vmem>>, %arg9: memref<64xf32, #tpu.memory_space<vmem>>) attributes {dimension_semantics = [], scalar_prefetch = 0 : i64, scratch_operands = 0 : i64, tpu.core_type = #tpu.core_type<tc>} {
    %get3A = arith.constant 0 : index
    %get3A_0 = arith.constant 0 : index
    %get3A_1 = vector.load %arg1[%get3A, %get3A_0] : memref<2x10240xf32, #tpu.memory_space<vmem>>, vector<1x10000xf32>
    %get3A_2 = vector.shape_cast %get3A_1 : vector<1x10000xf32> to vector<10000xf32>
    %broadcast_in_dim3A = vector.shape_cast %get3A_2 : vector<10000xf32> to vector<10000x1xf32>
    %get3A_3 = arith.constant 0 : index
    %get3A_4 = arith.constant 0 : index
    %get3A_5 = arith.constant 0 : index
    %get3A_6 = vector.load %arg0[%get3A_3, %get3A_4, %get3A_5] : memref<2x10240x128xf32, #tpu.memory_space<vmem>>, vector<1x10000x128xf32>
    %get3A_7 = vector.shape_cast %get3A_6 : vector<1x10000x128xf32> to vector<10000x128xf32>
    %mul3A = vector.broadcast %broadcast_in_dim3A : vector<10000x1xf32> to vector<10000x128xf32>
    %mul3A_8 = arith.mulf %get3A_7, %mul3A : vector<10000x128xf32>
    %get3A_9 = arith.constant 0 : index
    %get3A_10 = vector.load %arg4[%get3A_9] : memref<128xf32, #tpu.memory_space<vmem>>, vector<128xf32>
    %broadcast_in_dim3A_11 = vector.shape_cast %get3A_10 : vector<128xf32> to vector<1x128xf32>
    %add3A = vector.broadcast %broadcast_in_dim3A_11 : vector<1x128xf32> to vector<10000x128xf32>
    %add3A_12 = arith.addf %mul3A_8, %add3A : vector<10000x128xf32>
    %iota3A = tpu.iota {dimensions = array<i32: 0>} : vector<64x10000xi32>
    %get3A_13 = arith.constant 0 : index
    %get3A_14 = vector.load %arg2[%get3A_13] : memref<10000xi32, #tpu.memory_space<vmem>>, vector<10000xi32>
    %broadcast_in_dim3A_15 = vector.shape_cast %get3A_14 : vector<10000xi32> to vector<1x10000xi32>
    %eq3A = vector.broadcast %broadcast_in_dim3A_15 : vector<1x10000xi32> to vector<64x10000xi32>
    %eq3A_16 = arith.cmpi eq, %eq3A, %iota3A : vector<64x10000xi32>
    %convert_element_type3A = arith.extui %eq3A_16 : vector<64x10000xi1> to vector<64x10000xi32>
    %convert_element_type3A_17 = arith.sitofp %convert_element_type3A : vector<64x10000xi32> to vector<64x10000xf32>
    %dot_general3A = arith.constant dense<0.000000e+00> : vector<64x128xf32>
    %dot_general3A_18 = tpu.matmul %convert_element_type3A_17, %add3A_12, %dot_general3A {dimension_numbers = #tpu.dot_dimension_numbers<[1], [0], [0], [1], [0, 0, 1, 1], [], []>, transpose_lhs_hint = false} : vector<64x10000xf32>, vector<10000x128xf32>, vector<64x128xf32> -> vector<64x128xf32>
    %reduce_sum3A = arith.constant dense<0.000000e+00> : vector<64xf32>
    %reduce_sum3A_19 = vector.multi_reduction <add>, %convert_element_type3A_17, %reduce_sum3A [1] : vector<64x10000xf32> to vector<64xf32>
    %max3A = arith.constant 1.000000e+00 : f32
    %max3A_20 = vector.broadcast %max3A : f32 to vector<64xf32>
    %max3A_21 = arith.maximumf %reduce_sum3A_19, %max3A_20 : vector<64xf32>
    %broadcast_in_dim3A_22 = vector.shape_cast %max3A_21 : vector<64xf32> to vector<64x1xf32>
    %div3A = vector.broadcast %broadcast_in_dim3A_22 : vector<64x1xf32> to vector<64x128xf32>
    %div3A_23 = arith.divf %dot_general3A_18, %div3A : vector<64x128xf32>
    %max3A_24 = arith.constant 0.000000e+00 : f32
    %max3A_25 = vector.broadcast %max3A_24 : f32 to vector<64x128xf32>
    %max3A_26 = arith.maximumf %div3A_23, %max3A_25 : vector<64x128xf32>
    %get3A_27 = arith.constant 0 : index
    %get3A_28 = arith.constant 0 : index
    %get3A_29 = vector.load %arg5[%get3A_27, %get3A_28] : memref<128x128xf32, #tpu.memory_space<vmem>>, vector<128x128xf32>
    %dot_general3A_30 = arith.constant dense<0.000000e+00> : vector<64x128xf32>
    %dot_general3A_31 = tpu.matmul %max3A_26, %get3A_29, %dot_general3A_30 {dimension_numbers = #tpu.dot_dimension_numbers<[1], [0], [0], [1], [0, 0, 1, 1], [], []>, transpose_lhs_hint = false} : vector<64x128xf32>, vector<128x128xf32>, vector<64x128xf32> -> vector<64x128xf32>
    %get3A_32 = arith.constant 0 : index
    %get3A_33 = vector.load %arg6[%get3A_32] : memref<128xf32, #tpu.memory_space<vmem>>, vector<128xf32>
    %broadcast_in_dim3A_34 = vector.shape_cast %get3A_33 : vector<128xf32> to vector<1x128xf32>
    %add3A_35 = vector.broadcast %broadcast_in_dim3A_34 : vector<1x128xf32> to vector<64x128xf32>
    %add3A_36 = arith.addf %dot_general3A_31, %add3A_35 : vector<64x128xf32>
    %max3A_37 = arith.constant 0.000000e+00 : f32
    %max3A_38 = vector.broadcast %max3A_37 : f32 to vector<64x128xf32>
    %max3A_39 = arith.maximumf %add3A_36, %max3A_38 : vector<64x128xf32>
    %get3A_40 = arith.constant 0 : index
    %get3A_41 = arith.constant 0 : index
    %get3A_42 = vector.load %arg7[%get3A_40, %get3A_41] : memref<128x64xf32, #tpu.memory_space<vmem>>, vector<128x64xf32>
    %dot_general3A_43 = arith.constant dense<0.000000e+00> : vector<64x64xf32>
    %dot_general3A_44 = tpu.matmul %max3A_39, %get3A_42, %dot_general3A_43 {dimension_numbers = #tpu.dot_dimension_numbers<[1], [0], [0], [1], [0, 0, 1, 1], [], []>, transpose_lhs_hint = false} : vector<64x128xf32>, vector<128x64xf32>, vector<64x64xf32> -> vector<64x64xf32>
    %get3A_45 = arith.constant 0 : index
    %get3A_46 = vector.load %arg8[%get3A_45] : memref<64xf32, #tpu.memory_space<vmem>>, vector<64xf32>
    %broadcast_in_dim3A_47 = vector.shape_cast %get3A_46 : vector<64xf32> to vector<1x64xf32>
    %add3A_48 = vector.broadcast %broadcast_in_dim3A_47 : vector<1x64xf32> to vector<64x64xf32>
    %add3A_49 = arith.addf %dot_general3A_44, %add3A_48 : vector<64x64xf32>
    %get3A_50 = arith.constant 1 : index
    %get3A_51 = arith.constant 0 : index
    %get3A_52 = vector.load %arg1[%get3A_50, %get3A_51] : memref<2x10240xf32, #tpu.memory_space<vmem>>, vector<1x10000xf32>
    %get3A_53 = vector.shape_cast %get3A_52 : vector<1x10000xf32> to vector<10000xf32>
    %broadcast_in_dim3A_54 = vector.shape_cast %get3A_53 : vector<10000xf32> to vector<10000x1xf32>
    %get3A_55 = arith.constant 1 : index
    %get3A_56 = arith.constant 0 : index
    %get3A_57 = arith.constant 0 : index
    %get3A_58 = vector.load %arg0[%get3A_55, %get3A_56, %get3A_57] : memref<2x10240x128xf32, #tpu.memory_space<vmem>>, vector<1x10000x128xf32>
    %get3A_59 = vector.shape_cast %get3A_58 : vector<1x10000x128xf32> to vector<10000x128xf32>
    %mul3A_60 = vector.broadcast %broadcast_in_dim3A_54 : vector<10000x1xf32> to vector<10000x128xf32>
    %mul3A_61 = arith.mulf %get3A_59, %mul3A_60 : vector<10000x128xf32>
    %get3A_62 = arith.constant 0 : index
    %get3A_63 = vector.load %arg4[%get3A_62] : memref<128xf32, #tpu.memory_space<vmem>>, vector<128xf32>
    %broadcast_in_dim3A_64 = vector.shape_cast %get3A_63 : vector<128xf32> to vector<1x128xf32>
    %add3A_65 = vector.broadcast %broadcast_in_dim3A_64 : vector<1x128xf32> to vector<10000x128xf32>
    %add3A_66 = arith.addf %mul3A_61, %add3A_65 : vector<10000x128xf32>
    %iota3A_67 = tpu.iota {dimensions = array<i32: 0>} : vector<64x10000xi32>
    %get3A_68 = arith.constant 0 : index
    %get3A_69 = vector.load %arg3[%get3A_68] : memref<10000xi32, #tpu.memory_space<vmem>>, vector<10000xi32>
    %broadcast_in_dim3A_70 = vector.shape_cast %get3A_69 : vector<10000xi32> to vector<1x10000xi32>
    %eq3A_71 = vector.broadcast %broadcast_in_dim3A_70 : vector<1x10000xi32> to vector<64x10000xi32>
    %eq3A_72 = arith.cmpi eq, %eq3A_71, %iota3A_67 : vector<64x10000xi32>
    %convert_element_type3A_73 = arith.extui %eq3A_72 : vector<64x10000xi1> to vector<64x10000xi32>
    %convert_element_type3A_74 = arith.sitofp %convert_element_type3A_73 : vector<64x10000xi32> to vector<64x10000xf32>
    %dot_general3A_75 = arith.constant dense<0.000000e+00> : vector<64x128xf32>
    %dot_general3A_76 = tpu.matmul %convert_element_type3A_74, %add3A_66, %dot_general3A_75 {dimension_numbers = #tpu.dot_dimension_numbers<[1], [0], [0], [1], [0, 0, 1, 1], [], []>, transpose_lhs_hint = false} : vector<64x10000xf32>, vector<10000x128xf32>, vector<64x128xf32> -> vector<64x128xf32>
    %reduce_sum3A_77 = arith.constant dense<0.000000e+00> : vector<64xf32>
    %reduce_sum3A_78 = vector.multi_reduction <add>, %convert_element_type3A_74, %reduce_sum3A_77 [1] : vector<64x10000xf32> to vector<64xf32>
    %max3A_79 = arith.constant 1.000000e+00 : f32
    %max3A_80 = vector.broadcast %max3A_79 : f32 to vector<64xf32>
    %max3A_81 = arith.maximumf %reduce_sum3A_78, %max3A_80 : vector<64xf32>
    %broadcast_in_dim3A_82 = vector.shape_cast %max3A_81 : vector<64xf32> to vector<64x1xf32>
    %div3A_83 = vector.broadcast %broadcast_in_dim3A_82 : vector<64x1xf32> to vector<64x128xf32>
    %div3A_84 = arith.divf %dot_general3A_76, %div3A_83 : vector<64x128xf32>
    %max3A_85 = arith.constant 0.000000e+00 : f32
    %max3A_86 = vector.broadcast %max3A_85 : f32 to vector<64x128xf32>
    %max3A_87 = arith.maximumf %div3A_84, %max3A_86 : vector<64x128xf32>
    %get3A_88 = arith.constant 0 : index
    %get3A_89 = arith.constant 0 : index
    %get3A_90 = vector.load %arg5[%get3A_88, %get3A_89] : memref<128x128xf32, #tpu.memory_space<vmem>>, vector<128x128xf32>
    %dot_general3A_91 = arith.constant dense<0.000000e+00> : vector<64x128xf32>
    %dot_general3A_92 = tpu.matmul %max3A_87, %get3A_90, %dot_general3A_91 {dimension_numbers = #tpu.dot_dimension_numbers<[1], [0], [0], [1], [0, 0, 1, 1], [], []>, transpose_lhs_hint = false} : vector<64x128xf32>, vector<128x128xf32>, vector<64x128xf32> -> vector<64x128xf32>
    %get3A_93 = arith.constant 0 : index
    %get3A_94 = vector.load %arg6[%get3A_93] : memref<128xf32, #tpu.memory_space<vmem>>, vector<128xf32>
    %broadcast_in_dim3A_95 = vector.shape_cast %get3A_94 : vector<128xf32> to vector<1x128xf32>
    %add3A_96 = vector.broadcast %broadcast_in_dim3A_95 : vector<1x128xf32> to vector<64x128xf32>
    %add3A_97 = arith.addf %dot_general3A_92, %add3A_96 : vector<64x128xf32>
    %max3A_98 = arith.constant 0.000000e+00 : f32
    %max3A_99 = vector.broadcast %max3A_98 : f32 to vector<64x128xf32>
    %max3A_100 = arith.maximumf %add3A_97, %max3A_99 : vector<64x128xf32>
    %get3A_101 = arith.constant 0 : index
    %get3A_102 = arith.constant 0 : index
    %get3A_103 = vector.load %arg7[%get3A_101, %get3A_102] : memref<128x64xf32, #tpu.memory_space<vmem>>, vector<128x64xf32>
    %dot_general3A_104 = arith.constant dense<0.000000e+00> : vector<64x64xf32>
    %dot_general3A_105 = tpu.matmul %max3A_100, %get3A_103, %dot_general3A_104 {dimension_numbers = #tpu.dot_dimension_numbers<[1], [0], [0], [1], [0, 0, 1, 1], [], []>, transpose_lhs_hint = false} : vector<64x128xf32>, vector<128x64xf32>, vector<64x64xf32> -> vector<64x64xf32>
    %get3A_106 = arith.constant 0 : index
    %get3A_107 = vector.load %arg8[%get3A_106] : memref<64xf32, #tpu.memory_space<vmem>>, vector<64xf32>
    %broadcast_in_dim3A_108 = vector.shape_cast %get3A_107 : vector<64xf32> to vector<1x64xf32>
    %add3A_109 = vector.broadcast %broadcast_in_dim3A_108 : vector<1x64xf32> to vector<64x64xf32>
    %add3A_110 = arith.addf %dot_general3A_105, %add3A_109 : vector<64x64xf32>
    %sub3A = arith.subf %add3A_49, %add3A_110 : vector<64x64xf32>
    %add3A_111 = arith.constant 9.99999997E-7 : f32
    %add3A_112 = vector.broadcast %add3A_111 : f32 to vector<64x64xf32>
    %add3A_113 = arith.addf %sub3A, %add3A_112 : vector<64x64xf32>
    %mul3A_114 = arith.mulf %add3A_113, %add3A_113 : vector<64x64xf32>
    %reduce_sum3A_115 = arith.constant dense<0.000000e+00> : vector<64xf32>
    %reduce_sum3A_116 = vector.multi_reduction <add>, %mul3A_114, %reduce_sum3A_115 [1] : vector<64x64xf32> to vector<64xf32>
    %sqrt3A = math.sqrt %reduce_sum3A_116 : vector<64xf32>
    %swap3A = arith.constant 0 : index
    %swap3A_117 = vector.load %arg9[%swap3A] : memref<64xf32, #tpu.memory_space<vmem>>, vector<64xf32>
    tpu.vector_store %arg9[%swap3A], %sqrt3A {strides = array<i32>} : memref<64xf32, #tpu.memory_space<vmem>>, vector<64xf32>,
    return
  }
}

</mosaic_0001>

<sc_bundles>
// kernel: kernel.11.cloned.1.call-start
scs
__scs_entry_jumppad:
0x0: {  	(pc) =	sbr.rel $0x88, $3  }
0x1: {  	(tag) =	ssettag $0x0;
	lr =	simm.s32 $0x1  }
0x2: {  	[smem:$0x3F93] =	sst lr;
	_ =	strace $0xD0000000  }
0x3: {  	_ = 	snop  }
0x4: {  	_ = 	snop  }
0x5: {  	_ = 	snop  }
0x6: {  	_ = 	snop  }
0x7: {  	_ = 	snop  }
__scs_overlays_trampoline_lowered:
0x8: {  	[smem:$0x3FA2] =	sst s0  }
0x9: {  	[smem:$0x3FA3] =	sst s1  }
0xa: {  	[smem:$0x3FA4] =	sst s2  }
0xb: {  	[smem:$0x3FA5] =	sst s3  }
0xc: {  	[smem:$0x3FA6] =	sst s4  }
0xd: {  	[smem:$0x3FA7] =	sst s5  }
0xe: {  	[smem:$0x3FA8] =	sst s6  }
0xf: {  	[smem:$0x3FA9] =	sst s7  }
0x10: {  	[smem:$0x3FAA] =	sst s8  }
0x11: {  	[smem:$0x3FAB] =	sst s9;
	s0 =	simm.s32 @!p0 $0x0  }
0x12: {  	s1 =	sld [smem:$0x3F91];
	s0 =	simm.s32 @p0 $0x1  }
0x13: {  	[smem:$0x3FAC] =	sst s0;
	s0 =	simm.s32 @!p1 $0x0  }
0x14: {  	s2 =	sld [smem:$0x3F90];
	s0 =	simm.s32 @p1 $0x1  }
0x15: {  	[smem:$0x3FAD] =	sst s0;
	s0 =	simm.s32 @!p2 $0x0  }
0x16: {  	s3 =	sld [smem:$0x3FDB];
	s0 =	simm.s32 @p2 $0x1  }
0x17: {  	s4 =	simm.s32 $0x1BF5;
	[smem:$0x3FAF] =	sst s0  }
0x18: {  	s0 =	sld [smem:$0x3F92];
	_ =	swait.ge [sflag:s4], $0x0  }
0x19: {  	s7 =	sld [smem:$0x3F93]  }
0x1a: {  	s8 =	sadd.s32 $0xFFFFE003, lr  }
0x1b: {  	s9 =	sadd.s32 $0xFFFFFEF7, lr;
	s5 =	simm.s32 $0xFFFFFFFF;
	p2 =	slt.u32 s8, $0xFFFFF086  }
0x1c: {  	p1 =	slt.u32 s9, $0xF7A;
	s5 =	simm.s32 @!p2 $0x0  }
0x1d: {  	s5 =	simm.s32 @p1 $0x1;
	p0 =	seq.s32 s7, s2  }
0x1e: {  	s7 =	smul.u32 @!p0 $0xF7A, s2;
	p2 =	seq.s32 @!p0 s5, $0x0  }
0x1f: {  	s9 =	smul.u32 $0xF7A, s1;
	s8 =	simm.s32 @!p0 $0x1BF5;
	p2 =	por !p2, p0  }
0x20: {  	[sflag:s8] =	ssyncset.s32 @!p0 $0xFFFFF086;
	s6 =	sadd.s32 @!p0 s3, s7;
	s7 =	simm.s32 @!p0 $0x108  }
0x21: {  	s3 =	sadd.s32 s3, s9;
	s6 =	sadd.s32 @!p0 $0x88, s6;
	s7 =	simm.s32 @p2 $0x1082  }
0x22: {  	[simem:s7], [sflag:s8] =	dma.local @!p0 [hbm:s6], $0xF7A  }
0x23: {  	s9 =	sor.u32 $0xD0000000, s2;
	s6 =	simm.s32 $0x108;
	_ =	swait.ge @!p0 [sflag:s8], $0x0  }
0x24: {  	s3 =	sadd.s32 $0x88, s3;
	s6 =	simm.s32 @!p1 $0x1082;
	[sflag:s4] =	ssyncset.s32 $0xFFFFF086  }
0x25: {  	[simem:s6], [sflag:s4] =	dma.local [hbm:s3], $0xF7A  }
0x26: {  	[smem:$0x3F93] =	sst s1;
	(tag) =	ssettag s2;
	_ =	strace s9  }
0x27: {  	s1 =	sld [smem:$0x3FA3]  }
0x28: {  	s2 =	sld [smem:$0x3FA4]  }
0x29: {  	s4 =	sld [smem:$0x3FA6]  }
0x2a: {  	p0 =	seq.s32 s5, $0x0;
	s5 =	sld [smem:$0x3FA7]  }
0x2b: {  	s6 =	sld [smem:$0x3FA8]  }
0x2c: {  	s7 =	sld [smem:$0x3FA9]  }
0x2d: {  	s3 =	simm.s32 $0x108;
	s8 =	sld [smem:$0x3FAA]  }
0x2e: {  	s3 =	simm.s32 @!p0 $0x1082;
	s9 =	sld [smem:$0x3FAB]  }
0x2f: {  	lr =	sadd.s32 s0, s3;
	s0 =	sld [smem:$0x3FA2]  }
0x30: {  	s3 =	sld [smem:$0x3FA5]  }
0x31: {  	[smem:$0x3FAE] =	sst s10  }
0x32: {  	s10 =	sld [smem:$0x3FAC];
	_ =	sdelay $0x3  }
0x33: {  	p0 =	seq.s32 s10, $0x1;
	s10 =	sld [smem:$0x3FAE];
	_ =	sdelay $0x3  }
0x34: {  	[smem:$0x3FAE] =	sst s10  }
0x35: {  	s10 =	sld [smem:$0x3FAD];
	_ =	sdelay $0x3  }
0x36: {  	p1 =	seq.s32 s10, $0x1;
	s10 =	sld [smem:$0x3FAE];
	_ =	sdelay $0x3  }
0x37: {  	[smem:$0x3FAE] =	sst s10  }
0x38: {  	s10 =	sld [smem:$0x3FAF]  }
0x39: {  	_ = 	snop;
	(pc) =	sbr.ind lr, $3  }
0x3a: {  	_ = 	snop  }
0x3b: {  	_ = 	snop  }
0x3c: {  	p2 =	seq.s32 s10, $0x1;
	s10 =	sld [smem:$0x3FAE]  }
0x3d: {  	_ =	shalt  }
0x3e: {  	_ =	shalt  }
0x3f: {  	_ =	shalt  }
0x40: {  	_ =	shalt  }
0x41: {  	_ =	shalt  }
0x42: {  	_ =	shalt  }
0x43: {  	_ =	shalt  }
0x44: {  	_ =	shalt  }
0x45: {  	_ =	shalt  }
0x46: {  	_ =	shalt  }
0x47: {  	_ =	shalt  }
0x48: {  	_ =	shalt  }
0x49: {  	_ =	shalt  }
0x4a: {  	_ =	shalt  }
0x4b: {  	_ =	shalt  }
0x4c: {  	_ =	shalt  }
0x4d: {  	_ =	shalt  }
0x4e: {  	_ =	shalt  }
0x4f: {  	_ =	shalt  }
0x50: {  	_ =	shalt  }
0x51: {  	_ =	shalt  }
0x52: {  	_ =	shalt  }
0x53: {  	_ =	shalt  }
0x54: {  	_ =	shalt  }
0x55: {  	_ =	shalt  }
0x56: {  	_ =	shalt  }
0x57: {  	_ =	shalt  }
0x58: {  	_ =	shalt  }
0x59: {  	_ =	shalt  }
0x5a: {  	_ =	shalt  }
0x5b: {  	_ =	shalt  }
0x5c: {  	_ =	shalt  }
0x5d: {  	_ =	shalt  }
0x5e: {  	_ =	shalt  }
0x5f: {  	_ =	shalt  }
0x60: {  	_ =	shalt  }
0x61: {  	_ =	shalt  }
0x62: {  	_ =	shalt  }
0x63: {  	_ =	shalt  }
0x64: {  	_ =	shalt  }
0x65: {  	_ =	shalt  }
0x66: {  	_ =	shalt  }
0x67: {  	_ =	shalt  }
0x68: {  	_ =	shalt  }
0x69: {  	_ =	shalt  }
0x6a: {  	_ =	shalt  }
0x6b: {  	_ =	shalt  }
0x6c: {  	_ =	shalt  }
0x6d: {  	_ =	shalt  }
0x6e: {  	_ =	shalt  }
0x6f: {  	_ =	shalt  }
0x70: {  	_ =	shalt  }
0x71: {  	_ =	shalt  }
0x72: {  	_ =	shalt  }
0x73: {  	_ =	shalt  }
0x74: {  	_ =	shalt  }
0x75: {  	_ =	shalt  }
0x76: {  	_ =	shalt  }
0x77: {  	_ =	shalt  }
0x78: {  	_ =	shalt  }
0x79: {  	_ =	shalt  }
0x7a: {  	_ =	shalt  }
0x7b: {  	_ =	shalt  }
0x7c: {  	_ =	shalt  }
0x7d: {  	_ =	shalt  }
0x7e: {  	_ =	shalt  }
0x7f: {  	_ =	shalt  }
0x80: {  	_ =	shalt  }
0x81: {  	_ =	shalt  }
0x82: {  	_ =	shalt  }
0x83: {  	_ =	shalt  }
0x84: {  	_ =	shalt  }
0x85: {  	_ =	shalt  }
0x86: {  	_ =	shalt  }
0x87: {  	_ =	shalt  }
.Lfunc_end0:
.L_simem_size_0:
called_computation.1_lowered:
.L_overlay_start_0:
0x88: {  	s2 =	sld [smem:$0x3FD9]  }
0x89: {  	s3 =	sld [smem:$0x3FFE];
	_ =	sdelay $0x1  }
0x8a: {  	s1 =	srdreg.scid  }
0x8b: {  	s0 =	sand.u32 $0x1, s1  }
0x8c: {  	s16 =	sshll.u32 s0, $0xA;
	s2 =	sadd.s32 s3, s2  }
0x8d: {  	s2 =	sadd.s32 s2, s16  }
0x8e: {  	[smem:$0x3FBA] =	sst s2  }
0x8f: {  	_ = 	snop  }
0x90: {  	(tm) =	ssettm $0x1  }
0x91: {  	s17 =	sld [smem:$0x3FFB];
	_ =	sdelay $0x3  }
0x92: {  	_ =	strace s17  }
0x93: {  	s2 =	sld [smem:$0x3FFC];
	_ =	sdelay $0x3  }
0x94: {  	_ =	strace s2  }
0x95: {  	s2 =	sld [smem:$0x3FFD];
	_ =	sdelay $0x3  }
0x96: {  	_ =	strace s2  }
0x97: {  	_ =	strace $0x8FFFFFFF  }
0x98: {  	s18 =	sld [smem:$0x3FDB];
	_ =	sdelay $0x1  }
0x99: {  	s19 =	simm.s32 $_scs_section_size  }
0x9a: {  	s4 =	simm.s32 $_size__tile_overlayer_lowered;
	s5 =	simm.s32 $_tile_overlayer_lowered  }
0x9b: {  	s22 =	simm.s32 $0x1BFF;
	s21 =	sshll.u32 s5, $0x1;
	s2 =	sadd.s32 s19, s18  }
0x9c: {  	s6 =	simm.s32 $0x0;
	s20 =	sshll.u32 s4, $0x1;
	s4 =	sadd.s32 s21, s2  }
0x9d: {  	[timem:s6], [sflag:s22] =	dma.local [hbm:s4], s20  }
0x9e: {  	_ =	swait.ge [sflag:s22], s20  }
0x9f: {  	s3 =	ssub.s32 $0x0, s20;
	[sflag:s22] =	ssyncset.done $0x0  }
0xa0: {  	[sflag:s22] =	ssyncadd.s32 s3;
	_ =	sdelay $0x1  }
0xa1: {  	s23 =	simm.s32 $0x1B8B  }
0xa2: {  	_ =	swait.ge [sflag:s23], $0x1  }
0xa3: {  	[sflag:s23] =	ssyncset.done $0x0  }
0xa4: {  	s25 =	simm.s32 $0x1B8E;
	s24 =	sld [smem:$0x3FFE];
	[sflag:s23] =	ssyncadd.s32 $0xFFFFFFFF  }
0xa5: {  	s26 =	simm.s32 $execute0_lowered;
	[smem:$0x3FD2] =	sst s25  }
0xa6: {  	s4 =	sshll.u32 s26, $0x1;
	_ =	strace $0x80000049;
	[dreg:$0x1] =	wrdreg $0xFFFFFFFF  }
0xa7: {  	s28 =	simm.s32 $_size_execute0_lowered;
	s2 =	sadd.s32 s2, s4;
	[dreg:$0x0] =	wrdreg $0x0  }
0xa8: {  	s4 =	sshll.u32 s28, $0x1;
	[dreg:$0x2] =	wrdreg s2  }
0xa9: {  	[dreg:$0x3] =	wrdreg s4  }
0xaa: {  	[dreg:$0x4] =	wrdreg $0xC0  }
0xab: {  	_ =	task [dreg:s6], $0x5FFFF  }
0xac: {  	[dreg:$0x1] =	wrdreg $0xFFFFFFFF  }
0xad: {  	[dreg:$0x0] =	wrdreg $0x60  }
0xae: {  	[dreg:$0x2] =	wrdreg s24  }
0xaf: {  	[dreg:$0x3] =	wrdreg $0xB4000  }
0xb0: {  	[dreg:$0x4] =	wrdreg $0x9  }
0xb1: {  	_ =	task.clear_ibuf [dreg:s6], $0x5FFFF;
	_ =	strace $0x90000049  }
0xb2: {  	s29 =	simm.s32 $0x9;
	_ =	strace $0x8000004B  }
0xb3: {  	_ =	swait.ge [sflag:s29], $0x1  }
0xb4: {  	[sflag:s29] =	ssyncadd.s32 $0xFFFFFFFF  }
0xb5: {  	_ =	strace $0x9000004B  }
0xb6: {  	_ =	sfence  }
0xb7: {  	s30 =	sld [smem:$0x0];
	_ =	sdelay $0x2  }
0xb8: {  	s31 =	sshll.u32 s1, $0xD;
	s1 =	sshrl.u32 s1, $0x2  }
0xb9: {  	s3 =	sand.u32 $0x4000, s31;
	s1 =	sadd.s32 s1, s30  }
0xba: {  	s0 =	sor.u32 s3, s0;
	s1 =	sshll.u32 s1, $0x11  }
0xbb: {  	s0 =	sor.u32 s1, s0  }
0xbc: {  	s0 =	sadd.s32 $0x8F2B, s0  }
0xbd: {  	[sflag:s0] =	ssyncadd.remote.s32 $0x1  }
0xbe: {  	_ =	sfence.sel $0xFFFF  }
0xbf: {  	[dreg:$0x0] =	wrdreg $0xFFFFFFFF;
	(pc) =	sbr.abs _section_cstart, $3  }
0xc0: {  	[dreg:$0x1] =	wrdreg $0xFFFFFFFF  }
0xc1: {  	_ =	task.clear_ibuf [dreg:s6], $0x2FFFF;
	_ =	strace $0x9FFFFFFF  }
0xc2: {  	(tm) =	ssettm $0x7FFFFFFF  }
0xc3: {  	_ =	shalt  }
tec
execute0_lowered:
.L_overlay_start_1:
0x0: {  	(tag) =	ssettag $0x1  }
0x1: {  	s0 =	rddreg [dreg:$0x0]  }
0x2: {  	s2 =	srdreg.scid;
	s9 =	stileid.u32  }
0x3: {  	s1 =	rddreg [dreg:$0x1];
	s3 =	simm.s32 $0x0;
	s6 =	smul.u32 $0x14000, s9  }
0x4: {  	s17 =	simm.s32 $0x3000;
	s28 =	simm.s32 $0x180;
	s18 =	smul.u32 $0x50000, s9  }
0x5: {  	s29 =	simm.s32 $0x2;
	s2 =	sand.u32 $0x1, s2;
	s21 =	smul.u32 $0x12000, s9  }
0x6: {  	s30 =	simm.s32 $0x1880;
	s31 =	simm.s32 $0x5;
	s4 =	smul.u32 $0x27100, s2  }
0x7: {  	[smem:$0x7FF] =	sst s3;
	s5 =	smul.u32 $0x140000, s2;
	s8 =	ssub.s32 $0x2, s2  }
0x8: {  	_ =	strace $0x8000004A;
	s2 =	smul.u32 $0x120000, s2;
	s19 =	sshrl.u32 s8, $0x1  }
0x9: {  	s7 =	sadd.s32 s4, s0;
	s5 =	sadd.s32 s6, s5;
	s4 =	sadd.s32 $0x18600, s0  }
0xa: {  	s6 =	sshrl.u32 s18, $0x2;
	s8 =	ssub.s32 s8, s19;
	s5 =	sshrl.u32 s5, $0x3  }
0xb: {  	s13 =	sadd.s32 s21, s2;
	s0 =	sadd.s32 s5, s0;
	s5 =	sadd.s32 s6, s1  }
0xc: {  	s18 =	simm.s32 $0x7;
	s19 =	simm.s32 $0x1800;
	s6 =	sadd.s32 $0x2A00, s5  }
0xd: {  	s21 =	simm.s32 $0x80;
	s20 =	sadd.s32 $0x5400, s5;
	[dreg:$0x3] =	wrdreg s6  }
0xe: {  	s2 =	simm.s32 $0x3;
	s22 =	sadd.s32 $0x7E00, s5;
	[dreg:$0x4] =	wrdreg s20  }
0xf: {  	s14 =	sadd.s32 $0x60600, s7;
	s23 =	sadd.s32 $0xA800, s5;
	[dreg:$0x5] =	wrdreg s22  }
0x10: {  	s16 =	smax.u32 s8, $0x1;
	s24 =	sadd.s32 $0xD200, s5;
	[dreg:$0x6] =	wrdreg s23  }
0x11: {  	s7 =	simm.s32 $0x6;
	s25 =	sadd.s32 $0xFC00, s5;
	[dreg:$0x7] =	wrdreg s24  }
0x12: {  	s26 =	sadd.s32 $0x12600, s5;
	s15 =	sadd.s32 $0xAE800, s0;
	[dreg:$0x8] =	wrdreg s25  }
0x13: {  	s0 =	simm.s32 $0x200;
	[dreg:$0x9] =	wrdreg s26;
	s20 =	simm.s32 $0x54  }
0x14: {  	s22 =	simm.s32 $0x5C00;
	s23 =	simm.s32 $0x100;
	s24 =	simm.s32 $0x8800  }
0x15: {  	v0 =	vimm.f32 $0.0e+00;
	s25 =	simm.s32 $0x1;
	s26 =	simm.s32 $0x4;
	s6 =	simm.s32 $0x1900  }
.LBB2_1:
0x16: {  	s8 =	simm.s32 $0x0;
	s9 =	simm.s32 $0x200  }
.LBB2_2:
0x17: {  	p0 =	sne.s32 s9, $0xA600;
	[tilespmem:s8+$0x3070] =	vst v0  }
0x18: {  	[tilespmem:s8+$0x3000] =	vst v0  }
0x19: {  	[tilespmem:s8+$0x3010] =	vst v0  }
.Ltmp0:
0x1a: {  	[tilespmem:s8+$0x3020] =	vst v0;
	(pc) =	sbr.rel @p0 .LBB2_2-.Ltmp0, $4  }
0x1b: {  	[tilespmem:s8+$0x3030] =	vst v0  }
0x1c: {  	[tilespmem:s8+$0x3040] =	vst v0  }
0x1d: {  	[tilespmem:s8+$0x3050] =	vst v0  }
0x1e: {  	[tilespmem:s8+$0x3060] =	vst v0;
	s8 =	sshra.s32 s9, $0x2;
	s9 =	sadd.s32 $0x200, s9  }
0x1f: {  	[tilespmem:s8+$0x3070] =	vst v0  }
0x20: {  	[tilespmem:s8+$0x3000] =	vst v0  }
0x21: {  	[tilespmem:s8+$0x3010] =	vst v0  }
0x22: {  	[tilespmem:s8+$0x3020] =	vst v0  }
0x23: {  	[tilespmem:s8+$0x3030] =	vst v0  }
0x24: {  	[tilespmem:s8+$0x3040] =	vst v0  }
0x25: {  	[tilespmem:s8+$0x3050] =	vst v0  }
0x26: {  	[tilespmem:s8+$0x3060] =	vst v0  }
0x27: {  	[spmem:s5] =	stream.linear.scatter [tilespmem:s17], [sflag:$0x7], $0x2A00, $0x38;
	[tilespmem:$0x1F400] =	vst v63  }
0x28: {  	_ =	swait.ge [sflag:s18], $0x2A00  }
0x29: {  	[sflag:s18] =	ssyncset.done $0x0  }
0x2a: {  	s10 =	rddreg [dreg:$0x3];
	[sflag:s18] =	ssyncadd.s32 $0xFFFFD600  }
0x2b: {  	[spmem:s10] =	stream.linear.scatter [tilespmem:s17], [sflag:$0x7], $0x2A00, $0x38;
	[tilespmem:$0x1F400] =	vst v63  }
0x2c: {  	_ =	swait.ge [sflag:s18], $0x2A00  }
0x2d: {  	[sflag:s18] =	ssyncset.done $0x0  }
0x2e: {  	s11 =	rddreg [dreg:$0x4];
	[sflag:s18] =	ssyncadd.s32 $0xFFFFD600  }
0x2f: {  	[spmem:s11] =	stream.linear.scatter [tilespmem:s17], [sflag:$0x7], $0x2A00, $0x38;
	[tilespmem:$0x1F400] =	vst v63  }
0x30: {  	_ =	swait.ge [sflag:s18], $0x2A00  }
0x31: {  	[sflag:s18] =	ssyncset.done $0x0  }
0x32: {  	s12 =	rddreg [dreg:$0x5];
	[sflag:s18] =	ssyncadd.s32 $0xFFFFD600  }
0x33: {  	[spmem:s12] =	stream.linear.scatter [tilespmem:s17], [sflag:$0x7], $0x2A00, $0x38;
	[tilespmem:$0x1F400] =	vst v63  }
0x34: {  	_ =	swait.ge [sflag:s18], $0x2A00  }
0x35: {  	[sflag:s18] =	ssyncset.done $0x0  }
0x36: {  	s9 =	rddreg [dreg:$0x6];
	[sflag:s18] =	ssyncadd.s32 $0xFFFFD600  }
0x37: {  	[spmem:s9] =	stream.linear.scatter [tilespmem:s17], [sflag:$0x7], $0x2A00, $0x38;
	[tilespmem:$0x1F400] =	vst v63  }
0x38: {  	_ =	swait.ge [sflag:s18], $0x2A00  }
0x39: {  	[sflag:s18] =	ssyncset.done $0x0  }
0x3a: {  	s10 =	rddreg [dreg:$0x7];
	[sflag:s18] =	ssyncadd.s32 $0xFFFFD600  }
0x3b: {  	[spmem:s10] =	stream.linear.scatter [tilespmem:s17], [sflag:$0x7], $0x2A00, $0x38;
	[tilespmem:$0x1F400] =	vst v63  }
0x3c: {  	_ =	swait.ge [sflag:s18], $0x2A00  }
0x3d: {  	[sflag:s18] =	ssyncset.done $0x0  }
0x3e: {  	s11 =	rddreg [dreg:$0x8];
	[sflag:s18] =	ssyncadd.s32 $0xFFFFD600  }
0x3f: {  	[spmem:s11] =	stream.linear.scatter [tilespmem:s17], [sflag:$0x7], $0x2A00, $0x38;
	[tilespmem:$0x1F400] =	vst v63  }
0x40: {  	_ =	swait.ge [sflag:s18], $0x2A00  }
0x41: {  	[sflag:s18] =	ssyncset.done $0x0  }
0x42: {  	s12 =	rddreg [dreg:$0x9];
	[sflag:s18] =	ssyncadd.s32 $0xFFFFD600  }
0x43: {  	[spmem:s12] =	stream.linear.scatter [tilespmem:s17], [sflag:$0x7], $0x1A00, $0x38;
	[tilespmem:$0x1F400] =	vst v63  }
0x44: {  	_ =	swait.ge [sflag:s18], $0x1A00  }
0x45: {  	[sflag:s18] =	ssyncset.done $0x0  }
0x46: {  	[sflag:s18] =	ssyncadd.s32 $0xFFFFE600  }
0x47: {  	s8 =	simm.s32 $0x0;
	s9 =	simm.s32 $0x0;
	[bflag:$0x0] =	sbarrier.arrive $0xFFFF  }
.LBB2_4:
0x48: {  	s10 =	smul.u32 $0x3000, s9;
	_ =	sdelay $0x1  }
0x49: {  	s10 =	sadd.s32 s10, s13  }
0x4a: {  	s10 =	sshrl.u32 s10, $0x3  }
0x4b: {  	s10 =	sadd.s32 s4, s10  }
0x4c: {  	[tilespmem:s8], [sflag:$0x7] =	stream.linear.gather [hbm4b:s10+s8], $0x1500, $0x38;
	[tilespmem:$0x1F400] =	vst v63  }
0x4d: {  	_ =	swait.ge [sflag:s18], $0x1500  }
0x4e: {  	[sflag:s18] =	ssyncset.done $0x0  }
0x4f: {  	s10 =	sadd.s32 $0x300, s10;
	[sflag:s18] =	ssyncadd.s32 $0xFFFFEB00  }
0x50: {  	[tilespmem:s19], [sflag:$0x7] =	stream.linear.gather [hbm4b:s10+s8], $0x1500, $0x38;
	[tilespmem:$0x1F400] =	vst v63  }
0x51: {  	_ =	swait.ge [sflag:s18], $0x1500  }
0x52: {  	[sflag:s18] =	ssyncset.done $0x0  }
0x53: {  	[sflag:s18] =	ssyncadd.s32 $0xFFFFEB00  }
0x54: {  	[tilespmem:s17], [sflag:$0x1] =	stream.indirect.gather [hbm4b:s14+s20], $0x80, s8, s20, $0xb8;
	[tilespmem:$0x1F400] =	vst v63  }
0x55: {  	_ = 	snop  }
0x56: {  	[tilespmem:s22], [sflag:$0x2] =	stream.indirect.gather [hbm4b:s14+s20], $0x80, s21, s20, $0xb8;
	[tilespmem:$0x1F400] =	vst v63  }
0x57: {  	_ = 	snop  }
0x58: {  	[tilespmem:s24], [sflag:$0x3] =	stream.indirect.gather [hbm4b:s14+s20], $0x80, s23, s20, $0xb8;
	[tilespmem:$0x1F400] =	vst v63  }
0x59: {  	_ =	swait.ge [sflag:s25], $0x2A00  }
0x5a: {  	[sflag:s25] =	ssyncset.done $0x0  }
0x5b: {  	[sflag:s25] =	ssyncadd.s32 $0xFFFFD600  }
0x5c: {  	[spmem:s1] =	stream.indirect.scatter.add.f32 [tilespmem:s17], [sflag:$0x4], $0x80, s19, s20, $0xb8;
	[tilespmem:$0x1F400] =	vst v63  }
0x5d: {  	_ =	swait.ge [sflag:s26], $0x2A00  }
0x5e: {  	[sflag:s26] =	ssyncset.done $0x0  }
0x5f: {  	[sflag:s26] =	ssyncadd.s32 $0xFFFFD600  }
0x60: {  	[tilespmem:s17], [sflag:$0x1] =	stream.indirect.gather [hbm4b:s14+s20], $0x80, s28, s20, $0xb8;
	[tilespmem:$0x1F400] =	vst v63  }
0x61: {  	_ =	swait.ge [sflag:s29], $0x2A00  }
0x62: {  	[sflag:s29] =	ssyncset.done $0x0  }
0x63: {  	[sflag:s29] =	ssyncadd.s32 $0xFFFFD600  }
0x64: {  	[spmem:s1] =	stream.indirect.scatter.add.f32 [tilespmem:s22], [sflag:$0x5], $0x80, s30, s20, $0xb8;
	[tilespmem:$0x1F400] =	vst v63  }
0x65: {  	_ =	swait.ge [sflag:s31], $0x2A00  }
0x66: {  	[sflag:s31] =	ssyncset.done $0x0  }
0x67: {  	[sflag:s31] =	ssyncadd.s32 $0xFFFFD600  }
0x68: {  	[tilespmem:s22], [sflag:$0x2] =	stream.indirect.gather [hbm4b:s14+s20], $0x80, s0, s20, $0xb8;
	[tilespmem:$0x1F400] =	vst v63  }
0x69: {  	_ =	swait.ge [sflag:s2], $0x2A00  }
0x6a: {  	[sflag:s2] =	ssyncset.done $0x0  }
0x6b: {  	[sflag:s2] =	ssyncadd.s32 $0xFFFFD600  }
0x6c: {  	[spmem:s1] =	stream.indirect.scatter.add.f32 [tilespmem:s24], [sflag:$0x6], $0x80, s6, s20, $0xb8;
	[tilespmem:$0x1F400] =	vst v63  }
0x6d: {  	_ =	swait.ge [sflag:s7], $0x2A00  }
0x6e: {  	[sflag:s7] =	ssyncset.done $0x0  }
0x6f: {  	s12 =	simm.s32 $0x280;
	[sflag:s7] =	ssyncadd.s32 $0xFFFFD600  }
0x70: {  	[tilespmem:s24], [sflag:$0x3] =	stream.indirect.gather [hbm4b:s14+s20], $0x80, s12, s20, $0xb8;
	[tilespmem:$0x1F400] =	vst v63  }
0x71: {  	_ =	swait.ge [sflag:s25], $0x2A00  }
0x72: {  	[sflag:s25] =	ssyncset.done $0x0  }
0x73: {  	s11 =	simm.s32 $0x1980;
	[sflag:s25] =	ssyncadd.s32 $0xFFFFD600  }
0x74: {  	[spmem:s1] =	stream.indirect.scatter.add.f32 [tilespmem:s17], [sflag:$0x4], $0x80, s11, s20, $0xb8;
	[tilespmem:$0x1F400] =	vst v63  }
0x75: {  	_ =	swait.ge [sflag:s26], $0x2A00  }
0x76: {  	[sflag:s26] =	ssyncset.done $0x0  }
0x77: {  	s12 =	simm.s32 $0x300;
	[sflag:s26] =	ssyncadd.s32 $0xFFFFD600  }
0x78: {  	[tilespmem:s17], [sflag:$0x1] =	stream.indirect.gather [hbm4b:s14+s20], $0x80, s12, s20, $0xb8;
	[tilespmem:$0x1F400] =	vst v63  }
0x79: {  	_ =	swait.ge [sflag:s29], $0x2A00  }
0x7a: {  	[sflag:s29] =	ssyncset.done $0x0  }
0x7b: {  	s11 =	simm.s32 $0x1A00;
	[sflag:s29] =	ssyncadd.s32 $0xFFFFD600  }
0x7c: {  	[spmem:s1] =	stream.indirect.scatter.add.f32 [tilespmem:s22], [sflag:$0x5], $0x80, s11, s20, $0xb8;
	[tilespmem:$0x1F400] =	vst v63  }
0x7d: {  	_ =	swait.ge [sflag:s31], $0x2A00  }
0x7e: {  	[sflag:s31] =	ssyncset.done $0x0  }
0x7f: {  	s12 =	simm.s32 $0x380;
	[sflag:s31] =	ssyncadd.s32 $0xFFFFD600  }
0x80: {  	[tilespmem:s22], [sflag:$0x2] =	stream.indirect.gather [hbm4b:s14+s20], $0x80, s12, s20, $0xb8;
	[tilespmem:$0x1F400] =	vst v63  }
0x81: {  	_ =	swait.ge [sflag:s2], $0x2A00  }
0x82: {  	[sflag:s2] =	ssyncset.done $0x0  }
0x83: {  	s10 =	simm.s32 $0x600;
	s11 =	simm.s32 $0x1A80;
	[sflag:s2] =	ssyncadd.s32 $0xFFFFD600  }
.LBB2_5:
0x84: {  	[spmem:s1] =	stream.indirect.scatter.add.f32 [tilespmem:s24], [sflag:$0x6], $0x80, s11, s20, $0xb8;
	[tilespmem:$0x1F400] =	vst v63  }
0x85: {  	s11 =	smov.u32 s10;
	s10 =	sadd.s32 $0x600, s10;
	_ =	swait.ge [sflag:s7], $0x2A00  }
0x86: {  	s11 =	sshra.s32 s11, $0x2;
	p0 =	sne.s32 s10, $0x4800;
	[sflag:s7] =	ssyncset.done $0x0  }
0x87: {  	s12 =	sadd.s32 $0x280, s11;
	[sflag:s7] =	ssyncadd.s32 $0xFFFFD600  }
0x88: {  	[tilespmem:s24], [sflag:$0x3] =	stream.indirect.gather [hbm4b:s14+s20], $0x80, s12, s20, $0xb8;
	[tilespmem:$0x1F400] =	vst v63  }
0x89: {  	_ =	swait.ge [sflag:s25], $0x2A00  }
0x8a: {  	[sflag:s25] =	ssyncset.done $0x0  }
0x8b: {  	s12 =	sadd.s32 $0x1980, s11;
	[sflag:s25] =	ssyncadd.s32 $0xFFFFD600  }
0x8c: {  	[spmem:s1] =	stream.indirect.scatter.add.f32 [tilespmem:s17], [sflag:$0x4], $0x80, s12, s20, $0xb8;
	[tilespmem:$0x1F400] =	vst v63  }
0x8d: {  	_ =	swait.ge [sflag:s26], $0x2A00  }
0x8e: {  	[sflag:s26] =	ssyncset.done $0x0  }
0x8f: {  	s12 =	sadd.s32 $0x300, s11;
	[sflag:s26] =	ssyncadd.s32 $0xFFFFD600  }
0x90: {  	[tilespmem:s17], [sflag:$0x1] =	stream.indirect.gather [hbm4b:s14+s20], $0x80, s12, s20, $0xb8;
	[tilespmem:$0x1F400] =	vst v63  }
0x91: {  	_ =	swait.ge [sflag:s29], $0x2A00  }
0x92: {  	[sflag:s29] =	ssyncset.done $0x0  }
0x93: {  	s12 =	sadd.s32 $0x1A00, s11;
	[sflag:s29] =	ssyncadd.s32 $0xFFFFD600  }
0x94: {  	[spmem:s1] =	stream.indirect.scatter.add.f32 [tilespmem:s22], [sflag:$0x5], $0x80, s12, s20, $0xb8;
	[tilespmem:$0x1F400] =	vst v63  }
0x95: {  	_ =	swait.ge [sflag:s31], $0x2A00  }
0x96: {  	[sflag:s31] =	ssyncset.done $0x0  }
.Ltmp1:
0x97: {  	s12 =	sadd.s32 $0x380, s11;
	[sflag:s31] =	ssyncadd.s32 $0xFFFFD600;
	(pc) =	sbr.rel @p0 .LBB2_5-.Ltmp1, $4  }
0x98: {  	[tilespmem:s22], [sflag:$0x2] =	stream.indirect.gather [hbm4b:s14+s20], $0x80, s12, s20, $0xb8;
	[tilespmem:$0x1F400] =	vst v63  }
0x99: {  	_ =	swait.ge [sflag:s2], $0x2A00  }
0x9a: {  	[sflag:s2] =	ssyncset.done $0x0  }
0x9b: {  	s11 =	sadd.s32 $0x1A80, s11;
	[sflag:s2] =	ssyncadd.s32 $0xFFFFD600  }
0x9c: {  	[spmem:s1] =	stream.indirect.scatter.add.f32 [tilespmem:s24], [sflag:$0x6], $0x80, s11, s20, $0xb8;
	[tilespmem:$0x1F400] =	vst v63  }
0x9d: {  	_ =	swait.ge [sflag:s7], $0x2A00  }
0x9e: {  	s10 =	sshra.s32 s10, $0x2;
	[sflag:s7] =	ssyncset.done $0x0  }
0x9f: {  	s12 =	sadd.s32 $0x280, s10;
	[sflag:s7] =	ssyncadd.s32 $0xFFFFD600  }
0xa0: {  	[tilespmem:s24], [sflag:$0x3] =	stream.indirect.gather [hbm4b:s14+s20], $0x80, s12, s20, $0xb8;
	[tilespmem:$0x1F400] =	vst v63  }
0xa1: {  	_ =	swait.ge [sflag:s25], $0x2A00  }
0xa2: {  	[sflag:s25] =	ssyncset.done $0x0  }
0xa3: {  	s12 =	sadd.s32 $0x1980, s10;
	[sflag:s25] =	ssyncadd.s32 $0xFFFFD600  }
0xa4: {  	[spmem:s1] =	stream.indirect.scatter.add.f32 [tilespmem:s17], [sflag:$0x4], $0x80, s12, s20, $0xb8;
	[tilespmem:$0x1F400] =	vst v63  }
0xa5: {  	_ =	swait.ge [sflag:s26], $0x2A00  }
0xa6: {  	[sflag:s26] =	ssyncset.done $0x0  }
0xa7: {  	[sflag:s26] =	ssyncadd.s32 $0xFFFFD600  }
0xa8: {  	_ =	swait.ge [sflag:s29], $0x2A00  }
0xa9: {  	[sflag:s29] =	ssyncset.done $0x0  }
0xaa: {  	s12 =	sadd.s32 $0x1A00, s10;
	[sflag:s29] =	ssyncadd.s32 $0xFFFFD600  }
0xab: {  	[spmem:s1] =	stream.indirect.scatter.add.f32 [tilespmem:s22], [sflag:$0x5], $0x80, s12, s20, $0xb8;
	[tilespmem:$0x1F400] =	vst v63  }
0xac: {  	_ =	swait.ge [sflag:s31], $0x2A00  }
0xad: {  	[sflag:s31] =	ssyncset.done $0x0  }
0xae: {  	[sflag:s31] =	ssyncadd.s32 $0xFFFFD600  }
0xaf: {  	s9 =	sadd.s32 $0x1, s9;
	_ =	swait.ge [sflag:s2], $0x2A00  }
0xb0: {  	p0 =	sne.s32 s9, $0x6;
	[sflag:s2] =	ssyncset.done $0x0  }
.Ltmp2:
0xb1: {  	s10 =	sadd.s32 $0x1A80, s10;
	[sflag:s2] =	ssyncadd.s32 $0xFFFFD600;
	(pc) =	sbr.rel @p0 .LBB2_4-.Ltmp2, $4  }
0xb2: {  	[spmem:s1] =	stream.indirect.scatter.add.f32 [tilespmem:s24], [sflag:$0x6], $0x80, s10, s20, $0xb8;
	[tilespmem:$0x1F400] =	vst v63  }
0xb3: {  	_ =	swait.ge [sflag:s7], $0x2A00  }
0xb4: {  	[sflag:s7] =	ssyncset.done $0x0  }
0xb5: {  	[sflag:s7] =	ssyncadd.s32 $0xFFFFD600  }
0xb6: {  	s8 =	stileid.u32;
	s3 =	sadd.s32 $0x1, s3  }
0xb7: {  	[bflag:$0x0] =	sbarrier.arrive $0xFFFF;
	s8 =	sshll.u32 s8, $0x6;
	p0 =	sne.s32 s3, s16  }
.Ltmp3:
0xb8: {  	s9 =	sshrl.u32 s5, $0x3;
	s8 =	sor.u32 $0x1C07, s8;
	(pc) =	sbr.rel @p0 .LBB2_1-.Ltmp3, $4  }
0xb9: {  	[hbm:s15], [sflag:s8] =	dma.local [spmem:s9], $0x2800  }
0xba: {  	_ =	swait.ge [sflag:s18], $0x2800  }
0xbb: {  	[sflag:s18] =	ssyncset.done $0x0  }
0xbc: {  	[sflag:s18] =	ssyncadd.s32 $0xFFFFD800  }
0xbd: {  	_ =	sfence.sel $0x180000  }
0xbe: {  	[bflag:$0x0] =	sbarrier.arrive $0xFFFF  }
0xbf: {  	_ =	strace $0x9000004A  }
0xc0: {  	s0 =	stileid.u32;
	[bflag:$0x2] =	sbarrier.arrive $0xFFFF  }
0xc1: {  	p0 =	sne.s32 s0, $0x0;
	s0 =	rddreg [dreg:$0x2]  }
0xc2: {  	s0 =	sadd.s32 @!p0 $0x100000, s0  }
0xc3: {  	[sflag:s0] =	ssyncadd.tile.s32 @!p0 $0x1;
	_ =	shalt  }
.Lfunc_end2:
_tile_overlayer_lowered:
.L_overlay_start_2:
0xc4: {  	(tag) =	ssettag $0x2  }
0xc5: {  	s0 =	rddreg [dreg:$0x0];
	s2 =	stileid.u32  }
0xc6: {  	s1 =	rddreg [dreg:$0x1];
	p0 =	sne.s32 s2, $0x0  }
0xc7: {  	s3 =	rddreg [dreg:$0x2];
	[bflag:$0x3] =	sbarrier.arrive $0xFFFF;
	s2 =	simm.s32 @!p0 $0x1C07  }
0xc8: {  	[timem:s3], [sflag:s2] =	dma.local @!p0 [hbm:s0], s1  }
0xc9: {  	s0 =	simm.s32 @!p0 $0x7  }
0xca: {  	_ =	swait.ge @!p0 [sflag:s0], s1  }
0xcb: {  	s1 =	ssub.s32 @!p0 $0x0, s1;
	[sflag:s0] =	ssyncset.done @!p0 $0x0  }
0xcc: {  	[sflag:s0] =	ssyncadd.s32 @!p0 s1  }
0xcd: {  	[bflag:$0x3] =	sbarrier.arrive $0xFFFF  }
0xce: {  	_ =	shalt  }

// kernel: kernel.14.cloned.1.call-start
scs
__scs_entry_jumppad:
0x0: {  	(pc) =	sbr.rel $0x88, $3  }
0x1: {  	(tag) =	ssettag $0x0;
	lr =	simm.s32 $0x1  }
0x2: {  	[smem:$0x3F93] =	sst lr;
	_ =	strace $0xD0000000  }
0x3: {  	_ = 	snop  }
0x4: {  	_ = 	snop  }
0x5: {  	_ = 	snop  }
0x6: {  	_ = 	snop  }
0x7: {  	_ = 	snop  }
__scs_overlays_trampoline_lowered:
0x8: {  	[smem:$0x3FA2] =	sst s0  }
0x9: {  	[smem:$0x3FA3] =	sst s1  }
0xa: {  	[smem:$0x3FA4] =	sst s2  }
0xb: {  	[smem:$0x3FA5] =	sst s3  }
0xc: {  	[smem:$0x3FA6] =	sst s4  }
0xd: {  	[smem:$0x3FA7] =	sst s5  }
0xe: {  	[smem:$0x3FA8] =	sst s6  }
0xf: {  	[smem:$0x3FA9] =	sst s7  }
0x10: {  	[smem:$0x3FAA] =	sst s8  }
0x11: {  	[smem:$0x3FAB] =	sst s9;
	s0 =	simm.s32 @!p0 $0x0  }
0x12: {  	s1 =	sld [smem:$0x3F91];
	s0 =	simm.s32 @p0 $0x1  }
0x13: {  	[smem:$0x3FAC] =	sst s0;
	s0 =	simm.s32 @!p1 $0x0  }
0x14: {  	s2 =	sld [smem:$0x3F90];
	s0 =	simm.s32 @p1 $0x1  }
0x15: {  	[smem:$0x3FAD] =	sst s0;
	s0 =	simm.s32 @!p2 $0x0  }
0x16: {  	s3 =	sld [smem:$0x3FDB];
	s0 =	simm.s32 @p2 $0x1  }
0x17: {  	s4 =	simm.s32 $0x1BF5;
	[smem:$0x3FAF] =	sst s0  }
0x18: {  	s0 =	sld [smem:$0x3F92];
	_ =	swait.ge [sflag:s4], $0x0  }
0x19: {  	s7 =	sld [smem:$0x3F93]  }
0x1a: {  	s8 =	sadd.s32 $0xFFFFE003, lr  }
0x1b: {  	s9 =	sadd.s32 $0xFFFFFEF7, lr;
	s5 =	simm.s32 $0xFFFFFFFF;
	p2 =	slt.u32 s8, $0xFFFFF086  }
0x1c: {  	p1 =	slt.u32 s9, $0xF7A;
	s5 =	simm.s32 @!p2 $0x0  }
0x1d: {  	s5 =	simm.s32 @p1 $0x1;
	p0 =	seq.s32 s7, s2  }
0x1e: {  	s7 =	smul.u32 @!p0 $0xF7A, s2;
	p2 =	seq.s32 @!p0 s5, $0x0  }
0x1f: {  	s9 =	smul.u32 $0xF7A, s1;
	s8 =	simm.s32 @!p0 $0x1BF5;
	p2 =	por !p2, p0  }
0x20: {  	[sflag:s8] =	ssyncset.s32 @!p0 $0xFFFFF086;
	s6 =	sadd.s32 @!p0 s3, s7;
	s7 =	simm.s32 @!p0 $0x108  }
0x21: {  	s3 =	sadd.s32 s3, s9;
	s6 =	sadd.s32 @!p0 $0x88, s6;
	s7 =	simm.s32 @p2 $0x1082  }
0x22: {  	[simem:s7], [sflag:s8] =	dma.local @!p0 [hbm:s6], $0xF7A  }
0x23: {  	s9 =	sor.u32 $0xD0000000, s2;
	s6 =	simm.s32 $0x108;
	_ =	swait.ge @!p0 [sflag:s8], $0x0  }
0x24: {  	s3 =	sadd.s32 $0x88, s3;
	s6 =	simm.s32 @!p1 $0x1082;
	[sflag:s4] =	ssyncset.s32 $0xFFFFF086  }
0x25: {  	[simem:s6], [sflag:s4] =	dma.local [hbm:s3], $0xF7A  }
0x26: {  	[smem:$0x3F93] =	sst s1;
	(tag) =	ssettag s2;
	_ =	strace s9  }
0x27: {  	s1 =	sld [smem:$0x3FA3]  }
0x28: {  	s2 =	sld [smem:$0x3FA4]  }
0x29: {  	s4 =	sld [smem:$0x3FA6]  }
0x2a: {  	p0 =	seq.s32 s5, $0x0;
	s5 =	sld [smem:$0x3FA7]  }
0x2b: {  	s6 =	sld [smem:$0x3FA8]  }
0x2c: {  	s7 =	sld [smem:$0x3FA9]  }
0x2d: {  	s3 =	simm.s32 $0x108;
	s8 =	sld [smem:$0x3FAA]  }
0x2e: {  	s3 =	simm.s32 @!p0 $0x1082;
	s9 =	sld [smem:$0x3FAB]  }
0x2f: {  	lr =	sadd.s32 s0, s3;
	s0 =	sld [smem:$0x3FA2]  }
0x30: {  	s3 =	sld [smem:$0x3FA5]  }
0x31: {  	[smem:$0x3FAE] =	sst s10  }
0x32: {  	s10 =	sld [smem:$0x3FAC];
	_ =	sdelay $0x3  }
0x33: {  	p0 =	seq.s32 s10, $0x1;
	s10 =	sld [smem:$0x3FAE];
	_ =	sdelay $0x3  }
0x34: {  	[smem:$0x3FAE] =	sst s10  }
0x35: {  	s10 =	sld [smem:$0x3FAD];
	_ =	sdelay $0x3  }
0x36: {  	p1 =	seq.s32 s10, $0x1;
	s10 =	sld [smem:$0x3FAE];
	_ =	sdelay $0x3  }
0x37: {  	[smem:$0x3FAE] =	sst s10  }
0x38: {  	s10 =	sld [smem:$0x3FAF]  }
0x39: {  	_ = 	snop;
	(pc) =	sbr.ind lr, $3  }
0x3a: {  	_ = 	snop  }
0x3b: {  	_ = 	snop  }
0x3c: {  	p2 =	seq.s32 s10, $0x1;
	s10 =	sld [smem:$0x3FAE]  }
0x3d: {  	_ =	shalt  }
0x3e: {  	_ =	shalt  }
0x3f: {  	_ =	shalt  }
0x40: {  	_ =	shalt  }
0x41: {  	_ =	shalt  }
0x42: {  	_ =	shalt  }
0x43: {  	_ =	shalt  }
0x44: {  	_ =	shalt  }
0x45: {  	_ =	shalt  }
0x46: {  	_ =	shalt  }
0x47: {  	_ =	shalt  }
0x48: {  	_ =	shalt  }
0x49: {  	_ =	shalt  }
0x4a: {  	_ =	shalt  }
0x4b: {  	_ =	shalt  }
0x4c: {  	_ =	shalt  }
0x4d: {  	_ =	shalt  }
0x4e: {  	_ =	shalt  }
0x4f: {  	_ =	shalt  }
0x50: {  	_ =	shalt  }
0x51: {  	_ =	shalt  }
0x52: {  	_ =	shalt  }
0x53: {  	_ =	shalt  }
0x54: {  	_ =	shalt  }
0x55: {  	_ =	shalt  }
0x56: {  	_ =	shalt  }
0x57: {  	_ =	shalt  }
0x58: {  	_ =	shalt  }
0x59: {  	_ =	shalt  }
0x5a: {  	_ =	shalt  }
0x5b: {  	_ =	shalt  }
0x5c: {  	_ =	shalt  }
0x5d: {  	_ =	shalt  }
0x5e: {  	_ =	shalt  }
0x5f: {  	_ =	shalt  }
0x60: {  	_ =	shalt  }
0x61: {  	_ =	shalt  }
0x62: {  	_ =	shalt  }
0x63: {  	_ =	shalt  }
0x64: {  	_ =	shalt  }
0x65: {  	_ =	shalt  }
0x66: {  	_ =	shalt  }
0x67: {  	_ =	shalt  }
0x68: {  	_ =	shalt  }
0x69: {  	_ =	shalt  }
0x6a: {  	_ =	shalt  }
0x6b: {  	_ =	shalt  }
0x6c: {  	_ =	shalt  }
0x6d: {  	_ =	shalt  }
0x6e: {  	_ =	shalt  }
0x6f: {  	_ =	shalt  }
0x70: {  	_ =	shalt  }
0x71: {  	_ =	shalt  }
0x72: {  	_ =	shalt  }
0x73: {  	_ =	shalt  }
0x74: {  	_ =	shalt  }
0x75: {  	_ =	shalt  }
0x76: {  	_ =	shalt  }
0x77: {  	_ =	shalt  }
0x78: {  	_ =	shalt  }
0x79: {  	_ =	shalt  }
0x7a: {  	_ =	shalt  }
0x7b: {  	_ =	shalt  }
0x7c: {  	_ =	shalt  }
0x7d: {  	_ =	shalt  }
0x7e: {  	_ =	shalt  }
0x7f: {  	_ =	shalt  }
0x80: {  	_ =	shalt  }
0x81: {  	_ =	shalt  }
0x82: {  	_ =	shalt  }
0x83: {  	_ =	shalt  }
0x84: {  	_ =	shalt  }
0x85: {  	_ =	shalt  }
0x86: {  	_ =	shalt  }
0x87: {  	_ =	shalt  }
.Lfunc_end0:
.L_simem_size_0:
called_computation.2_lowered:
.L_overlay_start_0:
0x88: {  	s2 =	sld [smem:$0x3FD9]  }
0x89: {  	s3 =	sld [smem:$0x3FFE];
	_ =	sdelay $0x1  }
0x8a: {  	s1 =	srdreg.scid  }
0x8b: {  	s0 =	sand.u32 $0x1, s1  }
0x8c: {  	s16 =	sshll.u32 s0, $0xA;
	s2 =	sadd.s32 s3, s2  }
0x8d: {  	s2 =	sadd.s32 s2, s16  }
0x8e: {  	[smem:$0x3FBA] =	sst s2  }
0x8f: {  	_ = 	snop  }
0x90: {  	(tm) =	ssettm $0x1  }
0x91: {  	s17 =	sld [smem:$0x3FFB];
	_ =	sdelay $0x3  }
0x92: {  	_ =	strace s17  }
0x93: {  	s2 =	sld [smem:$0x3FFC];
	_ =	sdelay $0x3  }
0x94: {  	_ =	strace s2  }
0x95: {  	s2 =	sld [smem:$0x3FFD];
	_ =	sdelay $0x3  }
0x96: {  	_ =	strace s2  }
0x97: {  	_ =	strace $0x8FFFFFFF  }
0x98: {  	s18 =	sld [smem:$0x3FDB];
	_ =	sdelay $0x1  }
0x99: {  	s19 =	simm.s32 $_scs_section_size  }
0x9a: {  	s4 =	simm.s32 $_size__tile_overlayer_lowered;
	s5 =	simm.s32 $_tile_overlayer_lowered  }
0x9b: {  	s22 =	simm.s32 $0x1BFF;
	s21 =	sshll.u32 s5, $0x1;
	s2 =	sadd.s32 s19, s18  }
0x9c: {  	s6 =	simm.s32 $0x0;
	s20 =	sshll.u32 s4, $0x1;
	s4 =	sadd.s32 s21, s2  }
0x9d: {  	[timem:s6], [sflag:s22] =	dma.local [hbm:s4], s20  }
0x9e: {  	_ =	swait.ge [sflag:s22], s20  }
0x9f: {  	s3 =	ssub.s32 $0x0, s20;
	[sflag:s22] =	ssyncset.done $0x0  }
0xa0: {  	[sflag:s22] =	ssyncadd.s32 s3;
	_ =	sdelay $0x1  }
0xa1: {  	s23 =	simm.s32 $0x1B8B  }
0xa2: {  	_ =	swait.ge [sflag:s23], $0x1  }
0xa3: {  	[sflag:s23] =	ssyncset.done $0x0  }
0xa4: {  	s25 =	simm.s32 $0x1B8E;
	s24 =	sld [smem:$0x3FFE];
	[sflag:s23] =	ssyncadd.s32 $0xFFFFFFFF  }
0xa5: {  	s26 =	simm.s32 $execute0_lowered;
	[smem:$0x3FD2] =	sst s25  }
0xa6: {  	s4 =	sshll.u32 s26, $0x1;
	_ =	strace $0x8000004C;
	[dreg:$0x1] =	wrdreg $0xFFFFFFFF  }
0xa7: {  	s28 =	simm.s32 $_size_execute0_lowered;
	s2 =	sadd.s32 s2, s4;
	[dreg:$0x0] =	wrdreg $0x0  }
0xa8: {  	s4 =	sshll.u32 s28, $0x1;
	[dreg:$0x2] =	wrdreg s2  }
0xa9: {  	[dreg:$0x3] =	wrdreg s4  }
0xaa: {  	[dreg:$0x4] =	wrdreg $0xC0  }
0xab: {  	_ =	task [dreg:s6], $0x5FFFF  }
0xac: {  	[dreg:$0x1] =	wrdreg $0xFFFFFFFF  }
0xad: {  	[dreg:$0x0] =	wrdreg $0x60  }
0xae: {  	[dreg:$0x2] =	wrdreg s24  }
0xaf: {  	[dreg:$0x3] =	wrdreg $0xB4000  }
0xb0: {  	[dreg:$0x4] =	wrdreg $0x9  }
0xb1: {  	_ =	task.clear_ibuf [dreg:s6], $0x5FFFF;
	_ =	strace $0x9000004C  }
0xb2: {  	s29 =	simm.s32 $0x9;
	_ =	strace $0x8000004E  }
0xb3: {  	_ =	swait.ge [sflag:s29], $0x1  }
0xb4: {  	[sflag:s29] =	ssyncadd.s32 $0xFFFFFFFF  }
0xb5: {  	_ =	strace $0x9000004E  }
0xb6: {  	_ =	sfence  }
0xb7: {  	s30 =	sld [smem:$0x0];
	_ =	sdelay $0x2  }
0xb8: {  	s31 =	sshll.u32 s1, $0xD;
	s1 =	sshrl.u32 s1, $0x2  }
0xb9: {  	s3 =	sand.u32 $0x4000, s31;
	s1 =	sadd.s32 s1, s30  }
0xba: {  	s0 =	sor.u32 s3, s0;
	s1 =	sshll.u32 s1, $0x11  }
0xbb: {  	s0 =	sor.u32 s1, s0  }
0xbc: {  	s0 =	sadd.s32 $0x8F2B, s0  }
0xbd: {  	[sflag:s0] =	ssyncadd.remote.s32 $0x1  }
0xbe: {  	_ =	sfence.sel $0xFFFF  }
0xbf: {  	[dreg:$0x0] =	wrdreg $0xFFFFFFFF;
	(pc) =	sbr.abs _section_cstart, $3  }
0xc0: {  	[dreg:$0x1] =	wrdreg $0xFFFFFFFF  }
0xc1: {  	_ =	task.clear_ibuf [dreg:s6], $0x2FFFF;
	_ =	strace $0x9FFFFFFF  }
0xc2: {  	(tm) =	ssettm $0x7FFFFFFF  }
0xc3: {  	_ =	shalt  }
tec
execute0_lowered:
.L_overlay_start_1:
0x0: {  	(tag) =	ssettag $0x1  }
0x1: {  	s0 =	rddreg [dreg:$0x0]  }
0x2: {  	s2 =	srdreg.scid;
	s9 =	stileid.u32  }
0x3: {  	s1 =	rddreg [dreg:$0x1];
	s3 =	simm.s32 $0x0;
	s6 =	smul.u32 $0x14000, s9  }
0x4: {  	s17 =	simm.s32 $0x3000;
	s28 =	simm.s32 $0x180;
	s18 =	smul.u32 $0x50000, s9  }
0x5: {  	s29 =	simm.s32 $0x2;
	s2 =	sand.u32 $0x1, s2;
	s21 =	smul.u32 $0x12000, s9  }
0x6: {  	s30 =	simm.s32 $0x1880;
	s31 =	simm.s32 $0x5;
	s4 =	smul.u32 $0x27100, s2  }
0x7: {  	[smem:$0x7FF] =	sst s3;
	s5 =	smul.u32 $0x140000, s2;
	s8 =	ssub.s32 $0x2, s2  }
0x8: {  	_ =	strace $0x8000004D;
	s2 =	smul.u32 $0x120000, s2;
	s19 =	sshrl.u32 s8, $0x1  }
0x9: {  	s7 =	sadd.s32 s4, s0;
	s5 =	sadd.s32 s6, s5;
	s4 =	sadd.s32 $0x18600, s0  }
0xa: {  	s6 =	sshrl.u32 s18, $0x2;
	s8 =	ssub.s32 s8, s19;
	s5 =	sshrl.u32 s5, $0x3  }
0xb: {  	s13 =	sadd.s32 s21, s2;
	s0 =	sadd.s32 s5, s0;
	s5 =	sadd.s32 s6, s1  }
0xc: {  	s18 =	simm.s32 $0x7;
	s19 =	simm.s32 $0x1800;
	s6 =	sadd.s32 $0x2A00, s5  }
0xd: {  	s21 =	simm.s32 $0x80;
	s20 =	sadd.s32 $0x5400, s5;
	[dreg:$0x3] =	wrdreg s6  }
0xe: {  	s2 =	simm.s32 $0x3;
	s22 =	sadd.s32 $0x7E00, s5;
	[dreg:$0x4] =	wrdreg s20  }
0xf: {  	s14 =	sadd.s32 $0x60600, s7;
	s23 =	sadd.s32 $0xA800, s5;
	[dreg:$0x5] =	wrdreg s22  }
0x10: {  	s16 =	smax.u32 s8, $0x1;
	s24 =	sadd.s32 $0xD200, s5;
	[dreg:$0x6] =	wrdreg s23  }
0x11: {  	s7 =	simm.s32 $0x6;
	s25 =	sadd.s32 $0xFC00, s5;
	[dreg:$0x7] =	wrdreg s24  }
0x12: {  	s26 =	sadd.s32 $0x12600, s5;
	s15 =	sadd.s32 $0xAE800, s0;
	[dreg:$0x8] =	wrdreg s25  }
0x13: {  	s0 =	simm.s32 $0x200;
	[dreg:$0x9] =	wrdreg s26;
	s20 =	simm.s32 $0x54  }
0x14: {  	s22 =	simm.s32 $0x5C00;
	s23 =	simm.s32 $0x100;
	s24 =	simm.s32 $0x8800  }
0x15: {  	v0 =	vimm.f32 $0.0e+00;
	s25 =	simm.s32 $0x1;
	s26 =	simm.s32 $0x4;
	s6 =	simm.s32 $0x1900  }
.LBB2_1:
0x16: {  	s8 =	simm.s32 $0x0;
	s9 =	simm.s32 $0x200  }
.LBB2_2:
0x17: {  	p0 =	sne.s32 s9, $0xA600;
	[tilespmem:s8+$0x3070] =	vst v0  }
0x18: {  	[tilespmem:s8+$0x3000] =	vst v0  }
0x19: {  	[tilespmem:s8+$0x3010] =	vst v0  }
.Ltmp0:
0x1a: {  	[tilespmem:s8+$0x3020] =	vst v0;
	(pc) =	sbr.rel @p0 .LBB2_2-.Ltmp0, $4  }
0x1b: {  	[tilespmem:s8+$0x3030] =	vst v0  }
0x1c: {  	[tilespmem:s8+$0x3040] =	vst v0  }
0x1d: {  	[tilespmem:s8+$0x3050] =	vst v0  }
0x1e: {  	[tilespmem:s8+$0x3060] =	vst v0;
	s8 =	sshra.s32 s9, $0x2;
	s9 =	sadd.s32 $0x200, s9  }
0x1f: {  	[tilespmem:s8+$0x3070] =	vst v0  }
0x20: {  	[tilespmem:s8+$0x3000] =	vst v0  }
0x21: {  	[tilespmem:s8+$0x3010] =	vst v0  }
0x22: {  	[tilespmem:s8+$0x3020] =	vst v0  }
0x23: {  	[tilespmem:s8+$0x3030] =	vst v0  }
0x24: {  	[tilespmem:s8+$0x3040] =	vst v0  }
0x25: {  	[tilespmem:s8+$0x3050] =	vst v0  }
0x26: {  	[tilespmem:s8+$0x3060] =	vst v0  }
0x27: {  	[spmem:s5] =	stream.linear.scatter [tilespmem:s17], [sflag:$0x7], $0x2A00, $0x38;
	[tilespmem:$0x1F400] =	vst v63  }
0x28: {  	_ =	swait.ge [sflag:s18], $0x2A00  }
0x29: {  	[sflag:s18] =	ssyncset.done $0x0  }
0x2a: {  	s10 =	rddreg [dreg:$0x3];
	[sflag:s18] =	ssyncadd.s32 $0xFFFFD600  }
0x2b: {  	[spmem:s10] =	stream.linear.scatter [tilespmem:s17], [sflag:$0x7], $0x2A00, $0x38;
	[tilespmem:$0x1F400] =	vst v63  }
0x2c: {  	_ =	swait.ge [sflag:s18], $0x2A00  }
0x2d: {  	[sflag:s18] =	ssyncset.done $0x0  }
0x2e: {  	s11 =	rddreg [dreg:$0x4];
	[sflag:s18] =	ssyncadd.s32 $0xFFFFD600  }
0x2f: {  	[spmem:s11] =	stream.linear.scatter [tilespmem:s17], [sflag:$0x7], $0x2A00, $0x38;
	[tilespmem:$0x1F400] =	vst v63  }
0x30: {  	_ =	swait.ge [sflag:s18], $0x2A00  }
0x31: {  	[sflag:s18] =	ssyncset.done $0x0  }
0x32: {  	s12 =	rddreg [dreg:$0x5];
	[sflag:s18] =	ssyncadd.s32 $0xFFFFD600  }
0x33: {  	[spmem:s12] =	stream.linear.scatter [tilespmem:s17], [sflag:$0x7], $0x2A00, $0x38;
	[tilespmem:$0x1F400] =	vst v63  }
0x34: {  	_ =	swait.ge [sflag:s18], $0x2A00  }
0x35: {  	[sflag:s18] =	ssyncset.done $0x0  }
0x36: {  	s9 =	rddreg [dreg:$0x6];
	[sflag:s18] =	ssyncadd.s32 $0xFFFFD600  }
0x37: {  	[spmem:s9] =	stream.linear.scatter [tilespmem:s17], [sflag:$0x7], $0x2A00, $0x38;
	[tilespmem:$0x1F400] =	vst v63  }
0x38: {  	_ =	swait.ge [sflag:s18], $0x2A00  }
0x39: {  	[sflag:s18] =	ssyncset.done $0x0  }
0x3a: {  	s10 =	rddreg [dreg:$0x7];
	[sflag:s18] =	ssyncadd.s32 $0xFFFFD600  }
0x3b: {  	[spmem:s10] =	stream.linear.scatter [tilespmem:s17], [sflag:$0x7], $0x2A00, $0x38;
	[tilespmem:$0x1F400] =	vst v63  }
0x3c: {  	_ =	swait.ge [sflag:s18], $0x2A00  }
0x3d: {  	[sflag:s18] =	ssyncset.done $0x0  }
0x3e: {  	s11 =	rddreg [dreg:$0x8];
	[sflag:s18] =	ssyncadd.s32 $0xFFFFD600  }
0x3f: {  	[spmem:s11] =	stream.linear.scatter [tilespmem:s17], [sflag:$0x7], $0x2A00, $0x38;
	[tilespmem:$0x1F400] =	vst v63  }
0x40: {  	_ =	swait.ge [sflag:s18], $0x2A00  }
0x41: {  	[sflag:s18] =	ssyncset.done $0x0  }
0x42: {  	s12 =	rddreg [dreg:$0x9];
	[sflag:s18] =	ssyncadd.s32 $0xFFFFD600  }
0x43: {  	[spmem:s12] =	stream.linear.scatter [tilespmem:s17], [sflag:$0x7], $0x1A00, $0x38;
	[tilespmem:$0x1F400] =	vst v63  }
0x44: {  	_ =	swait.ge [sflag:s18], $0x1A00  }
0x45: {  	[sflag:s18] =	ssyncset.done $0x0  }
0x46: {  	[sflag:s18] =	ssyncadd.s32 $0xFFFFE600  }
0x47: {  	s8 =	simm.s32 $0x0;
	s9 =	simm.s32 $0x0;
	[bflag:$0x0] =	sbarrier.arrive $0xFFFF  }
.LBB2_4:
0x48: {  	s10 =	smul.u32 $0x3000, s9;
	_ =	sdelay $0x1  }
0x49: {  	s10 =	sadd.s32 s10, s13  }
0x4a: {  	s10 =	sshrl.u32 s10, $0x3  }
0x4b: {  	s10 =	sadd.s32 s4, s10  }
0x4c: {  	[tilespmem:s8], [sflag:$0x7] =	stream.linear.gather [hbm4b:s10+s8], $0x1500, $0x38;
	[tilespmem:$0x1F400] =	vst v63  }
0x4d: {  	_ =	swait.ge [sflag:s18], $0x1500  }
0x4e: {  	[sflag:s18] =	ssyncset.done $0x0  }
0x4f: {  	s10 =	sadd.s32 $0x300, s10;
	[sflag:s18] =	ssyncadd.s32 $0xFFFFEB00  }
0x50: {  	[tilespmem:s19], [sflag:$0x7] =	stream.linear.gather [hbm4b:s10+s8], $0x1500, $0x38;
	[tilespmem:$0x1F400] =	vst v63  }
0x51: {  	_ =	swait.ge [sflag:s18], $0x1500  }
0x52: {  	[sflag:s18] =	ssyncset.done $0x0  }
0x53: {  	[sflag:s18] =	ssyncadd.s32 $0xFFFFEB00  }
0x54: {  	[tilespmem:s17], [sflag:$0x1] =	stream.indirect.gather [hbm4b:s14+s20], $0x80, s8, s20, $0xb8;
	[tilespmem:$0x1F400] =	vst v63  }
0x55: {  	_ = 	snop  }
0x56: {  	[tilespmem:s22], [sflag:$0x2] =	stream.indirect.gather [hbm4b:s14+s20], $0x80, s21, s20, $0xb8;
	[tilespmem:$0x1F400] =	vst v63  }
0x57: {  	_ = 	snop  }
0x58: {  	[tilespmem:s24], [sflag:$0x3] =	stream.indirect.gather [hbm4b:s14+s20], $0x80, s23, s20, $0xb8;
	[tilespmem:$0x1F400] =	vst v63  }
0x59: {  	_ =	swait.ge [sflag:s25], $0x2A00  }
0x5a: {  	[sflag:s25] =	ssyncset.done $0x0  }
0x5b: {  	[sflag:s25] =	ssyncadd.s32 $0xFFFFD600  }
0x5c: {  	[spmem:s1] =	stream.indirect.scatter.add.f32 [tilespmem:s17], [sflag:$0x4], $0x80, s19, s20, $0xb8;
	[tilespmem:$0x1F400] =	vst v63  }
0x5d: {  	_ =	swait.ge [sflag:s26], $0x2A00  }
0x5e: {  	[sflag:s26] =	ssyncset.done $0x0  }
0x5f: {  	[sflag:s26] =	ssyncadd.s32 $0xFFFFD600  }
0x60: {  	[tilespmem:s17], [sflag:$0x1] =	stream.indirect.gather [hbm4b:s14+s20], $0x80, s28, s20, $0xb8;
	[tilespmem:$0x1F400] =	vst v63  }
0x61: {  	_ =	swait.ge [sflag:s29], $0x2A00  }
0x62: {  	[sflag:s29] =	ssyncset.done $0x0  }
0x63: {  	[sflag:s29] =	ssyncadd.s32 $0xFFFFD600  }
0x64: {  	[spmem:s1] =	stream.indirect.scatter.add.f32 [tilespmem:s22], [sflag:$0x5], $0x80, s30, s20, $0xb8;
	[tilespmem:$0x1F400] =	vst v63  }
0x65: {  	_ =	swait.ge [sflag:s31], $0x2A00  }
0x66: {  	[sflag:s31] =	ssyncset.done $0x0  }
0x67: {  	[sflag:s31] =	ssyncadd.s32 $0xFFFFD600  }
0x68: {  	[tilespmem:s22], [sflag:$0x2] =	stream.indirect.gather [hbm4b:s14+s20], $0x80, s0, s20, $0xb8;
	[tilespmem:$0x1F400] =	vst v63  }
0x69: {  	_ =	swait.ge [sflag:s2], $0x2A00  }
0x6a: {  	[sflag:s2] =	ssyncset.done $0x0  }
0x6b: {  	[sflag:s2] =	ssyncadd.s32 $0xFFFFD600  }
0x6c: {  	[spmem:s1] =	stream.indirect.scatter.add.f32 [tilespmem:s24], [sflag:$0x6], $0x80, s6, s20, $0xb8;
	[tilespmem:$0x1F400] =	vst v63  }
0x6d: {  	_ =	swait.ge [sflag:s7], $0x2A00  }
0x6e: {  	[sflag:s7] =	ssyncset.done $0x0  }
0x6f: {  	s12 =	simm.s32 $0x280;
	[sflag:s7] =	ssyncadd.s32 $0xFFFFD600  }
0x70: {  	[tilespmem:s24], [sflag:$0x3] =	stream.indirect.gather [hbm4b:s14+s20], $0x80, s12, s20, $0xb8;
	[tilespmem:$0x1F400] =	vst v63  }
0x71: {  	_ =	swait.ge [sflag:s25], $0x2A00  }
0x72: {  	[sflag:s25] =	ssyncset.done $0x0  }
0x73: {  	s11 =	simm.s32 $0x1980;
	[sflag:s25] =	ssyncadd.s32 $0xFFFFD600  }
0x74: {  	[spmem:s1] =	stream.indirect.scatter.add.f32 [tilespmem:s17], [sflag:$0x4], $0x80, s11, s20, $0xb8;
	[tilespmem:$0x1F400] =	vst v63  }
0x75: {  	_ =	swait.ge [sflag:s26], $0x2A00  }
0x76: {  	[sflag:s26] =	ssyncset.done $0x0  }
0x77: {  	s12 =	simm.s32 $0x300;
	[sflag:s26] =	ssyncadd.s32 $0xFFFFD600  }
0x78: {  	[tilespmem:s17], [sflag:$0x1] =	stream.indirect.gather [hbm4b:s14+s20], $0x80, s12, s20, $0xb8;
	[tilespmem:$0x1F400] =	vst v63  }
0x79: {  	_ =	swait.ge [sflag:s29], $0x2A00  }
0x7a: {  	[sflag:s29] =	ssyncset.done $0x0  }
0x7b: {  	s11 =	simm.s32 $0x1A00;
	[sflag:s29] =	ssyncadd.s32 $0xFFFFD600  }
0x7c: {  	[spmem:s1] =	stream.indirect.scatter.add.f32 [tilespmem:s22], [sflag:$0x5], $0x80, s11, s20, $0xb8;
	[tilespmem:$0x1F400] =	vst v63  }
0x7d: {  	_ =	swait.ge [sflag:s31], $0x2A00  }
0x7e: {  	[sflag:s31] =	ssyncset.done $0x0  }
0x7f: {  	s12 =	simm.s32 $0x380;
	[sflag:s31] =	ssyncadd.s32 $0xFFFFD600  }
0x80: {  	[tilespmem:s22], [sflag:$0x2] =	stream.indirect.gather [hbm4b:s14+s20], $0x80, s12, s20, $0xb8;
	[tilespmem:$0x1F400] =	vst v63  }
0x81: {  	_ =	swait.ge [sflag:s2], $0x2A00  }
0x82: {  	[sflag:s2] =	ssyncset.done $0x0  }
0x83: {  	s10 =	simm.s32 $0x600;
	s11 =	simm.s32 $0x1A80;
	[sflag:s2] =	ssyncadd.s32 $0xFFFFD600  }
.LBB2_5:
0x84: {  	[spmem:s1] =	stream.indirect.scatter.add.f32 [tilespmem:s24], [sflag:$0x6], $0x80, s11, s20, $0xb8;
	[tilespmem:$0x1F400] =	vst v63  }
0x85: {  	s11 =	smov.u32 s10;
	s10 =	sadd.s32 $0x600, s10;
	_ =	swait.ge [sflag:s7], $0x2A00  }
0x86: {  	s11 =	sshra.s32 s11, $0x2;
	p0 =	sne.s32 s10, $0x4800;
	[sflag:s7] =	ssyncset.done $0x0  }
0x87: {  	s12 =	sadd.s32 $0x280, s11;
	[sflag:s7] =	ssyncadd.s32 $0xFFFFD600  }
0x88: {  	[tilespmem:s24], [sflag:$0x3] =	stream.indirect.gather [hbm4b:s14+s20], $0x80, s12, s20, $0xb8;
	[tilespmem:$0x1F400] =	vst v63  }
0x89: {  	_ =	swait.ge [sflag:s25], $0x2A00  }
0x8a: {  	[sflag:s25] =	ssyncset.done $0x0  }
0x8b: {  	s12 =	sadd.s32 $0x1980, s11;
	[sflag:s25] =	ssyncadd.s32 $0xFFFFD600  }
0x8c: {  	[spmem:s1] =	stream.indirect.scatter.add.f32 [tilespmem:s17], [sflag:$0x4], $0x80, s12, s20, $0xb8;
	[tilespmem:$0x1F400] =	vst v63  }
0x8d: {  	_ =	swait.ge [sflag:s26], $0x2A00  }
0x8e: {  	[sflag:s26] =	ssyncset.done $0x0  }
0x8f: {  	s12 =	sadd.s32 $0x300, s11;
	[sflag:s26] =	ssyncadd.s32 $0xFFFFD600  }
0x90: {  	[tilespmem:s17], [sflag:$0x1] =	stream.indirect.gather [hbm4b:s14+s20], $0x80, s12, s20, $0xb8;
	[tilespmem:$0x1F400] =	vst v63  }
0x91: {  	_ =	swait.ge [sflag:s29], $0x2A00  }
0x92: {  	[sflag:s29] =	ssyncset.done $0x0  }
0x93: {  	s12 =	sadd.s32 $0x1A00, s11;
	[sflag:s29] =	ssyncadd.s32 $0xFFFFD600  }
0x94: {  	[spmem:s1] =	stream.indirect.scatter.add.f32 [tilespmem:s22], [sflag:$0x5], $0x80, s12, s20, $0xb8;
	[tilespmem:$0x1F400] =	vst v63  }
0x95: {  	_ =	swait.ge [sflag:s31], $0x2A00  }
0x96: {  	[sflag:s31] =	ssyncset.done $0x0  }
.Ltmp1:
0x97: {  	s12 =	sadd.s32 $0x380, s11;
	[sflag:s31] =	ssyncadd.s32 $0xFFFFD600;
	(pc) =	sbr.rel @p0 .LBB2_5-.Ltmp1, $4  }
0x98: {  	[tilespmem:s22], [sflag:$0x2] =	stream.indirect.gather [hbm4b:s14+s20], $0x80, s12, s20, $0xb8;
	[tilespmem:$0x1F400] =	vst v63  }
0x99: {  	_ =	swait.ge [sflag:s2], $0x2A00  }
0x9a: {  	[sflag:s2] =	ssyncset.done $0x0  }
0x9b: {  	s11 =	sadd.s32 $0x1A80, s11;
	[sflag:s2] =	ssyncadd.s32 $0xFFFFD600  }
0x9c: {  	[spmem:s1] =	stream.indirect.scatter.add.f32 [tilespmem:s24], [sflag:$0x6], $0x80, s11, s20, $0xb8;
	[tilespmem:$0x1F400] =	vst v63  }
0x9d: {  	_ =	swait.ge [sflag:s7], $0x2A00  }
0x9e: {  	s10 =	sshra.s32 s10, $0x2;
	[sflag:s7] =	ssyncset.done $0x0  }
0x9f: {  	s12 =	sadd.s32 $0x280, s10;
	[sflag:s7] =	ssyncadd.s32 $0xFFFFD600  }
0xa0: {  	[tilespmem:s24], [sflag:$0x3] =	stream.indirect.gather [hbm4b:s14+s20], $0x80, s12, s20, $0xb8;
	[tilespmem:$0x1F400] =	vst v63  }
0xa1: {  	_ =	swait.ge [sflag:s25], $0x2A00  }
0xa2: {  	[sflag:s25] =	ssyncset.done $0x0  }
0xa3: {  	s12 =	sadd.s32 $0x1980, s10;
	[sflag:s25] =	ssyncadd.s32 $0xFFFFD600  }
0xa4: {  	[spmem:s1] =	stream.indirect.scatter.add.f32 [tilespmem:s17], [sflag:$0x4], $0x80, s12, s20, $0xb8;
	[tilespmem:$0x1F400] =	vst v63  }
0xa5: {  	_ =	swait.ge [sflag:s26], $0x2A00  }
0xa6: {  	[sflag:s26] =	ssyncset.done $0x0  }
0xa7: {  	[sflag:s26] =	ssyncadd.s32 $0xFFFFD600  }
0xa8: {  	_ =	swait.ge [sflag:s29], $0x2A00  }
0xa9: {  	[sflag:s29] =	ssyncset.done $0x0  }
0xaa: {  	s12 =	sadd.s32 $0x1A00, s10;
	[sflag:s29] =	ssyncadd.s32 $0xFFFFD600  }
0xab: {  	[spmem:s1] =	stream.indirect.scatter.add.f32 [tilespmem:s22], [sflag:$0x5], $0x80, s12, s20, $0xb8;
	[tilespmem:$0x1F400] =	vst v63  }
0xac: {  	_ =	swait.ge [sflag:s31], $0x2A00  }
0xad: {  	[sflag:s31] =	ssyncset.done $0x0  }
0xae: {  	[sflag:s31] =	ssyncadd.s32 $0xFFFFD600  }
0xaf: {  	s9 =	sadd.s32 $0x1, s9;
	_ =	swait.ge [sflag:s2], $0x2A00  }
0xb0: {  	p0 =	sne.s32 s9, $0x6;
	[sflag:s2] =	ssyncset.done $0x0  }
.Ltmp2:
0xb1: {  	s10 =	sadd.s32 $0x1A80, s10;
	[sflag:s2] =	ssyncadd.s32 $0xFFFFD600;
	(pc) =	sbr.rel @p0 .LBB2_4-.Ltmp2, $4  }
0xb2: {  	[spmem:s1] =	stream.indirect.scatter.add.f32 [tilespmem:s24], [sflag:$0x6], $0x80, s10, s20, $0xb8;
	[tilespmem:$0x1F400] =	vst v63  }
0xb3: {  	_ =	swait.ge [sflag:s7], $0x2A00  }
0xb4: {  	[sflag:s7] =	ssyncset.done $0x0  }
0xb5: {  	[sflag:s7] =	ssyncadd.s32 $0xFFFFD600  }
0xb6: {  	s8 =	stileid.u32;
	s3 =	sadd.s32 $0x1, s3  }
0xb7: {  	[bflag:$0x0] =	sbarrier.arrive $0xFFFF;
	s8 =	sshll.u32 s8, $0x6;
	p0 =	sne.s32 s3, s16  }
.Ltmp3:
0xb8: {  	s9 =	sshrl.u32 s5, $0x3;
	s8 =	sor.u32 $0x1C07, s8;
	(pc) =	sbr.rel @p0 .LBB2_1-.Ltmp3, $4  }
0xb9: {  	[hbm:s15], [sflag:s8] =	dma.local [spmem:s9], $0x2800  }
0xba: {  	_ =	swait.ge [sflag:s18], $0x2800  }
0xbb: {  	[sflag:s18] =	ssyncset.done $0x0  }
0xbc: {  	[sflag:s18] =	ssyncadd.s32 $0xFFFFD800  }
0xbd: {  	_ =	sfence.sel $0x180000  }
0xbe: {  	[bflag:$0x0] =	sbarrier.arrive $0xFFFF  }
0xbf: {  	_ =	strace $0x9000004D  }
0xc0: {  	s0 =	stileid.u32;
	[bflag:$0x2] =	sbarrier.arrive $0xFFFF  }
0xc1: {  	p0 =	sne.s32 s0, $0x0;
	s0 =	rddreg [dreg:$0x2]  }
0xc2: {  	s0 =	sadd.s32 @!p0 $0x100000, s0  }
0xc3: {  	[sflag:s0] =	ssyncadd.tile.s32 @!p0 $0x1;
	_ =	shalt  }
.Lfunc_end2:
_tile_overlayer_lowered:
.L_overlay_start_2:
0xc4: {  	(tag) =	ssettag $0x2  }
0xc5: {  	s0 =	rddreg [dreg:$0x0];
	s2 =	stileid.u32  }
0xc6: {  	s1 =	rddreg [dreg:$0x1];
	p0 =	sne.s32 s2, $0x0  }
0xc7: {  	s3 =	rddreg [dreg:$0x2];
	[bflag:$0x3] =	sbarrier.arrive $0xFFFF;
	s2 =	simm.s32 @!p0 $0x1C07  }
0xc8: {  	[timem:s3], [sflag:s2] =	dma.local @!p0 [hbm:s0], s1  }
0xc9: {  	s0 =	simm.s32 @!p0 $0x7  }
0xca: {  	_ =	swait.ge @!p0 [sflag:s0], s1  }
0xcb: {  	s1 =	ssub.s32 @!p0 $0x0, s1;
	[sflag:s0] =	ssyncset.done @!p0 $0x0  }
0xcc: {  	[sflag:s0] =	ssyncadd.s32 @!p0 s1  }
0xcd: {  	[bflag:$0x3] =	sbarrier.arrive $0xFFFF  }
0xce: {  	_ =	shalt  }

// kernel: kernel.8.cloned.1.call-start
scs
__scs_entry_jumppad:
0x0: {  	(pc) =	sbr.rel $0x88, $3  }
0x1: {  	(tag) =	ssettag $0x0;
	lr =	simm.s32 $0x1  }
0x2: {  	[smem:$0x3F93] =	sst lr;
	_ =	strace $0xD0000000  }
0x3: {  	_ = 	snop  }
0x4: {  	_ = 	snop  }
0x5: {  	_ = 	snop  }
0x6: {  	_ = 	snop  }
0x7: {  	_ = 	snop  }
__scs_overlays_trampoline_lowered:
0x8: {  	[smem:$0x3FA2] =	sst s0  }
0x9: {  	[smem:$0x3FA3] =	sst s1  }
0xa: {  	[smem:$0x3FA4] =	sst s2  }
0xb: {  	[smem:$0x3FA5] =	sst s3  }
0xc: {  	[smem:$0x3FA6] =	sst s4  }
0xd: {  	[smem:$0x3FA7] =	sst s5  }
0xe: {  	[smem:$0x3FA8] =	sst s6  }
0xf: {  	[smem:$0x3FA9] =	sst s7  }
0x10: {  	[smem:$0x3FAA] =	sst s8  }
0x11: {  	[smem:$0x3FAB] =	sst s9;
	s0 =	simm.s32 @!p0 $0x0  }
0x12: {  	s1 =	sld [smem:$0x3F91];
	s0 =	simm.s32 @p0 $0x1  }
0x13: {  	[smem:$0x3FAC] =	sst s0;
	s0 =	simm.s32 @!p1 $0x0  }
0x14: {  	s2 =	sld [smem:$0x3F90];
	s0 =	simm.s32 @p1 $0x1  }
0x15: {  	[smem:$0x3FAD] =	sst s0;
	s0 =	simm.s32 @!p2 $0x0  }
0x16: {  	s3 =	sld [smem:$0x3FDB];
	s0 =	simm.s32 @p2 $0x1  }
0x17: {  	s4 =	simm.s32 $0x1BF5;
	[smem:$0x3FAF] =	sst s0  }
0x18: {  	s0 =	sld [smem:$0x3F92];
	_ =	swait.ge [sflag:s4], $0x0  }
0x19: {  	s7 =	sld [smem:$0x3F93]  }
0x1a: {  	s8 =	sadd.s32 $0xFFFFE003, lr  }
0x1b: {  	s9 =	sadd.s32 $0xFFFFFEF7, lr;
	s5 =	simm.s32 $0xFFFFFFFF;
	p2 =	slt.u32 s8, $0xFFFFF086  }
0x1c: {  	p1 =	slt.u32 s9, $0xF7A;
	s5 =	simm.s32 @!p2 $0x0  }
0x1d: {  	s5 =	simm.s32 @p1 $0x1;
	p0 =	seq.s32 s7, s2  }
0x1e: {  	s7 =	smul.u32 @!p0 $0xF7A, s2;
	p2 =	seq.s32 @!p0 s5, $0x0  }
0x1f: {  	s9 =	smul.u32 $0xF7A, s1;
	s8 =	simm.s32 @!p0 $0x1BF5;
	p2 =	por !p2, p0  }
0x20: {  	[sflag:s8] =	ssyncset.s32 @!p0 $0xFFFFF086;
	s6 =	sadd.s32 @!p0 s3, s7;
	s7 =	simm.s32 @!p0 $0x108  }
0x21: {  	s3 =	sadd.s32 s3, s9;
	s6 =	sadd.s32 @!p0 $0x88, s6;
	s7 =	simm.s32 @p2 $0x1082  }
0x22: {  	[simem:s7], [sflag:s8] =	dma.local @!p0 [hbm:s6], $0xF7A  }
0x23: {  	s9 =	sor.u32 $0xD0000000, s2;
	s6 =	simm.s32 $0x108;
	_ =	swait.ge @!p0 [sflag:s8], $0x0  }
0x24: {  	s3 =	sadd.s32 $0x88, s3;
	s6 =	simm.s32 @!p1 $0x1082;
	[sflag:s4] =	ssyncset.s32 $0xFFFFF086  }
0x25: {  	[simem:s6], [sflag:s4] =	dma.local [hbm:s3], $0xF7A  }
0x26: {  	[smem:$0x3F93] =	sst s1;
	(tag) =	ssettag s2;
	_ =	strace s9  }
0x27: {  	s1 =	sld [smem:$0x3FA3]  }
0x28: {  	s2 =	sld [smem:$0x3FA4]  }
0x29: {  	s4 =	sld [smem:$0x3FA6]  }
0x2a: {  	p0 =	seq.s32 s5, $0x0;
	s5 =	sld [smem:$0x3FA7]  }
0x2b: {  	s6 =	sld [smem:$0x3FA8]  }
0x2c: {  	s7 =	sld [smem:$0x3FA9]  }
0x2d: {  	s3 =	simm.s32 $0x108;
	s8 =	sld [smem:$0x3FAA]  }
0x2e: {  	s3 =	simm.s32 @!p0 $0x1082;
	s9 =	sld [smem:$0x3FAB]  }
0x2f: {  	lr =	sadd.s32 s0, s3;
	s0 =	sld [smem:$0x3FA2]  }
0x30: {  	s3 =	sld [smem:$0x3FA5]  }
0x31: {  	[smem:$0x3FAE] =	sst s10  }
0x32: {  	s10 =	sld [smem:$0x3FAC];
	_ =	sdelay $0x3  }
0x33: {  	p0 =	seq.s32 s10, $0x1;
	s10 =	sld [smem:$0x3FAE];
	_ =	sdelay $0x3  }
0x34: {  	[smem:$0x3FAE] =	sst s10  }
0x35: {  	s10 =	sld [smem:$0x3FAD];
	_ =	sdelay $0x3  }
0x36: {  	p1 =	seq.s32 s10, $0x1;
	s10 =	sld [smem:$0x3FAE];
	_ =	sdelay $0x3  }
0x37: {  	[smem:$0x3FAE] =	sst s10  }
0x38: {  	s10 =	sld [smem:$0x3FAF]  }
0x39: {  	_ = 	snop;
	(pc) =	sbr.ind lr, $3  }
0x3a: {  	_ = 	snop  }
0x3b: {  	_ = 	snop  }
0x3c: {  	p2 =	seq.s32 s10, $0x1;
	s10 =	sld [smem:$0x3FAE]  }
0x3d: {  	_ =	shalt  }
0x3e: {  	_ =	shalt  }
0x3f: {  	_ =	shalt  }
0x40: {  	_ =	shalt  }
0x41: {  	_ =	shalt  }
0x42: {  	_ =	shalt  }
0x43: {  	_ =	shalt  }
0x44: {  	_ =	shalt  }
0x45: {  	_ =	shalt  }
0x46: {  	_ =	shalt  }
0x47: {  	_ =	shalt  }
0x48: {  	_ =	shalt  }
0x49: {  	_ =	shalt  }
0x4a: {  	_ =	shalt  }
0x4b: {  	_ =	shalt  }
0x4c: {  	_ =	shalt  }
0x4d: {  	_ =	shalt  }
0x4e: {  	_ =	shalt  }
0x4f: {  	_ =	shalt  }
0x50: {  	_ =	shalt  }
0x51: {  	_ =	shalt  }
0x52: {  	_ =	shalt  }
0x53: {  	_ =	shalt  }
0x54: {  	_ =	shalt  }
0x55: {  	_ =	shalt  }
0x56: {  	_ =	shalt  }
0x57: {  	_ =	shalt  }
0x58: {  	_ =	shalt  }
0x59: {  	_ =	shalt  }
0x5a: {  	_ =	shalt  }
0x5b: {  	_ =	shalt  }
0x5c: {  	_ =	shalt  }
0x5d: {  	_ =	shalt  }
0x5e: {  	_ =	shalt  }
0x5f: {  	_ =	shalt  }
0x60: {  	_ =	shalt  }
0x61: {  	_ =	shalt  }
0x62: {  	_ =	shalt  }
0x63: {  	_ =	shalt  }
0x64: {  	_ =	shalt  }
0x65: {  	_ =	shalt  }
0x66: {  	_ =	shalt  }
0x67: {  	_ =	shalt  }
0x68: {  	_ =	shalt  }
0x69: {  	_ =	shalt  }
0x6a: {  	_ =	shalt  }
0x6b: {  	_ =	shalt  }
0x6c: {  	_ =	shalt  }
0x6d: {  	_ =	shalt  }
0x6e: {  	_ =	shalt  }
0x6f: {  	_ =	shalt  }
0x70: {  	_ =	shalt  }
0x71: {  	_ =	shalt  }
0x72: {  	_ =	shalt  }
0x73: {  	_ =	shalt  }
0x74: {  	_ =	shalt  }
0x75: {  	_ =	shalt  }
0x76: {  	_ =	shalt  }
0x77: {  	_ =	shalt  }
0x78: {  	_ =	shalt  }
0x79: {  	_ =	shalt  }
0x7a: {  	_ =	shalt  }
0x7b: {  	_ =	shalt  }
0x7c: {  	_ =	shalt  }
0x7d: {  	_ =	shalt  }
0x7e: {  	_ =	shalt  }
0x7f: {  	_ =	shalt  }
0x80: {  	_ =	shalt  }
0x81: {  	_ =	shalt  }
0x82: {  	_ =	shalt  }
0x83: {  	_ =	shalt  }
0x84: {  	_ =	shalt  }
0x85: {  	_ =	shalt  }
0x86: {  	_ =	shalt  }
0x87: {  	_ =	shalt  }
.Lfunc_end0:
.L_simem_size_0:
called_computation_lowered:
.L_overlay_start_0:
0x88: {  	s2 =	sld [smem:$0x3FD9]  }
0x89: {  	s3 =	sld [smem:$0x3FFE];
	_ =	sdelay $0x1  }
0x8a: {  	s1 =	srdreg.scid  }
0x8b: {  	s0 =	sand.u32 $0x1, s1  }
0x8c: {  	s16 =	sshll.u32 s0, $0xA;
	s2 =	sadd.s32 s3, s2  }
0x8d: {  	s2 =	sadd.s32 s2, s16  }
0x8e: {  	[smem:$0x3FBA] =	sst s2  }
0x8f: {  	_ = 	snop  }
0x90: {  	(tm) =	ssettm $0x1  }
0x91: {  	s17 =	sld [smem:$0x3FFB];
	_ =	sdelay $0x3  }
0x92: {  	_ =	strace s17  }
0x93: {  	s2 =	sld [smem:$0x3FFC];
	_ =	sdelay $0x3  }
0x94: {  	_ =	strace s2  }
0x95: {  	s2 =	sld [smem:$0x3FFD];
	_ =	sdelay $0x3  }
0x96: {  	_ =	strace s2  }
0x97: {  	_ =	strace $0x8FFFFFFF  }
0x98: {  	s18 =	sld [smem:$0x3FDB];
	_ =	sdelay $0x1  }
0x99: {  	s19 =	simm.s32 $_scs_section_size  }
0x9a: {  	s4 =	simm.s32 $_size__tile_overlayer_lowered;
	s5 =	simm.s32 $_tile_overlayer_lowered  }
0x9b: {  	s22 =	simm.s32 $0x1BFF;
	s21 =	sshll.u32 s5, $0x1;
	s2 =	sadd.s32 s19, s18  }
0x9c: {  	s6 =	simm.s32 $0x0;
	s20 =	sshll.u32 s4, $0x1;
	s4 =	sadd.s32 s21, s2  }
0x9d: {  	[timem:s6], [sflag:s22] =	dma.local [hbm:s4], s20  }
0x9e: {  	_ =	swait.ge [sflag:s22], s20  }
0x9f: {  	s3 =	ssub.s32 $0x0, s20;
	[sflag:s22] =	ssyncset.done $0x0  }
0xa0: {  	[sflag:s22] =	ssyncadd.s32 s3;
	_ =	sdelay $0x1  }
0xa1: {  	s23 =	simm.s32 $0x1B8B  }
0xa2: {  	_ =	swait.ge [sflag:s23], $0x1  }
0xa3: {  	[sflag:s23] =	ssyncset.done $0x0  }
0xa4: {  	s25 =	simm.s32 $0x1B8E;
	s24 =	sld [smem:$0x3FFE];
	[sflag:s23] =	ssyncadd.s32 $0xFFFFFFFF  }
0xa5: {  	s26 =	simm.s32 $execute0_lowered;
	[smem:$0x3FD2] =	sst s25  }
0xa6: {  	s4 =	sshll.u32 s26, $0x1;
	_ =	strace $0x80000046;
	[dreg:$0x1] =	wrdreg $0xFFFFFFFF  }
0xa7: {  	s28 =	simm.s32 $_size_execute0_lowered;
	s2 =	sadd.s32 s2, s4;
	[dreg:$0x0] =	wrdreg $0x0  }
0xa8: {  	s4 =	sshll.u32 s28, $0x1;
	[dreg:$0x2] =	wrdreg s2  }
0xa9: {  	[dreg:$0x3] =	wrdreg s4  }
0xaa: {  	[dreg:$0x4] =	wrdreg $0xC0  }
0xab: {  	_ =	task [dreg:s6], $0x5FFFF  }
0xac: {  	[dreg:$0x1] =	wrdreg $0xFFFFFFFF  }
0xad: {  	[dreg:$0x0] =	wrdreg $0x60  }
0xae: {  	[dreg:$0x2] =	wrdreg s24  }
0xaf: {  	[dreg:$0x3] =	wrdreg $0x1F000  }
0xb0: {  	[dreg:$0x4] =	wrdreg $0x9  }
0xb1: {  	_ =	task.clear_ibuf [dreg:s6], $0x5FFFF;
	_ =	strace $0x90000046  }
0xb2: {  	s29 =	simm.s32 $0x9;
	_ =	strace $0x80000048  }
0xb3: {  	_ =	swait.ge [sflag:s29], $0x1  }
0xb4: {  	[sflag:s29] =	ssyncadd.s32 $0xFFFFFFFF  }
0xb5: {  	_ =	strace $0x90000048  }
0xb6: {  	_ =	sfence  }
0xb7: {  	s30 =	sld [smem:$0x0];
	_ =	sdelay $0x2  }
0xb8: {  	s31 =	sshll.u32 s1, $0xD;
	s1 =	sshrl.u32 s1, $0x2  }
0xb9: {  	s3 =	sand.u32 $0x4000, s31;
	s1 =	sadd.s32 s1, s30  }
0xba: {  	s0 =	sor.u32 s3, s0;
	s1 =	sshll.u32 s1, $0x11  }
0xbb: {  	s0 =	sor.u32 s1, s0  }
0xbc: {  	s0 =	sadd.s32 $0x8F2B, s0  }
0xbd: {  	[sflag:s0] =	ssyncadd.remote.s32 $0x1  }
0xbe: {  	_ =	sfence.sel $0xFFFF  }
0xbf: {  	[dreg:$0x0] =	wrdreg $0xFFFFFFFF;
	(pc) =	sbr.abs _section_cstart, $3  }
0xc0: {  	[dreg:$0x1] =	wrdreg $0xFFFFFFFF  }
0xc1: {  	_ =	task.clear_ibuf [dreg:s6], $0x2FFFF;
	_ =	strace $0x9FFFFFFF  }
0xc2: {  	(tm) =	ssettm $0x7FFFFFFF  }
0xc3: {  	_ =	shalt  }
tec
execute0_lowered:
.L_overlay_start_1:
0x0: {  	(tag) =	ssettag $0x1  }
0x1: {  	s4 =	rddreg [dreg:$0x0]  }
0x2: {  	s2 =	rddreg [dreg:$0x1]  }
0x3: {  	s0 =	srdreg.scid;
	s1 =	rddreg [dreg:$0x2]  }
0x4: {  	s3 =	simm.s32 $0x0;
	s11 =	simm.s32 $0x2;
	s5 =	sand.u32 $0x1, s0  }
0x5: {  	s12 =	simm.s32 $0x80;
	s0 =	stileid.u32;
	s6 =	smul.u32 $0x54000, s5  }
0x6: {  	s13 =	simm.s32 $0x1C00;
	s14 =	simm.s32 $0x1;
	s7 =	smul.u32 $0x5400, s0  }
0x7: {  	s17 =	simm.s32 $0x0;
	[smem:$0x7FF] =	sst s3;
	s8 =	smul.u32 $0x280, s0  }
0x8: {  	s9 =	smul.u32 $0x2800, s5;
	_ =	strace $0x80000047;
	s5 =	ssub.s32 $0x2, s5  }
0x9: {  	s15 =	sshll.u32 s0, $0x6;
	s29 =	sshrl.u32 s5, $0x1;
	s6 =	sadd.s32 s7, s6  }
0xa: {  	s15 =	sor.u32 $0x1C02, s15;
	s28 =	sadd.s32 s8, s9;
	s6 =	sshrl.u32 s6, $0x3  }
0xb: {  	s31 =	ssub.s32 s5, s29;
	s7 =	sshrl.u32 s28, $0x3;
	s10 =	sadd.s32 s6, s4  }
0xc: {  	s30 =	sadd.s32 s7, s4;
	s4 =	sadd.s32 s8, s2;
	s6 =	smax.u32 s31, $0x1  }
0xd: {  	s5 =	sadd.s32 $0x17C00, s30;
	s7 =	sadd.s32 $0x2C00, s10;
	s8 =	sadd.s32 $0x2F80, s10  }
0xe: {  	v0 =	vimm.f32 $1.000000000e+00;
	v1 =	vimm.f32 $0.0e+00;
	s9 =	sadd.s32 $0x3300, s10;
	s10 =	simm.s32 $0x1C80;
	s16 =	sshrl.u32 s4, $0x3  }
.LBB2_1:
0xf: {  	[tilespmem:$0x1C00] =	vst v0  }
0x10: {  	[tilespmem:$0x1C10] =	vst v0  }
0x11: {  	[tilespmem:$0x1C20] =	vst v0  }
0x12: {  	[tilespmem:$0x1C30] =	vst v0  }
0x13: {  	[tilespmem:$0x1C40] =	vst v0  }
0x14: {  	[tilespmem:$0x1C50] =	vst v0  }
0x15: {  	[tilespmem:$0x1C60] =	vst v0  }
0x16: {  	[tilespmem:$0x1C70] =	vst v0  }
0x17: {  	[tilespmem:$0x1C80] =	vst v1  }
0x18: {  	[tilespmem:$0x1C90] =	vst v1  }
0x19: {  	[tilespmem:$0x1CA0] =	vst v1  }
0x1a: {  	[tilespmem:$0x1CB0] =	vst v1  }
0x1b: {  	[tilespmem:$0x1CC0] =	vst v1  }
0x1c: {  	[tilespmem:$0x1CD0] =	vst v1  }
0x1d: {  	[tilespmem:$0x1CE0] =	vst v1  }
0x1e: {  	[tilespmem:$0x1CF0] =	vst v1  }
0x1f: {  	[tilespmem:$0x1D00] =	vst v1  }
0x20: {  	[tilespmem:$0x1D10] =	vst v1  }
0x21: {  	[tilespmem:$0x1D20] =	vst v1  }
0x22: {  	[tilespmem:$0x1D30] =	vst v1  }
0x23: {  	[tilespmem:$0x1D40] =	vst v1  }
0x24: {  	[tilespmem:$0x1D50] =	vst v1  }
0x25: {  	[tilespmem:$0x1D60] =	vst v1  }
0x26: {  	[tilespmem:$0x1D70] =	vst v1  }
0x27: {  	[tilespmem:$0x1D80] =	vst v1  }
0x28: {  	[tilespmem:$0x1D90] =	vst v1  }
0x29: {  	[tilespmem:$0x1DA0] =	vst v1  }
0x2a: {  	[tilespmem:$0x1DB0] =	vst v1  }
0x2b: {  	[tilespmem:$0x1DC0] =	vst v1  }
0x2c: {  	[tilespmem:$0x1DD0] =	vst v1  }
0x2d: {  	[tilespmem:$0x1DE0] =	vst v1  }
0x2e: {  	[tilespmem:$0x1DF0] =	vst v1  }
0x2f: {  	[tilespmem:$0x1E00] =	vst v1  }
0x30: {  	[tilespmem:$0x1E10] =	vst v1  }
0x31: {  	[tilespmem:$0x1E20] =	vst v1  }
0x32: {  	[tilespmem:$0x1E30] =	vst v1  }
0x33: {  	[tilespmem:$0x1E40] =	vst v1  }
0x34: {  	[tilespmem:$0x1E50] =	vst v1  }
0x35: {  	[tilespmem:$0x1E60] =	vst v1  }
0x36: {  	[tilespmem:$0x1E70] =	vst v1  }
0x37: {  	[tilespmem:$0x1E80] =	vst v1  }
0x38: {  	[tilespmem:$0x1E90] =	vst v1  }
0x39: {  	[tilespmem:$0x1EA0] =	vst v1  }
0x3a: {  	[tilespmem:$0x1EB0] =	vst v1  }
0x3b: {  	[tilespmem:$0x1EC0] =	vst v1  }
0x3c: {  	[tilespmem:$0x1ED0] =	vst v1  }
0x3d: {  	[tilespmem:$0x1EE0] =	vst v1  }
0x3e: {  	[tilespmem:$0x1EF0] =	vst v1  }
0x3f: {  	[spmem:s4] =	stream.linear.scatter [tilespmem:s10], [sflag:$0x2], $0x280, $0x38;
	[tilespmem:$0x2180] =	vst v63  }
0x40: {  	_ =	swait.ge [sflag:s11], $0x280  }
0x41: {  	[sflag:s11] =	ssyncset.done $0x0  }
0x42: {  	[sflag:s11] =	ssyncadd.s32 $0xFFFFFD80  }
0x43: {  	[bflag:$0x0] =	sbarrier.arrive $0xFFFF  }
0x44: {  	[tilespmem:s3], [sflag:$0x2] =	stream.linear.gather [hbm4b:s7+s3], $0x1B00, $0x38;
	[tilespmem:$0x2180] =	vst v63  }
0x45: {  	_ =	swait.ge [sflag:s11], $0x1B00  }
0x46: {  	[sflag:s11] =	ssyncset.done $0x0  }
0x47: {  	s18 =	simm.s32 $0x0;
	[sflag:s11] =	ssyncadd.s32 $0xFFFFE500  }
0x48: {  	[spmem:s2] =	stream.indirect.scatter.add.f32 [tilespmem:s13], [sflag:$0x1], $0x1, s18, s12, $0xb8;
	[tilespmem:$0x2180] =	vst v63  }
0x49: {  	s26 =	simm.s32 $0x80  }
0x4a: {  	[spmem:s2] =	stream.indirect.scatter.add.f32 [tilespmem:s13], [sflag:$0x1], $0x1, s26, s12, $0xb8;
	[tilespmem:$0x2180] =	vst v63  }
0x4b: {  	s28 =	simm.s32 $0x100  }
0x4c: {  	[spmem:s2] =	stream.indirect.scatter.add.f32 [tilespmem:s13], [sflag:$0x1], $0x1, s28, s12, $0xb8;
	[tilespmem:$0x2180] =	vst v63  }
0x4d: {  	s29 =	simm.s32 $0x180  }
0x4e: {  	[spmem:s2] =	stream.indirect.scatter.add.f32 [tilespmem:s13], [sflag:$0x1], $0x1, s29, s12, $0xb8;
	[tilespmem:$0x2180] =	vst v63  }
0x4f: {  	s30 =	simm.s32 $0x200  }
0x50: {  	[spmem:s2] =	stream.indirect.scatter.add.f32 [tilespmem:s13], [sflag:$0x1], $0x1, s30, s12, $0xb8;
	[tilespmem:$0x2180] =	vst v63  }
0x51: {  	s31 =	simm.s32 $0x280  }
0x52: {  	[spmem:s2] =	stream.indirect.scatter.add.f32 [tilespmem:s13], [sflag:$0x1], $0x1, s31, s12, $0xb8;
	[tilespmem:$0x2180] =	vst v63  }
0x53: {  	_ =	swait.ge [sflag:s14], $0x80  }
0x54: {  	[sflag:s14] =	ssyncset.done $0x0  }
0x55: {  	[sflag:s14] =	ssyncadd.s32 $0xFFFFFF80  }
0x56: {  	_ =	swait.ge [sflag:s14], $0x80  }
0x57: {  	[sflag:s14] =	ssyncset.done $0x0  }
0x58: {  	[sflag:s14] =	ssyncadd.s32 $0xFFFFFF80  }
0x59: {  	_ =	swait.ge [sflag:s14], $0x80  }
0x5a: {  	[sflag:s14] =	ssyncset.done $0x0  }
0x5b: {  	[sflag:s14] =	ssyncadd.s32 $0xFFFFFF80  }
0x5c: {  	_ =	swait.ge [sflag:s14], $0x80  }
0x5d: {  	[sflag:s14] =	ssyncset.done $0x0  }
0x5e: {  	[sflag:s14] =	ssyncadd.s32 $0xFFFFFF80  }
0x5f: {  	_ =	swait.ge [sflag:s14], $0x80  }
0x60: {  	[sflag:s14] =	ssyncset.done $0x0  }
0x61: {  	[sflag:s14] =	ssyncadd.s32 $0xFFFFFF80  }
0x62: {  	_ =	swait.ge [sflag:s14], $0x80  }
0x63: {  	s19 =	simm.s32 $0x1800;
	s18 =	simm.s32 $0xC00;
	[sflag:s14] =	ssyncset.done $0x0  }
.LBB2_2:
0x64: {  	s20 =	sshra.s32 s18, $0x2  }
0x65: {  	[sflag:s14] =	ssyncadd.s32 $0xFFFFFF80;
	s18 =	smov.u32 s19;
	s21 =	sadd.s32 $0xC00, s19  }
0x66: {  	[spmem:s2] =	stream.indirect.scatter.add.f32 [tilespmem:s13], [sflag:$0x1], $0x1, s20, s12, $0xb8;
	[tilespmem:$0x2180] =	vst v63  }
0x67: {  	p0 =	sne.s32 s19, $0x6000;
	s19 =	sadd.s32 $0x80, s20  }
0x68: {  	[spmem:s2] =	stream.indirect.scatter.add.f32 [tilespmem:s13], [sflag:$0x1], $0x1, s19, s12, $0xb8;
	[tilespmem:$0x2180] =	vst v63  }
0x69: {  	s19 =	sadd.s32 $0x100, s20  }
0x6a: {  	[spmem:s2] =	stream.indirect.scatter.add.f32 [tilespmem:s13], [sflag:$0x1], $0x1, s19, s12, $0xb8;
	[tilespmem:$0x2180] =	vst v63  }
0x6b: {  	s19 =	sadd.s32 $0x180, s20  }
0x6c: {  	[spmem:s2] =	stream.indirect.scatter.add.f32 [tilespmem:s13], [sflag:$0x1], $0x1, s19, s12, $0xb8;
	[tilespmem:$0x2180] =	vst v63  }
0x6d: {  	s19 =	sadd.s32 $0x200, s20  }
0x6e: {  	[spmem:s2] =	stream.indirect.scatter.add.f32 [tilespmem:s13], [sflag:$0x1], $0x1, s19, s12, $0xb8;
	[tilespmem:$0x2180] =	vst v63  }
0x6f: {  	s19 =	sadd.s32 $0x280, s20  }
0x70: {  	[spmem:s2] =	stream.indirect.scatter.add.f32 [tilespmem:s13], [sflag:$0x1], $0x1, s19, s12, $0xb8;
	[tilespmem:$0x2180] =	vst v63  }
0x71: {  	_ =	swait.ge [sflag:s14], $0x80  }
0x72: {  	[sflag:s14] =	ssyncset.done $0x0  }
0x73: {  	[sflag:s14] =	ssyncadd.s32 $0xFFFFFF80  }
0x74: {  	_ =	swait.ge [sflag:s14], $0x80  }
0x75: {  	[sflag:s14] =	ssyncset.done $0x0  }
0x76: {  	[sflag:s14] =	ssyncadd.s32 $0xFFFFFF80  }
0x77: {  	_ =	swait.ge [sflag:s14], $0x80  }
0x78: {  	[sflag:s14] =	ssyncset.done $0x0  }
0x79: {  	[sflag:s14] =	ssyncadd.s32 $0xFFFFFF80  }
0x7a: {  	_ =	swait.ge [sflag:s14], $0x80  }
0x7b: {  	[sflag:s14] =	ssyncset.done $0x0  }
0x7c: {  	[sflag:s14] =	ssyncadd.s32 $0xFFFFFF80  }
.Ltmp0:
0x7d: {  	_ =	swait.ge [sflag:s14], $0x80;
	(pc) =	sbr.rel @p0 .LBB2_2-.Ltmp0, $4  }
0x7e: {  	[sflag:s14] =	ssyncset.done $0x0  }
0x7f: {  	[sflag:s14] =	ssyncadd.s32 $0xFFFFFF80  }
0x80: {  	_ =	swait.ge [sflag:s14], $0x80  }
0x81: {  	s19 =	smov.u32 s21;
	[sflag:s14] =	ssyncset.done $0x0  }
0x82: {  	s18 =	sshra.s32 s18, $0x2;
	[sflag:s14] =	ssyncadd.s32 $0xFFFFFF80  }
0x83: {  	[spmem:s2] =	stream.indirect.scatter.add.f32 [tilespmem:s13], [sflag:$0x1], $0x1, s18, s12, $0xb8;
	[tilespmem:$0x2180] =	vst v63  }
0x84: {  	s19 =	sadd.s32 $0x80, s18  }
0x85: {  	[spmem:s2] =	stream.indirect.scatter.add.f32 [tilespmem:s13], [sflag:$0x1], $0x1, s19, s12, $0xb8;
	[tilespmem:$0x2180] =	vst v63  }
0x86: {  	s21 =	sadd.s32 $0x100, s18  }
0x87: {  	[spmem:s2] =	stream.indirect.scatter.add.f32 [tilespmem:s13], [sflag:$0x1], $0x1, s21, s12, $0xb8;
	[tilespmem:$0x2180] =	vst v63  }
0x88: {  	s22 =	sadd.s32 $0x180, s18  }
0x89: {  	[spmem:s2] =	stream.indirect.scatter.add.f32 [tilespmem:s13], [sflag:$0x1], $0x1, s22, s12, $0xb8;
	[tilespmem:$0x2180] =	vst v63  }
0x8a: {  	s23 =	sadd.s32 $0x200, s18  }
0x8b: {  	[spmem:s2] =	stream.indirect.scatter.add.f32 [tilespmem:s13], [sflag:$0x1], $0x1, s23, s12, $0xb8;
	[tilespmem:$0x2180] =	vst v63  }
0x8c: {  	s18 =	sadd.s32 $0x280, s18  }
0x8d: {  	[spmem:s2] =	stream.indirect.scatter.add.f32 [tilespmem:s13], [sflag:$0x1], $0x1, s18, s12, $0xb8;
	[tilespmem:$0x2180] =	vst v63  }
0x8e: {  	_ =	swait.ge [sflag:s14], $0x80  }
0x8f: {  	[sflag:s14] =	ssyncset.done $0x0  }
0x90: {  	[sflag:s14] =	ssyncadd.s32 $0xFFFFFF80  }
0x91: {  	_ =	swait.ge [sflag:s14], $0x80  }
0x92: {  	[sflag:s14] =	ssyncset.done $0x0  }
0x93: {  	[sflag:s14] =	ssyncadd.s32 $0xFFFFFF80  }
0x94: {  	_ =	swait.ge [sflag:s14], $0x80  }
0x95: {  	[sflag:s14] =	ssyncset.done $0x0  }
0x96: {  	[sflag:s14] =	ssyncadd.s32 $0xFFFFFF80  }
0x97: {  	_ =	swait.ge [sflag:s14], $0x80  }
0x98: {  	[sflag:s14] =	ssyncset.done $0x0  }
0x99: {  	[sflag:s14] =	ssyncadd.s32 $0xFFFFFF80  }
0x9a: {  	_ =	swait.ge [sflag:s14], $0x80  }
0x9b: {  	[sflag:s14] =	ssyncset.done $0x0  }
0x9c: {  	[sflag:s14] =	ssyncadd.s32 $0xFFFFFF80  }
0x9d: {  	_ =	swait.ge [sflag:s14], $0x80  }
0x9e: {  	[sflag:s14] =	ssyncset.done $0x0  }
0x9f: {  	s24 =	simm.s32 $0x0;
	[sflag:s14] =	ssyncadd.s32 $0xFFFFFF80  }
0xa0: {  	[tilespmem:s24], [sflag:$0x2] =	stream.linear.gather [hbm4b:s8+s24], $0x1B00, $0x38;
	[tilespmem:$0x2180] =	vst v63  }
0xa1: {  	_ =	swait.ge [sflag:s11], $0x1B00  }
0xa2: {  	[sflag:s11] =	ssyncset.done $0x0  }
0xa3: {  	s25 =	simm.s32 $0x0;
	[sflag:s11] =	ssyncadd.s32 $0xFFFFE500  }
0xa4: {  	[spmem:s2] =	stream.indirect.scatter.add.f32 [tilespmem:s13], [sflag:$0x1], $0x1, s25, s12, $0xb8;
	[tilespmem:$0x2180] =	vst v63  }
0xa5: {  	s26 =	simm.s32 $0x80  }
0xa6: {  	[spmem:s2] =	stream.indirect.scatter.add.f32 [tilespmem:s13], [sflag:$0x1], $0x1, s26, s12, $0xb8;
	[tilespmem:$0x2180] =	vst v63  }
0xa7: {  	s28 =	simm.s32 $0x100  }
0xa8: {  	[spmem:s2] =	stream.indirect.scatter.add.f32 [tilespmem:s13], [sflag:$0x1], $0x1, s28, s12, $0xb8;
	[tilespmem:$0x2180] =	vst v63  }
0xa9: {  	s29 =	simm.s32 $0x180  }
0xaa: {  	[spmem:s2] =	stream.indirect.scatter.add.f32 [tilespmem:s13], [sflag:$0x1], $0x1, s29, s12, $0xb8;
	[tilespmem:$0x2180] =	vst v63  }
0xab: {  	s30 =	simm.s32 $0x200  }
0xac: {  	[spmem:s2] =	stream.indirect.scatter.add.f32 [tilespmem:s13], [sflag:$0x1], $0x1, s30, s12, $0xb8;
	[tilespmem:$0x2180] =	vst v63  }
0xad: {  	s31 =	simm.s32 $0x280  }
0xae: {  	[spmem:s2] =	stream.indirect.scatter.add.f32 [tilespmem:s13], [sflag:$0x1], $0x1, s31, s12, $0xb8;
	[tilespmem:$0x2180] =	vst v63  }
0xaf: {  	_ =	swait.ge [sflag:s14], $0x80  }
0xb0: {  	[sflag:s14] =	ssyncset.done $0x0  }
0xb1: {  	[sflag:s14] =	ssyncadd.s32 $0xFFFFFF80  }
0xb2: {  	_ =	swait.ge [sflag:s14], $0x80  }
0xb3: {  	[sflag:s14] =	ssyncset.done $0x0  }
0xb4: {  	[sflag:s14] =	ssyncadd.s32 $0xFFFFFF80  }
0xb5: {  	_ =	swait.ge [sflag:s14], $0x80  }
0xb6: {  	[sflag:s14] =	ssyncset.done $0x0  }
0xb7: {  	[sflag:s14] =	ssyncadd.s32 $0xFFFFFF80  }
0xb8: {  	_ =	swait.ge [sflag:s14], $0x80  }
0xb9: {  	[sflag:s14] =	ssyncset.done $0x0  }
0xba: {  	[sflag:s14] =	ssyncadd.s32 $0xFFFFFF80  }
0xbb: {  	_ =	swait.ge [sflag:s14], $0x80  }
0xbc: {  	[sflag:s14] =	ssyncset.done $0x0  }
0xbd: {  	[sflag:s14] =	ssyncadd.s32 $0xFFFFFF80  }
0xbe: {  	_ =	swait.ge [sflag:s14], $0x80  }
0xbf: {  	s19 =	simm.s32 $0x1800;
	s18 =	simm.s32 $0xC00;
	[sflag:s14] =	ssyncset.done $0x0  }
.LBB2_4:
0xc0: {  	s20 =	sshra.s32 s18, $0x2  }
0xc1: {  	[sflag:s14] =	ssyncadd.s32 $0xFFFFFF80;
	s18 =	smov.u32 s19;
	s21 =	sadd.s32 $0xC00, s19  }
0xc2: {  	[spmem:s2] =	stream.indirect.scatter.add.f32 [tilespmem:s13], [sflag:$0x1], $0x1, s20, s12, $0xb8;
	[tilespmem:$0x2180] =	vst v63  }
0xc3: {  	p0 =	sne.s32 s19, $0x6000;
	s19 =	sadd.s32 $0x80, s20  }
0xc4: {  	[spmem:s2] =	stream.indirect.scatter.add.f32 [tilespmem:s13], [sflag:$0x1], $0x1, s19, s12, $0xb8;
	[tilespmem:$0x2180] =	vst v63  }
0xc5: {  	s19 =	sadd.s32 $0x100, s20  }
0xc6: {  	[spmem:s2] =	stream.indirect.scatter.add.f32 [tilespmem:s13], [sflag:$0x1], $0x1, s19, s12, $0xb8;
	[tilespmem:$0x2180] =	vst v63  }
0xc7: {  	s19 =	sadd.s32 $0x180, s20  }
0xc8: {  	[spmem:s2] =	stream.indirect.scatter.add.f32 [tilespmem:s13], [sflag:$0x1], $0x1, s19, s12, $0xb8;
	[tilespmem:$0x2180] =	vst v63  }
0xc9: {  	s19 =	sadd.s32 $0x200, s20  }
0xca: {  	[spmem:s2] =	stream.indirect.scatter.add.f32 [tilespmem:s13], [sflag:$0x1], $0x1, s19, s12, $0xb8;
	[tilespmem:$0x2180] =	vst v63  }
0xcb: {  	s19 =	sadd.s32 $0x280, s20  }
0xcc: {  	[spmem:s2] =	stream.indirect.scatter.add.f32 [tilespmem:s13], [sflag:$0x1], $0x1, s19, s12, $0xb8;
	[tilespmem:$0x2180] =	vst v63  }
0xcd: {  	_ =	swait.ge [sflag:s14], $0x80  }
0xce: {  	[sflag:s14] =	ssyncset.done $0x0  }
0xcf: {  	[sflag:s14] =	ssyncadd.s32 $0xFFFFFF80  }
0xd0: {  	_ =	swait.ge [sflag:s14], $0x80  }
0xd1: {  	[sflag:s14] =	ssyncset.done $0x0  }
0xd2: {  	[sflag:s14] =	ssyncadd.s32 $0xFFFFFF80  }
0xd3: {  	_ =	swait.ge [sflag:s14], $0x80  }
0xd4: {  	[sflag:s14] =	ssyncset.done $0x0  }
0xd5: {  	[sflag:s14] =	ssyncadd.s32 $0xFFFFFF80  }
0xd6: {  	_ =	swait.ge [sflag:s14], $0x80  }
0xd7: {  	[sflag:s14] =	ssyncset.done $0x0  }
0xd8: {  	[sflag:s14] =	ssyncadd.s32 $0xFFFFFF80  }
.Ltmp1:
0xd9: {  	_ =	swait.ge [sflag:s14], $0x80;
	(pc) =	sbr.rel @p0 .LBB2_4-.Ltmp1, $4  }
0xda: {  	[sflag:s14] =	ssyncset.done $0x0  }
0xdb: {  	[sflag:s14] =	ssyncadd.s32 $0xFFFFFF80  }
0xdc: {  	_ =	swait.ge [sflag:s14], $0x80  }
0xdd: {  	s19 =	smov.u32 s21;
	[sflag:s14] =	ssyncset.done $0x0  }
0xde: {  	s18 =	sshra.s32 s18, $0x2;
	[sflag:s14] =	ssyncadd.s32 $0xFFFFFF80  }
0xdf: {  	[spmem:s2] =	stream.indirect.scatter.add.f32 [tilespmem:s13], [sflag:$0x1], $0x1, s18, s12, $0xb8;
	[tilespmem:$0x2180] =	vst v63  }
0xe0: {  	s19 =	sadd.s32 $0x80, s18  }
0xe1: {  	[spmem:s2] =	stream.indirect.scatter.add.f32 [tilespmem:s13], [sflag:$0x1], $0x1, s19, s12, $0xb8;
	[tilespmem:$0x2180] =	vst v63  }
0xe2: {  	s21 =	sadd.s32 $0x100, s18  }
0xe3: {  	[spmem:s2] =	stream.indirect.scatter.add.f32 [tilespmem:s13], [sflag:$0x1], $0x1, s21, s12, $0xb8;
	[tilespmem:$0x2180] =	vst v63  }
0xe4: {  	s22 =	sadd.s32 $0x180, s18  }
0xe5: {  	[spmem:s2] =	stream.indirect.scatter.add.f32 [tilespmem:s13], [sflag:$0x1], $0x1, s22, s12, $0xb8;
	[tilespmem:$0x2180] =	vst v63  }
0xe6: {  	s23 =	sadd.s32 $0x200, s18  }
0xe7: {  	[spmem:s2] =	stream.indirect.scatter.add.f32 [tilespmem:s13], [sflag:$0x1], $0x1, s23, s12, $0xb8;
	[tilespmem:$0x2180] =	vst v63  }
0xe8: {  	s18 =	sadd.s32 $0x280, s18  }
0xe9: {  	[spmem:s2] =	stream.indirect.scatter.add.f32 [tilespmem:s13], [sflag:$0x1], $0x1, s18, s12, $0xb8;
	[tilespmem:$0x2180] =	vst v63  }
0xea: {  	_ =	swait.ge [sflag:s14], $0x80  }
0xeb: {  	[sflag:s14] =	ssyncset.done $0x0  }
0xec: {  	[sflag:s14] =	ssyncadd.s32 $0xFFFFFF80  }
0xed: {  	_ =	swait.ge [sflag:s14], $0x80  }
0xee: {  	[sflag:s14] =	ssyncset.done $0x0  }
0xef: {  	[sflag:s14] =	ssyncadd.s32 $0xFFFFFF80  }
0xf0: {  	_ =	swait.ge [sflag:s14], $0x80  }
0xf1: {  	[sflag:s14] =	ssyncset.done $0x0  }
0xf2: {  	[sflag:s14] =	ssyncadd.s32 $0xFFFFFF80  }
0xf3: {  	_ =	swait.ge [sflag:s14], $0x80  }
0xf4: {  	[sflag:s14] =	ssyncset.done $0x0  }
0xf5: {  	[sflag:s14] =	ssyncadd.s32 $0xFFFFFF80  }
0xf6: {  	_ =	swait.ge [sflag:s14], $0x80  }
0xf7: {  	[sflag:s14] =	ssyncset.done $0x0  }
0xf8: {  	[sflag:s14] =	ssyncadd.s32 $0xFFFFFF80  }
0xf9: {  	_ =	swait.ge [sflag:s14], $0x80  }
0xfa: {  	[sflag:s14] =	ssyncset.done $0x0  }
0xfb: {  	s24 =	simm.s32 $0x0;
	[sflag:s14] =	ssyncadd.s32 $0xFFFFFF80  }
0xfc: {  	[tilespmem:s24], [sflag:$0x2] =	stream.linear.gather [hbm4b:s9+s24], $0x1B00, $0x38;
	[tilespmem:$0x2180] =	vst v63  }
0xfd: {  	_ =	swait.ge [sflag:s11], $0x1B00  }
0xfe: {  	[sflag:s11] =	ssyncset.done $0x0  }
0xff: {  	s25 =	simm.s32 $0x0;
	[sflag:s11] =	ssyncadd.s32 $0xFFFFE500  }
0x100: {  	[spmem:s2] =	stream.indirect.scatter.add.f32 [tilespmem:s13], [sflag:$0x1], $0x1, s25, s12, $0xb8;
	[tilespmem:$0x2180] =	vst v63  }
0x101: {  	s26 =	simm.s32 $0x80  }
0x102: {  	[spmem:s2] =	stream.indirect.scatter.add.f32 [tilespmem:s13], [sflag:$0x1], $0x1, s26, s12, $0xb8;
	[tilespmem:$0x2180] =	vst v63  }
0x103: {  	s28 =	simm.s32 $0x100  }
0x104: {  	[spmem:s2] =	stream.indirect.scatter.add.f32 [tilespmem:s13], [sflag:$0x1], $0x1, s28, s12, $0xb8;
	[tilespmem:$0x2180] =	vst v63  }
0x105: {  	s29 =	simm.s32 $0x180  }
0x106: {  	[spmem:s2] =	stream.indirect.scatter.add.f32 [tilespmem:s13], [sflag:$0x1], $0x1, s29, s12, $0xb8;
	[tilespmem:$0x2180] =	vst v63  }
0x107: {  	s30 =	simm.s32 $0x200  }
0x108: {  	[spmem:s2] =	stream.indirect.scatter.add.f32 [tilespmem:s13], [sflag:$0x1], $0x1, s30, s12, $0xb8;
	[tilespmem:$0x2180] =	vst v63  }
0x109: {  	s31 =	simm.s32 $0x280  }
0x10a: {  	[spmem:s2] =	stream.indirect.scatter.add.f32 [tilespmem:s13], [sflag:$0x1], $0x1, s31, s12, $0xb8;
	[tilespmem:$0x2180] =	vst v63  }
0x10b: {  	_ =	swait.ge [sflag:s14], $0x80  }
0x10c: {  	[sflag:s14] =	ssyncset.done $0x0  }
0x10d: {  	[sflag:s14] =	ssyncadd.s32 $0xFFFFFF80  }
0x10e: {  	_ =	swait.ge [sflag:s14], $0x80  }
0x10f: {  	[sflag:s14] =	ssyncset.done $0x0  }
0x110: {  	[sflag:s14] =	ssyncadd.s32 $0xFFFFFF80  }
0x111: {  	_ =	swait.ge [sflag:s14], $0x80  }
0x112: {  	[sflag:s14] =	ssyncset.done $0x0  }
0x113: {  	[sflag:s14] =	ssyncadd.s32 $0xFFFFFF80  }
0x114: {  	_ =	swait.ge [sflag:s14], $0x80  }
0x115: {  	[sflag:s14] =	ssyncset.done $0x0  }
0x116: {  	[sflag:s14] =	ssyncadd.s32 $0xFFFFFF80  }
0x117: {  	_ =	swait.ge [sflag:s14], $0x80  }
0x118: {  	[sflag:s14] =	ssyncset.done $0x0  }
0x119: {  	[sflag:s14] =	ssyncadd.s32 $0xFFFFFF80  }
0x11a: {  	_ =	swait.ge [sflag:s14], $0x80  }
0x11b: {  	s19 =	simm.s32 $0x1800;
	s18 =	simm.s32 $0xC00;
	[sflag:s14] =	ssyncset.done $0x0  }
.LBB2_6:
0x11c: {  	s20 =	sshra.s32 s18, $0x2  }
0x11d: {  	[sflag:s14] =	ssyncadd.s32 $0xFFFFFF80;
	s18 =	smov.u32 s19;
	s21 =	sadd.s32 $0xC00, s19  }
0x11e: {  	[spmem:s2] =	stream.indirect.scatter.add.f32 [tilespmem:s13], [sflag:$0x1], $0x1, s20, s12, $0xb8;
	[tilespmem:$0x2180] =	vst v63  }
0x11f: {  	p0 =	sne.s32 s19, $0x6000;
	s19 =	sadd.s32 $0x80, s20  }
0x120: {  	[spmem:s2] =	stream.indirect.scatter.add.f32 [tilespmem:s13], [sflag:$0x1], $0x1, s19, s12, $0xb8;
	[tilespmem:$0x2180] =	vst v63  }
0x121: {  	s19 =	sadd.s32 $0x100, s20  }
0x122: {  	[spmem:s2] =	stream.indirect.scatter.add.f32 [tilespmem:s13], [sflag:$0x1], $0x1, s19, s12, $0xb8;
	[tilespmem:$0x2180] =	vst v63  }
0x123: {  	s19 =	sadd.s32 $0x180, s20  }
0x124: {  	[spmem:s2] =	stream.indirect.scatter.add.f32 [tilespmem:s13], [sflag:$0x1], $0x1, s19, s12, $0xb8;
	[tilespmem:$0x2180] =	vst v63  }
0x125: {  	s19 =	sadd.s32 $0x200, s20  }
0x126: {  	[spmem:s2] =	stream.indirect.scatter.add.f32 [tilespmem:s13], [sflag:$0x1], $0x1, s19, s12, $0xb8;
	[tilespmem:$0x2180] =	vst v63  }
0x127: {  	s19 =	sadd.s32 $0x280, s20  }
0x128: {  	[spmem:s2] =	stream.indirect.scatter.add.f32 [tilespmem:s13], [sflag:$0x1], $0x1, s19, s12, $0xb8;
	[tilespmem:$0x2180] =	vst v63  }
0x129: {  	_ =	swait.ge [sflag:s14], $0x80  }
0x12a: {  	[sflag:s14] =	ssyncset.done $0x0  }
0x12b: {  	[sflag:s14] =	ssyncadd.s32 $0xFFFFFF80  }
0x12c: {  	_ =	swait.ge [sflag:s14], $0x80  }
0x12d: {  	[sflag:s14] =	ssyncset.done $0x0  }
0x12e: {  	[sflag:s14] =	ssyncadd.s32 $0xFFFFFF80  }
0x12f: {  	_ =	swait.ge [sflag:s14], $0x80  }
0x130: {  	[sflag:s14] =	ssyncset.done $0x0  }
0x131: {  	[sflag:s14] =	ssyncadd.s32 $0xFFFFFF80  }
0x132: {  	_ =	swait.ge [sflag:s14], $0x80  }
0x133: {  	[sflag:s14] =	ssyncset.done $0x0  }
0x134: {  	[sflag:s14] =	ssyncadd.s32 $0xFFFFFF80  }
.Ltmp2:
0x135: {  	_ =	swait.ge [sflag:s14], $0x80;
	(pc) =	sbr.rel @p0 .LBB2_6-.Ltmp2, $4  }
0x136: {  	[sflag:s14] =	ssyncset.done $0x0  }
0x137: {  	[sflag:s14] =	ssyncadd.s32 $0xFFFFFF80  }
0x138: {  	_ =	swait.ge [sflag:s14], $0x80  }
0x139: {  	s19 =	smov.u32 s21;
	[sflag:s14] =	ssyncset.done $0x0  }
0x13a: {  	s18 =	sshra.s32 s18, $0x2;
	[sflag:s14] =	ssyncadd.s32 $0xFFFFFF80  }
0x13b: {  	[spmem:s2] =	stream.indirect.scatter.add.f32 [tilespmem:s13], [sflag:$0x1], $0x1, s18, s12, $0xb8;
	[tilespmem:$0x2180] =	vst v63  }
0x13c: {  	s19 =	sadd.s32 $0x80, s18  }
0x13d: {  	[spmem:s2] =	stream.indirect.scatter.add.f32 [tilespmem:s13], [sflag:$0x1], $0x1, s19, s12, $0xb8;
	[tilespmem:$0x2180] =	vst v63  }
0x13e: {  	s29 =	sadd.s32 $0x100, s18  }
0x13f: {  	[spmem:s2] =	stream.indirect.scatter.add.f32 [tilespmem:s13], [sflag:$0x1], $0x1, s29, s12, $0xb8;
	[tilespmem:$0x2180] =	vst v63  }
0x140: {  	s30 =	sadd.s32 $0x180, s18  }
0x141: {  	[spmem:s2] =	stream.indirect.scatter.add.f32 [tilespmem:s13], [sflag:$0x1], $0x1, s30, s12, $0xb8;
	[tilespmem:$0x2180] =	vst v63  }
0x142: {  	s31 =	sadd.s32 $0x200, s18  }
0x143: {  	[spmem:s2] =	stream.indirect.scatter.add.f32 [tilespmem:s13], [sflag:$0x1], $0x1, s31, s12, $0xb8;
	[tilespmem:$0x2180] =	vst v63  }
0x144: {  	s18 =	sadd.s32 $0x280, s18  }
0x145: {  	[spmem:s2] =	stream.indirect.scatter.add.f32 [tilespmem:s13], [sflag:$0x1], $0x1, s18, s12, $0xb8;
	[tilespmem:$0x2180] =	vst v63  }
0x146: {  	_ =	swait.ge [sflag:s14], $0x80  }
0x147: {  	[sflag:s14] =	ssyncset.done $0x0  }
0x148: {  	[sflag:s14] =	ssyncadd.s32 $0xFFFFFF80  }
0x149: {  	_ =	swait.ge [sflag:s14], $0x80  }
0x14a: {  	[sflag:s14] =	ssyncset.done $0x0  }
0x14b: {  	[sflag:s14] =	ssyncadd.s32 $0xFFFFFF80  }
0x14c: {  	_ =	swait.ge [sflag:s14], $0x80  }
0x14d: {  	[sflag:s14] =	ssyncset.done $0x0  }
0x14e: {  	[sflag:s14] =	ssyncadd.s32 $0xFFFFFF80  }
0x14f: {  	_ =	swait.ge [sflag:s14], $0x80  }
0x150: {  	[sflag:s14] =	ssyncset.done $0x0  }
0x151: {  	[sflag:s14] =	ssyncadd.s32 $0xFFFFFF80  }
0x152: {  	_ =	swait.ge [sflag:s14], $0x80  }
0x153: {  	[sflag:s14] =	ssyncset.done $0x0  }
0x154: {  	[sflag:s14] =	ssyncadd.s32 $0xFFFFFF80  }
0x155: {  	_ =	swait.ge [sflag:s14], $0x80  }
0x156: {  	s17 =	sadd.s32 $0x1, s17;
	[sflag:s14] =	ssyncset.done $0x0  }
0x157: {  	p0 =	sne.s32 s17, s6;
	[sflag:s14] =	ssyncadd.s32 $0xFFFFFF80  }
.Ltmp3:
0x158: {  	[bflag:$0x0] =	sbarrier.arrive $0xFFFF;
	(pc) =	sbr.rel @p0 .LBB2_1-.Ltmp3, $4  }
0x159: {  	[hbm:s5], [sflag:s15] =	dma.local [spmem:s16], $0x50  }
0x15a: {  	_ =	swait.ge [sflag:s11], $0x50  }
0x15b: {  	[sflag:s11] =	ssyncset.done $0x0  }
0x15c: {  	[sflag:s11] =	ssyncadd.s32 $0xFFFFFFB0  }
0x15d: {  	_ =	sfence.sel $0x180000  }
0x15e: {  	[bflag:$0x0] =	sbarrier.arrive $0xFFFF  }
0x15f: {  	p0 =	sne.s32 s0, $0x0;
	_ =	strace $0x90000047  }
0x160: {  	s0 =	sadd.s32 @!p0 $0x100000, s1;
	[bflag:$0x2] =	sbarrier.arrive $0xFFFF  }
0x161: {  	[sflag:s0] =	ssyncadd.tile.s32 @!p0 $0x1;
	_ =	shalt  }
.Lfunc_end2:
_tile_overlayer_lowered:
.L_overlay_start_2:
0x162: {  	(tag) =	ssettag $0x2  }
0x163: {  	s0 =	rddreg [dreg:$0x0];
	s2 =	stileid.u32  }
0x164: {  	s1 =	rddreg [dreg:$0x1];
	p0 =	sne.s32 s2, $0x0  }
0x165: {  	s3 =	rddreg [dreg:$0x2];
	[bflag:$0x3] =	sbarrier.arrive $0xFFFF;
	s2 =	simm.s32 @!p0 $0x1C02  }
0x166: {  	[timem:s3], [sflag:s2] =	dma.local @!p0 [hbm:s0], s1  }
0x167: {  	s0 =	simm.s32 @!p0 $0x2  }
0x168: {  	_ =	swait.ge @!p0 [sflag:s0], s1  }
0x169: {  	s1 =	ssub.s32 @!p0 $0x0, s1;
	[sflag:s0] =	ssyncset.done @!p0 $0x0  }
0x16a: {  	[sflag:s0] =	ssyncadd.s32 @!p0 s1  }
0x16b: {  	[bflag:$0x3] =	sbarrier.arrive $0xFFFF  }
0x16c: {  	_ =	shalt  }

</sc_bundles>
